<compile_context>
chip_gen: v7x
topology: tpu7x:2x2x1
jax: 0.10.2.dev20260603
libtpu: 0.0.44.dev20260713+nightly
codegen_flags: <defaults>
</compile_context>

<pallas_src>
import jax
import jax.numpy as jnp
from jax import lax
from jax.experimental import pallas as pl
from jax.experimental.pallas import tpu as pltpu
from jax.experimental.pallas import tpu_sc as plsc

S, H = 2048, 1024
NH, HD = 16, 64
E, TOPK, DFF = 8, 2, 1024
LN_EPS = 1e-5

QT = 512
KT = 512
RT = 512

MT = 256
TP = 2 * S + E * MT
NTILE = TP // MT
NW = 32
TPW = S // NW


def _ln(x, w, b):
    mu = jnp.mean(x, axis=-1, keepdims=True)
    var = jnp.mean((x - mu) ** 2, axis=-1, keepdims=True)
    return (x - mu) * jax.lax.rsqrt(var + LN_EPS) * w + b


def _k12_body(x_ref, lw_ref, lb_ref, w_ref, o_ref, qkv_scr):
    i = pl.program_id(0)

    @pl.when(i < S // RT)
    def _():
        ln = _ln(x_ref[...], lw_ref[...], lb_ref[...])
        qkv_t = jnp.dot(ln.astype(jnp.bfloat16), w_ref[...].T,
                        preferred_element_type=jnp.float32).astype(jnp.bfloat16)
        for c in range(3 * H // 128):
            qkv_scr[c, pl.ds(i * RT, RT), :] = qkv_t[:, c * 128:(c + 1) * 128]

    @pl.when(i >= S // RT)
    def _():
        h = i - S // RT
        scale = 1.0 / (HD ** 0.5)
        ones = jnp.ones((KT, 1), jnp.bfloat16)
        for hh in range(2):
            sl = slice(hh * HD, (hh + 1) * HD)
            for qi in range(S // QT):
                q = (qkv_scr[h, pl.ds(qi * QT, QT), sl].astype(jnp.float32)
                     * scale).astype(jnp.bfloat16)
                l0 = jnp.zeros((QT, 1), jnp.float32)
                a0 = jnp.zeros((QT, HD), jnp.float32)

                def step(j, carry):
                    l, acc = carry
                    kj = qkv_scr[8 + h, pl.ds(j * KT, KT), sl]
                    vj = qkv_scr[16 + h, pl.ds(j * KT, KT), sl]
                    s = jax.lax.dot_general(q, kj, (((1,), (1,)), ((), ())),
                                            preferred_element_type=jnp.float32)
                    p = jnp.exp(s).astype(jnp.bfloat16)
                    l = l + jnp.dot(p, ones, preferred_element_type=jnp.float32)
                    acc = acc + jnp.dot(p, vj, preferred_element_type=jnp.float32)
                    return l, acc

                l, acc = jax.lax.fori_loop(0, qi, step, (l0, a0), unroll=2)

                kj = qkv_scr[8 + h, pl.ds(qi * KT, KT), sl]
                vj = qkv_scr[16 + h, pl.ds(qi * KT, KT), sl]
                s = jax.lax.dot_general(q, kj, (((1,), (1,)), ((), ())),
                                        preferred_element_type=jnp.float32)
                rows = jax.lax.broadcasted_iota(jnp.int32, (QT, KT), 0)
                cols = jax.lax.broadcasted_iota(jnp.int32, (QT, KT), 1)
                p = jnp.where(rows >= cols, jnp.exp(s), 0.0).astype(jnp.bfloat16)
                l = l + jnp.dot(p, ones, preferred_element_type=jnp.float32)
                acc = acc + jnp.dot(p, vj, preferred_element_type=jnp.float32)

                o_ref[pl.ds(qi * QT, QT), sl] = (acc / l).astype(jnp.bfloat16)


def _k12(x, lw, lb, wbf):
    return pl.pallas_call(
        _k12_body,
        grid=(S // RT + NH // 2,),
        in_specs=[
            pl.BlockSpec((RT, H), lambda i: (jnp.minimum(i, S // RT - 1), 0)),
            pl.BlockSpec((H,), lambda i: (0,)),
            pl.BlockSpec((H,), lambda i: (0,)),
            pl.BlockSpec((3 * H, H), lambda i: (0, 0)),
        ],
        out_specs=pl.BlockSpec((S, 2 * HD),
                               lambda i: (0, jnp.maximum(i - S // RT, 0))),
        out_shape=jax.ShapeDtypeStruct((S, H), jnp.bfloat16),
        scratch_shapes=[pltpu.VMEM((3 * H // 128, S, 128), jnp.bfloat16)],
    )(x, lw, lb, wbf)


def _k3_body(a_ref, x_ref, pw_ref, lw_ref, lb_ref, rw_ref,
             h2_ref, flat_ref, de_ref, do_ref, te_ref, gg_ref,
             g_scr):
    i = pl.program_id(0)
    proj = jnp.dot(a_ref[...], pw_ref[...].T, preferred_element_type=jnp.float32)
    h2 = x_ref[...] + proj
    h2_ref[...] = h2
    flat = _ln(h2, lw_ref[...], lb_ref[...])
    fb = flat.astype(jnp.bfloat16)
    lo = jax.lax.bitcast_convert_type(fb[:, :H // 2], jnp.uint16
                                      ).astype(jnp.uint32)
    hi = jax.lax.bitcast_convert_type(fb[:, H // 2:], jnp.uint16
                                      ).astype(jnp.uint32)
    flat_ref[...] = jax.lax.bitcast_convert_type(lo | (hi << 16), jnp.int32)
    logits = jax.lax.dot_general(
        flat, rw_ref[...], (((1,), (1,)), ((), ())),
        preferred_element_type=jnp.float32,
        precision=jax.lax.Precision.HIGHEST)
    m = jnp.max(logits, axis=1, keepdims=True)
    ex = jnp.exp(logits - m)
    p = ex / jnp.sum(ex, axis=1, keepdims=True)
    m1 = jnp.max(logits, axis=1, keepdims=True)
    l2 = jnp.where(logits == m1, -jnp.inf, logits)
    m2 = jnp.max(l2, axis=1, keepdims=True)
    mask = logits >= m2
    g_scr[pl.ds(i * RT, RT), :] = jnp.where(mask, p, 0.0)

    @pl.when(i == S // RT - 1)
    def _():
        g = g_scr[...]
        ecol = jax.lax.broadcasted_iota(jnp.int32, (S, E), 1)
        m1 = jnp.max(g, axis=1, keepdims=True)
        i1 = jnp.min(jnp.where(g == m1, ecol, E), axis=1, keepdims=True)
        o1 = (ecol == i1).astype(jnp.float32)
        g2 = jnp.where(o1 > 0, -1.0, g)
        m2 = jnp.max(g2, axis=1, keepdims=True)
        i2 = jnp.min(jnp.where(g2 == m2, ecol, E), axis=1, keepdims=True)
        o2 = (ecol == i2).astype(jnp.float32)
        o = o1 + o2

        r_iota = jax.lax.broadcasted_iota(jnp.int32, (S, S), 0)
        c_iota = jax.lax.broadcasted_iota(jnp.int32, (S, S), 1)
        tril = (r_iota > c_iota).astype(jnp.bfloat16)
        cexcl = jnp.dot(tril, o.astype(jnp.bfloat16),
                        preferred_element_type=jnp.float32)

        counts = jnp.sum(o, axis=0, keepdims=True)
        cpad = jnp.ceil(counts / MT) * MT
        ee_r = jax.lax.broadcasted_iota(jnp.int32, (E, E), 0)
        ee_c = jax.lax.broadcasted_iota(jnp.int32, (E, E), 1)
        mo = (ee_r < ee_c).astype(jnp.float32)
        offs = jnp.dot(cpad, mo, preferred_element_type=jnp.float32)

        pos = cexcl + offs
        de_ref[...] = jnp.sum(o1 * pos, axis=1, keepdims=True).astype(jnp.int32)
        do_ref[...] = jnp.sum(o2 * pos, axis=1, keepdims=True).astype(jnp.int32)

        tstart = (jax.lax.broadcasted_iota(jnp.int32, (NTILE, E), 0) * MT
                  ).astype(jnp.float32)
        te_ref[...] = (jnp.sum((offs <= tstart).astype(jnp.int32), axis=1,
                               keepdims=True) - 1)

        gg_ref[...] = jnp.concatenate(
            [m1, jnp.maximum(m2, 0.0)], axis=1)


def _k3(attn, x, pwbf, lw, lb, rw):
    return pl.pallas_call(
        _k3_body,
        grid=(S // RT,),
        in_specs=[
            pl.BlockSpec((RT, H), lambda i: (i, 0)),
            pl.BlockSpec((RT, H), lambda i: (i, 0)),
            pl.BlockSpec((H, H), lambda i: (0, 0)),
            pl.BlockSpec((H,), lambda i: (0,)),
            pl.BlockSpec((H,), lambda i: (0,)),
            pl.BlockSpec((E, H), lambda i: (0, 0)),
        ],
        out_specs=[
            pl.BlockSpec((RT, H), lambda i: (i, 0)),
            pl.BlockSpec((RT, H // 2), lambda i: (i, 0)),
            pl.BlockSpec((S, 1), lambda i: (0, 0)),
            pl.BlockSpec((S, 1), lambda i: (0, 0)),
            pl.BlockSpec((NTILE, 1), lambda i: (0, 0)),
            pl.BlockSpec((S, 2), lambda i: (0, 0)),
        ],
        out_shape=[
            jax.ShapeDtypeStruct((S, H), jnp.float32),
            jax.ShapeDtypeStruct((S, H // 2), jnp.int32),
            jax.ShapeDtypeStruct((S, 1), jnp.int32),
            jax.ShapeDtypeStruct((S, 1), jnp.int32),
            jax.ShapeDtypeStruct((NTILE, 1), jnp.int32),
            jax.ShapeDtypeStruct((S, 2), jnp.float32),
        ],
        scratch_shapes=[pltpu.VMEM((S, E), jnp.float32)],
    )(attn, x, pwbf, lw, lb, rw)


def _sc_dispatch_body(flat, de, do, xs, bufx, dev, dov, sem):
    wid = lax.axis_index("s") * 2 + lax.axis_index("c")
    base = wid * TPW
    pltpu.sync_copy(de.at[pl.ds(base, TPW)], dev)
    pltpu.sync_copy(do.at[pl.ds(base, TPW)], dov)
    pltpu.sync_copy(flat.at[pl.ds(base, TPW)], bufx)
    cp1 = pltpu.async_copy(bufx, xs.at[dev], sem)
    cp2 = pltpu.async_copy(bufx, xs.at[dov], sem)
    cp1.wait()
    cp2.wait()


def _sc_dispatch(flat, de, do):
    return pl.kernel(
        _sc_dispatch_body,
        out_type=jax.ShapeDtypeStruct((TP, H // 2), jnp.int32),
        mesh=plsc.VectorSubcoreMesh(core_axis_name="c", subcore_axis_name="s"),
        scratch_types=[
            pltpu.VMEM((TPW, H // 2), jnp.int32),
            pltpu.VMEM((TPW,), jnp.int32),
            pltpu.VMEM((TPW,), jnp.int32),
            pltpu.SemaphoreType.DMA,
        ],
    )(flat, de, do)


def _k6_body(te_ref, xs_ref, w1l_ref, w1h_ref, w2_ref, ys_ref):
    u = jax.lax.bitcast_convert_type(xs_ref[...], jnp.uint32)
    x_lo = jax.lax.bitcast_convert_type(
        (u & 0xFFFF).astype(jnp.uint16), jnp.bfloat16)
    x_hi = jax.lax.bitcast_convert_type(
        (u >> 16).astype(jnp.uint16), jnp.bfloat16)
    h = (jax.lax.dot_general(x_lo, w1l_ref[0], (((1,), (1,)), ((), ())),
                             preferred_element_type=jnp.float32)
         + jax.lax.dot_general(x_hi, w1h_ref[0], (((1,), (1,)), ((), ())),
                               preferred_element_type=jnp.float32))
    h = h * jax.nn.sigmoid(h)
    ys_ref[...] = jax.lax.dot_general(
        h.astype(jnp.bfloat16), w2_ref[0], (((1,), (1,)), ((), ())),
        preferred_element_type=jnp.float32)


def _k6(te, xs, w1lbf, w1hbf, w2bf):
    grid_spec = pltpu.PrefetchScalarGridSpec(
        num_scalar_prefetch=1,
        grid=(NTILE,),
        in_specs=[
            pl.BlockSpec((MT, H // 2), lambda i, te: (i, 0)),
            pl.BlockSpec((1, DFF, H // 2), lambda i, te: (te[i], 0, 0)),
            pl.BlockSpec((1, DFF, H // 2), lambda i, te: (te[i], 0, 0)),
            pl.BlockSpec((1, H, DFF), lambda i, te: (te[i], 0, 0)),
        ],
        out_specs=pl.BlockSpec((MT, H), lambda i, te: (i, 0)),
    )
    return pl.pallas_call(
        _k6_body,
        grid_spec=grid_spec,
        out_shape=jax.ShapeDtypeStruct((TP, H), jnp.float32),
    )(te, xs, w1lbf, w1hbf, w2bf)


def _sc_combine_body(ys, de, do, y0g, y1g, bufa, dev, dov, sem):
    wid = lax.axis_index("s") * 2 + lax.axis_index("c")
    base = wid * TPW
    pltpu.sync_copy(de.at[pl.ds(base, TPW)], dev)
    pltpu.sync_copy(do.at[pl.ds(base, TPW)], dov)
    pltpu.async_copy(ys.at[dev], bufa, sem).wait()
    pltpu.sync_copy(bufa, y0g.at[pl.ds(base, TPW)])
    pltpu.async_copy(ys.at[dov], bufa, sem).wait()
    pltpu.sync_copy(bufa, y1g.at[pl.ds(base, TPW)])


def _sc_combine(ys, de, do):
    return pl.kernel(
        _sc_combine_body,
        out_type=[
            jax.ShapeDtypeStruct((S, H), jnp.float32),
            jax.ShapeDtypeStruct((S, H), jnp.float32),
        ],
        mesh=plsc.VectorSubcoreMesh(core_axis_name="c", subcore_axis_name="s"),
        scratch_types=[
            pltpu.VMEM((TPW, H), jnp.float32),
            pltpu.VMEM((TPW,), jnp.int32),
            pltpu.VMEM((TPW,), jnp.int32),
            pltpu.SemaphoreType.DMA,
        ],
    )(ys, de, do)


def _k7_body(h2_ref, a_ref, b_ref, g_ref, out_ref):
    g = g_ref[...]
    out_ref[...] = (h2_ref[...] + a_ref[...] * g[:, 0:1]
                    + b_ref[...] * g[:, 1:2])


def _k7(h2, y0g, y1g, gg):
    return pl.pallas_call(
        _k7_body,
        grid=(S // RT,),
        in_specs=[pl.BlockSpec((RT, H), lambda i: (i, 0))] * 3
        + [pl.BlockSpec((RT, 2), lambda i: (i, 0))],
        out_specs=pl.BlockSpec((RT, H), lambda i: (i, 0)),
        out_shape=jax.ShapeDtypeStruct((S, H), jnp.float32),
    )(h2, y0g, y1g, gg)


def _k4_body(flat_ref, gate_ref, h2_ref, w1_ref, w2_ref, out_ref):
    e = pl.program_id(0)
    onehot = (jax.lax.broadcasted_iota(jnp.int32, (E, 1), 0) == e
              ).astype(jnp.float32)
    g = jnp.dot(gate_ref[...], onehot, preferred_element_type=jnp.float32)
    x = flat_ref[...].astype(jnp.bfloat16)
    h = jax.lax.dot_general(x, w1_ref[0], (((1,), (1,)), ((), ())),
                            preferred_element_type=jnp.float32)
    h = h * jax.nn.sigmoid(h) * g
    y = jax.lax.dot_general(h.astype(jnp.bfloat16), w2_ref[0],
                            (((1,), (1,)), ((), ())),
                            preferred_element_type=jnp.float32)

    @pl.when(e == 0)
    def _():
        out_ref[...] = h2_ref[...] + y

    @pl.when(e > 0)
    def _():
        out_ref[...] += y


def _k4(flat, gate, h2, w1bf, w2bf):
    return pl.pallas_call(
        _k4_body,
        grid=(E,),
        in_specs=[
            pl.BlockSpec((S, H), lambda e: (0, 0)),
            pl.BlockSpec((S, E), lambda e: (0, 0)),
            pl.BlockSpec((S, H), lambda e: (0, 0)),
            pl.BlockSpec((1, DFF, H), lambda e: (e, 0, 0)),
            pl.BlockSpec((1, H, DFF), lambda e: (e, 0, 0)),
        ],
        out_specs=pl.BlockSpec((S, H), lambda e: (0, 0)),
        out_shape=jax.ShapeDtypeStruct((S, H), jnp.float32),
    )(flat, gate, h2, w1bf, w2bf)


def kernel(hidden_states, ln1_weight, ln1_bias, ln2_weight, ln2_bias,
           qkv_weight, proj_weight, router_weight, moe_w1, moe_w2):
    x = hidden_states.reshape(S, H)
    attn = _k12(x, ln1_weight, ln1_bias, qkv_weight.astype(jnp.bfloat16))
    h2, flat, de, do, te, gg = _k3(
        attn, x, proj_weight.astype(jnp.bfloat16),
        ln2_weight, ln2_bias, router_weight)
    de, do, te = de.reshape(S), do.reshape(S), te.reshape(NTILE)
    xs = _sc_dispatch(flat, de, do)
    w1bf = moe_w1.astype(jnp.bfloat16)
    ys = _k6(te, xs, w1bf[:, :, :H // 2], w1bf[:, :, H // 2:],
             moe_w2.astype(jnp.bfloat16))
    y0g, y1g = _sc_combine(ys, de, do)
    out = _k7(h2, y0g, y1g, gg)
    return out.reshape(S, 1, H)

# --- scband reference (transcript-rebuilt; emitter-appended) ---
"""Pipeline reference for scband-transformer-layer-1108101563210 (READ-ONLY COPY).

The authoritative reference and input builder live on the scoring server;
editing this copy changes nothing except your own understanding.
"""

import jax, jax.numpy as jnp
import numpy as np

S, B, H = 2048, 1, 1024
NH, NKV = 16, 16
HD = H // NH
E, TOPK, DFF = 8, 2, 1024
LN_EPS = 1e-5


def layernorm(x, w, b):
    mu = jnp.mean(x, axis=-1, keepdims=True)
    var = jnp.mean((x - mu) ** 2, axis=-1, keepdims=True)
    return (x - mu) * jax.lax.rsqrt(var + LN_EPS) * w + b


def setup_inputs(seed: int = 0) -> dict:
    key = jax.random.key(seed)
    ks = jax.random.split(key, 8)
    return {
        "hidden_states": jax.random.normal(ks[0], (S, B, H), dtype=jnp.float32),
        "ln1_weight": jnp.ones((H,), dtype=jnp.float32),
        "ln1_bias": jnp.zeros((H,), dtype=jnp.float32),
        "ln2_weight": jnp.ones((H,), dtype=jnp.float32),
        "ln2_bias": jnp.zeros((H,), dtype=jnp.float32),
        "qkv_weight": jax.random.normal(ks[1], (3 * H, H), dtype=jnp.float32) * 0.02,
        "proj_weight": jax.random.normal(ks[2], (H, H), dtype=jnp.float32) * 0.02,
        "router_weight": jax.random.normal(ks[3], (E, H), dtype=jnp.float32) * 0.02,
        "moe_w1": jax.random.normal(ks[4], (E, DFF, H), dtype=jnp.float32) * 0.02,
        "moe_w2": jax.random.normal(ks[5], (E, H, DFF), dtype=jnp.float32) * 0.02,
    }


def reference(hidden_states, ln1_weight, ln1_bias, ln2_weight, ln2_bias,
              qkv_weight, proj_weight, router_weight, moe_w1, moe_w2):
    seq_len, batch, hidden = hidden_states.shape
    # ---- LN1 -> QKV projection ----
    ln1_out = layernorm(hidden_states, ln1_weight, ln1_bias)
    qkv = jnp.einsum('sbh,oh->sbo', ln1_out, qkv_weight)
    q, k, v = jnp.split(qkv, 3, axis=-1)
    q = q.reshape(seq_len, batch, NH, HD).transpose(1, 2, 0, 3)  # [B,NH,S,HD]
    k = k.reshape(seq_len, batch, NKV, HD).transpose(1, 2, 0, 3)
    v = v.reshape(seq_len, batch, NKV, HD).transpose(1, 2, 0, 3)
    # ---- causal scaled-dot-product attention ----
    scale = 1.0 / (HD ** 0.5)
    logits = jnp.einsum('bhqd,bhkd->bhqk', q, k) * scale
    causal = jnp.tril(jnp.ones((seq_len, seq_len), dtype=bool))
    logits = jnp.where(causal[None, None, :, :], logits, -1e9)
    attn = jax.nn.softmax(logits, axis=-1)
    attn_out = jnp.einsum('bhqk,bhkd->bhqd', attn, v)
    attn_out = attn_out.transpose(2, 0, 1, 3).reshape(seq_len, batch, hidden)
    # ---- output projection + residual ----
    proj_out = jnp.einsum('sbh,oh->sbo', attn_out, proj_weight)
    hidden_after_attn = hidden_states + proj_out
    # ---- LN2 -> MoE ----
    ln2_out = layernorm(hidden_after_attn, ln2_weight, ln2_bias)
    flat = ln2_out.reshape(-1, hidden)  # [T, H]
    router_logits = jnp.einsum('th,eh->te', flat.astype(jnp.float32), router_weight.astype(jnp.float32))
    probs = jax.nn.softmax(router_logits, axis=-1)
    top_probs, top_idx = jax.lax.top_k(probs, TOPK)  # [T, K]
    moe_out = jnp.zeros_like(flat)
    for e in range(E):
        gate = jnp.sum(jnp.where(top_idx == e, top_probs, 0.0), axis=1)  # [T]
        h = jax.nn.silu(flat @ moe_w1[e].T) @ moe_w2[e].T
        moe_out = moe_out + h * gate[:, None].astype(flat.dtype)
    moe_out = moe_out.reshape(seq_len, batch, hidden)
    # ---- final residual ----
    return hidden_after_attn + moe_out

if __name__ == "__main__":
    import jax
    _d = setup_inputs()
    print(jax.jit(kernel)(*tuple(_d.values())))

</pallas_src>

<mosaic_0001>
#map = affine_map<(d0, d1) -> (0, 0)>
#map1 = affine_map<(d0, d1) -> (0)>
module attributes {stable_mosaic.version = 14 : i64} {
  func.func @_sc_dispatch_body(%arg0: i32, %arg1: i32, %arg2: memref<2048x512xi32, #tpu.memory_space<hbm>>, %arg3: memref<2048xi32, #tpu.memory_space<hbm>>, %arg4: memref<2048xi32, #tpu.memory_space<hbm>>, %arg5: memref<6144x512xi32, #tpu.memory_space<hbm>>, %arg6: memref<64x512xi32, #tpu.memory_space<vmem>>, %arg7: memref<64xi32, #tpu.memory_space<vmem>>, %arg8: memref<64xi32, #tpu.memory_space<vmem>>, %arg9: memref<!tpu.dma_semaphore, #tpu.memory_space<semaphore_mem>>) attributes {dimension_semantics = [#tpu.dimension_semantics<core_parallel>, #tpu.dimension_semantics<subcore_parallel>], iteration_bounds = array<i64: 2, 16>, scalar_prefetch = 0 : i64, scratch_operands = 4 : i64, tpu.core_type = #tpu.core_type<sc_vector_subcore>, window_params = [{transform_indices = #map}, {transform_indices = #map1}, {transform_indices = #map1}, {transform_indices = #map}]} {
    %mul3A = arith.constant 2 : i32
    %mul3A_0 = arith.muli %arg1, %mul3A : i32
    %add3A = arith.addi %mul3A_0, %arg0 : i32
    %mul3A_1 = arith.constant 64 : i32
    %mul3A_2 = arith.muli %add3A, %mul3A_1 : i32
    "tpu.region"() ({
      %run_scoped3A = tpu.sem_alloc : memref<!tpu.dma_semaphore, #tpu.memory_space<semaphore_mem>>
      %dma_start3A_13 = tpu.memref_slice %arg3[%mul3A_2] : memref<2048xi32, #tpu.memory_space<hbm>> -> memref<64xi32, #tpu.memory_space<hbm>>
      %dma_start3A_14 = tpu.memref_slice %arg3[%mul3A_2] : memref<2048xi32, #tpu.memory_space<hbm>> -> memref<64xi32, #tpu.memory_space<hbm>>
      tpu.enqueue_dma source(%dma_start3A_14 : memref<64xi32, #tpu.memory_space<hbm>>) target(%arg7 : memref<64xi32, #tpu.memory_space<vmem>>) target_semaphore(%run_scoped3A : memref<!tpu.dma_semaphore, #tpu.memory_space<semaphore_mem>>)
      %dma_wait3A_15 = tpu.memref_slice %arg3[%mul3A_2] : memref<2048xi32, #tpu.memory_space<hbm>> -> memref<64xi32, #tpu.memory_space<hbm>>
      %dma_wait3A_16 = tpu.memref_slice %arg3[%mul3A_2] : memref<2048xi32, #tpu.memory_space<hbm>> -> memref<64xi32, #tpu.memory_space<hbm>>
      tpu.wait_dma2 semaphore(%run_scoped3A : memref<!tpu.dma_semaphore, #tpu.memory_space<semaphore_mem>>) src(%dma_wait3A_16 : memref<64xi32, #tpu.memory_space<hbm>>) dst(%arg7 : memref<64xi32, #tpu.memory_space<vmem>>)
      tpu.yield
    }) : () -> ()
    "tpu.region"() ({
      %run_scoped3A = tpu.sem_alloc : memref<!tpu.dma_semaphore, #tpu.memory_space<semaphore_mem>>
      %dma_start3A_13 = tpu.memref_slice %arg4[%mul3A_2] : memref<2048xi32, #tpu.memory_space<hbm>> -> memref<64xi32, #tpu.memory_space<hbm>>
      %dma_start3A_14 = tpu.memref_slice %arg4[%mul3A_2] : memref<2048xi32, #tpu.memory_space<hbm>> -> memref<64xi32, #tpu.memory_space<hbm>>
      tpu.enqueue_dma source(%dma_start3A_14 : memref<64xi32, #tpu.memory_space<hbm>>) target(%arg8 : memref<64xi32, #tpu.memory_space<vmem>>) target_semaphore(%run_scoped3A : memref<!tpu.dma_semaphore, #tpu.memory_space<semaphore_mem>>)
      %dma_wait3A_15 = tpu.memref_slice %arg4[%mul3A_2] : memref<2048xi32, #tpu.memory_space<hbm>> -> memref<64xi32, #tpu.memory_space<hbm>>
      %dma_wait3A_16 = tpu.memref_slice %arg4[%mul3A_2] : memref<2048xi32, #tpu.memory_space<hbm>> -> memref<64xi32, #tpu.memory_space<hbm>>
      tpu.wait_dma2 semaphore(%run_scoped3A : memref<!tpu.dma_semaphore, #tpu.memory_space<semaphore_mem>>) src(%dma_wait3A_16 : memref<64xi32, #tpu.memory_space<hbm>>) dst(%arg8 : memref<64xi32, #tpu.memory_space<vmem>>)
      tpu.yield
    }) : () -> ()
    "tpu.region"() ({
      %run_scoped3A = tpu.sem_alloc : memref<!tpu.dma_semaphore, #tpu.memory_space<semaphore_mem>>
      %dma_start3A_13 = arith.constant 0 : i32
      %dma_start3A_14 = tpu.memref_slice %arg2[%mul3A_2, %dma_start3A_13] : memref<2048x512xi32, #tpu.memory_space<hbm>> -> memref<64x512xi32, #tpu.memory_space<hbm>>
      %dma_start3A_15 = arith.constant 0 : i32
      %dma_start3A_16 = tpu.memref_slice %arg2[%mul3A_2, %dma_start3A_15] : memref<2048x512xi32, #tpu.memory_space<hbm>> -> memref<64x512xi32, #tpu.memory_space<hbm>>
      tpu.enqueue_dma source(%dma_start3A_16 : memref<64x512xi32, #tpu.memory_space<hbm>>) target(%arg6 : memref<64x512xi32, #tpu.memory_space<vmem>>) target_semaphore(%run_scoped3A : memref<!tpu.dma_semaphore, #tpu.memory_space<semaphore_mem>>)
      %dma_wait3A_17 = arith.constant 0 : i32
      %dma_wait3A_18 = tpu.memref_slice %arg2[%mul3A_2, %dma_wait3A_17] : memref<2048x512xi32, #tpu.memory_space<hbm>> -> memref<64x512xi32, #tpu.memory_space<hbm>>
      %dma_wait3A_19 = arith.constant 0 : i32
      %dma_wait3A_20 = tpu.memref_slice %arg2[%mul3A_2, %dma_wait3A_19] : memref<2048x512xi32, #tpu.memory_space<hbm>> -> memref<64x512xi32, #tpu.memory_space<hbm>>
      tpu.wait_dma2 semaphore(%run_scoped3A : memref<!tpu.dma_semaphore, #tpu.memory_space<semaphore_mem>>) src(%dma_wait3A_20 : memref<64x512xi32, #tpu.memory_space<hbm>>) dst(%arg6 : memref<64x512xi32, #tpu.memory_space<vmem>>)
      tpu.yield
    }) : () -> ()
    %dma_start3A = arith.constant 0 : i32
    %dma_start3A_3 = arith.constant 0 : i32
    %dma_start3A_4 = tpu.memref_slice %arg5[%dma_start3A, %dma_start3A_3] : memref<6144x512xi32, #tpu.memory_space<hbm>> -> memref<6144x512xi32, #tpu.memory_space<hbm>>
    tpu.enqueue_indirect_dma source(%arg6 : memref<64x512xi32, #tpu.memory_space<vmem>>) target(%dma_start3A_4 : memref<6144x512xi32, #tpu.memory_space<hbm>>) offsets(%arg7 : memref<64xi32, #tpu.memory_space<vmem>>) semaphore(%arg9 : memref<!tpu.dma_semaphore, #tpu.memory_space<semaphore_mem>>)
    %dma_start3A_5 = arith.constant 0 : i32
    %dma_start3A_6 = arith.constant 0 : i32
    %dma_start3A_7 = tpu.memref_slice %arg5[%dma_start3A_5, %dma_start3A_6] : memref<6144x512xi32, #tpu.memory_space<hbm>> -> memref<6144x512xi32, #tpu.memory_space<hbm>>
    tpu.enqueue_indirect_dma source(%arg6 : memref<64x512xi32, #tpu.memory_space<vmem>>) target(%dma_start3A_7 : memref<6144x512xi32, #tpu.memory_space<hbm>>) offsets(%arg8 : memref<64xi32, #tpu.memory_space<vmem>>) semaphore(%arg9 : memref<!tpu.dma_semaphore, #tpu.memory_space<semaphore_mem>>)
    %dma_wait3A = arith.constant 0 : i32
    %dma_wait3A_8 = arith.constant 0 : i32
    %dma_wait3A_9 = tpu.memref_slice %arg5[%dma_wait3A, %dma_wait3A_8] : memref<6144x512xi32, #tpu.memory_space<hbm>> -> memref<6144x512xi32, #tpu.memory_space<hbm>>
    tpu.wait_indirect_dma semaphore(%arg9 : memref<!tpu.dma_semaphore, #tpu.memory_space<semaphore_mem>>) src(%arg6 : memref<64x512xi32, #tpu.memory_space<vmem>>) dst(%dma_wait3A_9 : memref<6144x512xi32, #tpu.memory_space<hbm>>)
    %dma_wait3A_10 = arith.constant 0 : i32
    %dma_wait3A_11 = arith.constant 0 : i32
    %dma_wait3A_12 = tpu.memref_slice %arg5[%dma_wait3A_10, %dma_wait3A_11] : memref<6144x512xi32, #tpu.memory_space<hbm>> -> memref<6144x512xi32, #tpu.memory_space<hbm>>
    tpu.wait_indirect_dma semaphore(%arg9 : memref<!tpu.dma_semaphore, #tpu.memory_space<semaphore_mem>>) src(%arg6 : memref<64x512xi32, #tpu.memory_space<vmem>>) dst(%dma_wait3A_12 : memref<6144x512xi32, #tpu.memory_space<hbm>>)
    return
  }
}

#map = affine_map<(d0, d1) -> (0, 0)>
#map1 = affine_map<(d0, d1) -> (0)>
module attributes {stable_mosaic.version = 14 : i64} {
  func.func @_sc_combine_body(%arg0: i32, %arg1: i32, %arg2: memref<6144x1024xf32, #tpu.memory_space<hbm>>, %arg3: memref<2048xi32, #tpu.memory_space<hbm>>, %arg4: memref<2048xi32, #tpu.memory_space<hbm>>, %arg5: memref<2048x1024xf32, #tpu.memory_space<hbm>>, %arg6: memref<2048x1024xf32, #tpu.memory_space<hbm>>, %arg7: memref<64x1024xf32, #tpu.memory_space<vmem>>, %arg8: memref<64xi32, #tpu.memory_space<vmem>>, %arg9: memref<64xi32, #tpu.memory_space<vmem>>, %arg10: memref<!tpu.dma_semaphore, #tpu.memory_space<semaphore_mem>>) attributes {dimension_semantics = [#tpu.dimension_semantics<core_parallel>, #tpu.dimension_semantics<subcore_parallel>], iteration_bounds = array<i64: 2, 16>, scalar_prefetch = 0 : i64, scratch_operands = 4 : i64, tpu.core_type = #tpu.core_type<sc_vector_subcore>, window_params = [{transform_indices = #map}, {transform_indices = #map1}, {transform_indices = #map1}, {transform_indices = #map}, {transform_indices = #map}]} {
    %mul3A = arith.constant 2 : i32
    %mul3A_0 = arith.muli %arg1, %mul3A : i32
    %add3A = arith.addi %mul3A_0, %arg0 : i32
    %mul3A_1 = arith.constant 64 : i32
    %mul3A_2 = arith.muli %add3A, %mul3A_1 : i32
    "tpu.region"() ({
      %run_scoped3A = tpu.sem_alloc : memref<!tpu.dma_semaphore, #tpu.memory_space<semaphore_mem>>
      %dma_start3A_13 = tpu.memref_slice %arg3[%mul3A_2] : memref<2048xi32, #tpu.memory_space<hbm>> -> memref<64xi32, #tpu.memory_space<hbm>>
      %dma_start3A_14 = tpu.memref_slice %arg3[%mul3A_2] : memref<2048xi32, #tpu.memory_space<hbm>> -> memref<64xi32, #tpu.memory_space<hbm>>
      tpu.enqueue_dma source(%dma_start3A_14 : memref<64xi32, #tpu.memory_space<hbm>>) target(%arg8 : memref<64xi32, #tpu.memory_space<vmem>>) target_semaphore(%run_scoped3A : memref<!tpu.dma_semaphore, #tpu.memory_space<semaphore_mem>>)
      %dma_wait3A_15 = tpu.memref_slice %arg3[%mul3A_2] : memref<2048xi32, #tpu.memory_space<hbm>> -> memref<64xi32, #tpu.memory_space<hbm>>
      %dma_wait3A_16 = tpu.memref_slice %arg3[%mul3A_2] : memref<2048xi32, #tpu.memory_space<hbm>> -> memref<64xi32, #tpu.memory_space<hbm>>
      tpu.wait_dma2 semaphore(%run_scoped3A : memref<!tpu.dma_semaphore, #tpu.memory_space<semaphore_mem>>) src(%dma_wait3A_16 : memref<64xi32, #tpu.memory_space<hbm>>) dst(%arg8 : memref<64xi32, #tpu.memory_space<vmem>>)
      tpu.yield
    }) : () -> ()
    "tpu.region"() ({
      %run_scoped3A = tpu.sem_alloc : memref<!tpu.dma_semaphore, #tpu.memory_space<semaphore_mem>>
      %dma_start3A_13 = tpu.memref_slice %arg4[%mul3A_2] : memref<2048xi32, #tpu.memory_space<hbm>> -> memref<64xi32, #tpu.memory_space<hbm>>
      %dma_start3A_14 = tpu.memref_slice %arg4[%mul3A_2] : memref<2048xi32, #tpu.memory_space<hbm>> -> memref<64xi32, #tpu.memory_space<hbm>>
      tpu.enqueue_dma source(%dma_start3A_14 : memref<64xi32, #tpu.memory_space<hbm>>) target(%arg9 : memref<64xi32, #tpu.memory_space<vmem>>) target_semaphore(%run_scoped3A : memref<!tpu.dma_semaphore, #tpu.memory_space<semaphore_mem>>)
      %dma_wait3A_15 = tpu.memref_slice %arg4[%mul3A_2] : memref<2048xi32, #tpu.memory_space<hbm>> -> memref<64xi32, #tpu.memory_space<hbm>>
      %dma_wait3A_16 = tpu.memref_slice %arg4[%mul3A_2] : memref<2048xi32, #tpu.memory_space<hbm>> -> memref<64xi32, #tpu.memory_space<hbm>>
      tpu.wait_dma2 semaphore(%run_scoped3A : memref<!tpu.dma_semaphore, #tpu.memory_space<semaphore_mem>>) src(%dma_wait3A_16 : memref<64xi32, #tpu.memory_space<hbm>>) dst(%arg9 : memref<64xi32, #tpu.memory_space<vmem>>)
      tpu.yield
    }) : () -> ()
    %dma_start3A = arith.constant 0 : i32
    %dma_start3A_3 = arith.constant 0 : i32
    %dma_start3A_4 = tpu.memref_slice %arg2[%dma_start3A, %dma_start3A_3] : memref<6144x1024xf32, #tpu.memory_space<hbm>> -> memref<6144x1024xf32, #tpu.memory_space<hbm>>
    tpu.enqueue_indirect_dma source(%dma_start3A_4 : memref<6144x1024xf32, #tpu.memory_space<hbm>>) target(%arg7 : memref<64x1024xf32, #tpu.memory_space<vmem>>) offsets(%arg8 : memref<64xi32, #tpu.memory_space<vmem>>) semaphore(%arg10 : memref<!tpu.dma_semaphore, #tpu.memory_space<semaphore_mem>>)
    %dma_wait3A = arith.constant 0 : i32
    %dma_wait3A_5 = arith.constant 0 : i32
    %dma_wait3A_6 = tpu.memref_slice %arg2[%dma_wait3A, %dma_wait3A_5] : memref<6144x1024xf32, #tpu.memory_space<hbm>> -> memref<6144x1024xf32, #tpu.memory_space<hbm>>
    tpu.wait_indirect_dma semaphore(%arg10 : memref<!tpu.dma_semaphore, #tpu.memory_space<semaphore_mem>>) src(%dma_wait3A_6 : memref<6144x1024xf32, #tpu.memory_space<hbm>>) dst(%arg7 : memref<64x1024xf32, #tpu.memory_space<vmem>>)
    "tpu.region"() ({
      %run_scoped3A = tpu.sem_alloc : memref<!tpu.dma_semaphore, #tpu.memory_space<semaphore_mem>>
      %dma_start3A_13 = arith.constant 0 : i32
      %dma_start3A_14 = tpu.memref_slice %arg5[%mul3A_2, %dma_start3A_13] : memref<2048x1024xf32, #tpu.memory_space<hbm>> -> memref<64x1024xf32, #tpu.memory_space<hbm>>
      %dma_start3A_15 = arith.constant 0 : i32
      %dma_start3A_16 = tpu.memref_slice %arg5[%mul3A_2, %dma_start3A_15] : memref<2048x1024xf32, #tpu.memory_space<hbm>> -> memref<64x1024xf32, #tpu.memory_space<hbm>>
      tpu.enqueue_dma source(%arg7 : memref<64x1024xf32, #tpu.memory_space<vmem>>) target(%dma_start3A_16 : memref<64x1024xf32, #tpu.memory_space<hbm>>) target_semaphore(%run_scoped3A : memref<!tpu.dma_semaphore, #tpu.memory_space<semaphore_mem>>)
      %dma_wait3A_17 = arith.constant 0 : i32
      %dma_wait3A_18 = tpu.memref_slice %arg5[%mul3A_2, %dma_wait3A_17] : memref<2048x1024xf32, #tpu.memory_space<hbm>> -> memref<64x1024xf32, #tpu.memory_space<hbm>>
      %dma_wait3A_19 = arith.constant 0 : i32
      %dma_wait3A_20 = tpu.memref_slice %arg5[%mul3A_2, %dma_wait3A_19] : memref<2048x1024xf32, #tpu.memory_space<hbm>> -> memref<64x1024xf32, #tpu.memory_space<hbm>>
      tpu.wait_dma2 semaphore(%run_scoped3A : memref<!tpu.dma_semaphore, #tpu.memory_space<semaphore_mem>>) src(%arg7 : memref<64x1024xf32, #tpu.memory_space<vmem>>) dst(%dma_wait3A_20 : memref<64x1024xf32, #tpu.memory_space<hbm>>)
      tpu.yield
    }) : () -> ()
    %dma_start3A_7 = arith.constant 0 : i32
    %dma_start3A_8 = arith.constant 0 : i32
    %dma_start3A_9 = tpu.memref_slice %arg2[%dma_start3A_7, %dma_start3A_8] : memref<6144x1024xf32, #tpu.memory_space<hbm>> -> memref<6144x1024xf32, #tpu.memory_space<hbm>>
    tpu.enqueue_indirect_dma source(%dma_start3A_9 : memref<6144x1024xf32, #tpu.memory_space<hbm>>) target(%arg7 : memref<64x1024xf32, #tpu.memory_space<vmem>>) offsets(%arg9 : memref<64xi32, #tpu.memory_space<vmem>>) semaphore(%arg10 : memref<!tpu.dma_semaphore, #tpu.memory_space<semaphore_mem>>)
    %dma_wait3A_10 = arith.constant 0 : i32
    %dma_wait3A_11 = arith.constant 0 : i32
    %dma_wait3A_12 = tpu.memref_slice %arg2[%dma_wait3A_10, %dma_wait3A_11] : memref<6144x1024xf32, #tpu.memory_space<hbm>> -> memref<6144x1024xf32, #tpu.memory_space<hbm>>
    tpu.wait_indirect_dma semaphore(%arg10 : memref<!tpu.dma_semaphore, #tpu.memory_space<semaphore_mem>>) src(%dma_wait3A_12 : memref<6144x1024xf32, #tpu.memory_space<hbm>>) dst(%arg7 : memref<64x1024xf32, #tpu.memory_space<vmem>>)
    "tpu.region"() ({
      %run_scoped3A = tpu.sem_alloc : memref<!tpu.dma_semaphore, #tpu.memory_space<semaphore_mem>>
      %dma_start3A_13 = arith.constant 0 : i32
      %dma_start3A_14 = tpu.memref_slice %arg6[%mul3A_2, %dma_start3A_13] : memref<2048x1024xf32, #tpu.memory_space<hbm>> -> memref<64x1024xf32, #tpu.memory_space<hbm>>
      %dma_start3A_15 = arith.constant 0 : i32
      %dma_start3A_16 = tpu.memref_slice %arg6[%mul3A_2, %dma_start3A_15] : memref<2048x1024xf32, #tpu.memory_space<hbm>> -> memref<64x1024xf32, #tpu.memory_space<hbm>>
      tpu.enqueue_dma source(%arg7 : memref<64x1024xf32, #tpu.memory_space<vmem>>) target(%dma_start3A_16 : memref<64x1024xf32, #tpu.memory_space<hbm>>) target_semaphore(%run_scoped3A : memref<!tpu.dma_semaphore, #tpu.memory_space<semaphore_mem>>)
      %dma_wait3A_17 = arith.constant 0 : i32
      %dma_wait3A_18 = tpu.memref_slice %arg6[%mul3A_2, %dma_wait3A_17] : memref<2048x1024xf32, #tpu.memory_space<hbm>> -> memref<64x1024xf32, #tpu.memory_space<hbm>>
      %dma_wait3A_19 = arith.constant 0 : i32
      %dma_wait3A_20 = tpu.memref_slice %arg6[%mul3A_2, %dma_wait3A_19] : memref<2048x1024xf32, #tpu.memory_space<hbm>> -> memref<64x1024xf32, #tpu.memory_space<hbm>>
      tpu.wait_dma2 semaphore(%run_scoped3A : memref<!tpu.dma_semaphore, #tpu.memory_space<semaphore_mem>>) src(%arg7 : memref<64x1024xf32, #tpu.memory_space<vmem>>) dst(%dma_wait3A_20 : memref<64x1024xf32, #tpu.memory_space<hbm>>)
      tpu.yield
    }) : () -> ()
    return
  }
}

module attributes {stable_mosaic.version = 14 : i64} {
  func.func @_k12_body(%arg0: i32, %arg1: memref<512x1024xf32, #tpu.memory_space<vmem>>, %arg2: memref<1024xf32, #tpu.memory_space<vmem>>, %arg3: memref<1024xf32, #tpu.memory_space<vmem>>, %arg4: memref<3072x1024xbf16, #tpu.memory_space<vmem>>, %arg5: memref<2048x128xbf16, #tpu.memory_space<vmem>>, %arg6: memref<24x2048x128xbf16, #tpu.memory_space<vmem>>) attributes {dimension_semantics = [#tpu.dimension_semantics<arbitrary>], iteration_bounds = array<i64: 12>, scalar_prefetch = 0 : i64, scratch_operands = 1 : i64, tpu.core_type = #tpu.core_type<tc>, window_params = [{transform_indices = @transform_0, window_bounds = array<i64: 512, 1024>}, {pipeline_mode = #tpu.pipeline_mode<synchronous>, transform_indices = @transform_1, window_bounds = array<i64: 1024>}, {pipeline_mode = #tpu.pipeline_mode<synchronous>, transform_indices = @transform_2, window_bounds = array<i64: 1024>}, {pipeline_mode = #tpu.pipeline_mode<synchronous>, transform_indices = @transform_3, window_bounds = array<i64: 3072, 1024>}, {transform_indices = @transform_4, window_bounds = array<i64: 2048, 128>}]} {
    %lt3A = arith.constant 4 : i32
    %lt3A_0 = arith.cmpi slt, %arg0, %lt3A : i32
    %convert_element_type3A = arith.extui %lt3A_0 : i1 to i32
    %cond3A = arith.constant 0 : i32
    %cond3A_1 = arith.cmpi ne, %convert_element_type3A, %cond3A : i32
    scf.if %cond3A_1 {
      %get3A = arith.constant 0 : index
      %get3A_6 = arith.constant 0 : index
      %get3A_7 = vector.load %arg1[%get3A, %get3A_6] : memref<512x1024xf32, #tpu.memory_space<vmem>>, vector<512x1024xf32>
      %get3A_8 = arith.constant 0 : index
      %get3A_9 = vector.load %arg2[%get3A_8] : memref<1024xf32, #tpu.memory_space<vmem>>, vector<1024xf32>
      %get3A_10 = arith.constant 0 : index
      %get3A_11 = vector.load %arg3[%get3A_10] : memref<1024xf32, #tpu.memory_space<vmem>>, vector<1024xf32>
      %reduce_sum3A = arith.constant dense<0.000000e+00> : vector<512xf32>
      %reduce_sum3A_12 = vector.multi_reduction <add>, %get3A_7, %reduce_sum3A [1] : vector<512x1024xf32> to vector<512xf32>
      %broadcast_in_dim3A = vector.shape_cast %reduce_sum3A_12 : vector<512xf32> to vector<512x1xf32>
      %div3A = arith.constant 1.024000e+03 : f32
      %div3A_13 = vector.broadcast %div3A : f32 to vector<512x1xf32>
      %div3A_14 = arith.divf %broadcast_in_dim3A, %div3A_13 : vector<512x1xf32>
      %sub3A = vector.broadcast %div3A_14 : vector<512x1xf32> to vector<512x1024xf32>
      %sub3A_15 = arith.subf %get3A_7, %sub3A : vector<512x1024xf32>
      %integer_pow3A = arith.mulf %sub3A_15, %sub3A_15 : vector<512x1024xf32>
      %reduce_sum3A_16 = arith.constant dense<0.000000e+00> : vector<512xf32>
      %reduce_sum3A_17 = vector.multi_reduction <add>, %integer_pow3A, %reduce_sum3A_16 [1] : vector<512x1024xf32> to vector<512xf32>
      %broadcast_in_dim3A_18 = vector.shape_cast %reduce_sum3A_17 : vector<512xf32> to vector<512x1xf32>
      %div3A_19 = arith.constant 1.024000e+03 : f32
      %div3A_20 = vector.broadcast %div3A_19 : f32 to vector<512x1xf32>
      %div3A_21 = arith.divf %broadcast_in_dim3A_18, %div3A_20 : vector<512x1xf32>
      %sub3A_22 = vector.broadcast %div3A_14 : vector<512x1xf32> to vector<512x1024xf32>
      %sub3A_23 = arith.subf %get3A_7, %sub3A_22 : vector<512x1024xf32>
      %add3A = arith.constant 9.99999974E-6 : f32
      %add3A_24 = vector.broadcast %add3A : f32 to vector<512x1xf32>
      %add3A_25 = arith.addf %div3A_21, %add3A_24 : vector<512x1xf32>
      %rsqrt3A = math.rsqrt %add3A_25 : vector<512x1xf32>
      %mul3A = vector.broadcast %rsqrt3A : vector<512x1xf32> to vector<512x1024xf32>
      %mul3A_26 = arith.mulf %sub3A_23, %mul3A : vector<512x1024xf32>
      %broadcast_in_dim3A_27 = vector.shape_cast %get3A_9 : vector<1024xf32> to vector<1x1024xf32>
      %mul3A_28 = vector.broadcast %broadcast_in_dim3A_27 : vector<1x1024xf32> to vector<512x1024xf32>
      %mul3A_29 = arith.mulf %mul3A_26, %mul3A_28 : vector<512x1024xf32>
      %broadcast_in_dim3A_30 = vector.shape_cast %get3A_11 : vector<1024xf32> to vector<1x1024xf32>
      %add3A_31 = vector.broadcast %broadcast_in_dim3A_30 : vector<1x1024xf32> to vector<512x1024xf32>
      %add3A_32 = arith.addf %mul3A_29, %add3A_31 : vector<512x1024xf32>
      %convert_element_type3A_33 = arith.truncf %add3A_32 : vector<512x1024xf32> to vector<512x1024xbf16>
      %get3A_34 = arith.constant 0 : index
      %get3A_35 = arith.constant 0 : index
      %get3A_36 = vector.load %arg4[%get3A_34, %get3A_35] : memref<3072x1024xbf16, #tpu.memory_space<vmem>>, vector<3072x1024xbf16>
      %transpose3A = tpu.transpose %get3A_36, [1, 0] : vector<3072x1024xbf16> -> vector<1024x3072xbf16>
      %dot_general3A = arith.constant dense<0.000000e+00> : vector<512x3072xf32>
      %dot_general3A_37 = tpu.matmul %convert_element_type3A_33, %transpose3A, %dot_general3A {dimension_numbers = #tpu.dot_dimension_numbers<[1], [0], [0], [1], [0, 0, 1, 1], [], []>, transpose_lhs_hint = false} : vector<512x1024xbf16>, vector<1024x3072xbf16>, vector<512x3072xf32> -> vector<512x3072xf32>
      %convert_element_type3A_38 = arith.truncf %dot_general3A_37 : vector<512x3072xf32> to vector<512x3072xbf16>
      %slice3A = vector.extract_strided_slice %convert_element_type3A_38 {offsets = [0, 0], sizes = [512, 128], strides = [1, 1]} : vector<512x3072xbf16> to vector<512x128xbf16>
      %mul3A_39 = arith.constant 512 : i32
      %mul3A_40 = arith.muli %arg0, %mul3A_39 : i32
      %swap3A = arith.constant 0 : index
      %swap3A_41 = arith.index_cast %mul3A_40 : i32 to index
      %swap3A_42 = arith.constant 0 : index
      %swap3A_43 = vector.load %arg6[%swap3A, %swap3A_41, %swap3A_42] : memref<24x2048x128xbf16, #tpu.memory_space<vmem>>, vector<1x512x128xbf16>
      %swap3A_44 = vector.shape_cast %swap3A_43 : vector<1x512x128xbf16> to vector<512x128xbf16>
      %swap3A_45 = vector.shape_cast %slice3A : vector<512x128xbf16> to vector<1x512x128xbf16>
      tpu.vector_store %arg6[%swap3A, %swap3A_41, %swap3A_42], %swap3A_45 {strides = array<i32>} : memref<24x2048x128xbf16, #tpu.memory_space<vmem>>, vector<1x512x128xbf16>,
      %slice3A_46 = vector.extract_strided_slice %convert_element_type3A_38 {offsets = [0, 128], sizes = [512, 128], strides = [1, 1]} : vector<512x3072xbf16> to vector<512x128xbf16>
      %mul3A_47 = arith.constant 512 : i32
      %mul3A_48 = arith.muli %arg0, %mul3A_47 : i32
      %swap3A_49 = arith.constant 1 : index
      %swap3A_50 = arith.index_cast %mul3A_48 : i32 to index
      %swap3A_51 = arith.constant 0 : index
      %swap3A_52 = vector.load %arg6[%swap3A_49, %swap3A_50, %swap3A_51] : memref<24x2048x128xbf16, #tpu.memory_space<vmem>>, vector<1x512x128xbf16>
      %swap3A_53 = vector.shape_cast %swap3A_52 : vector<1x512x128xbf16> to vector<512x128xbf16>
      %swap3A_54 = vector.shape_cast %slice3A_46 : vector<512x128xbf16> to vector<1x512x128xbf16>
      tpu.vector_store %arg6[%swap3A_49, %swap3A_50, %swap3A_51], %swap3A_54 {strides = array<i32>} : memref<24x2048x128xbf16, #tpu.memory_space<vmem>>, vector<1x512x128xbf16>,
      %slice3A_55 = vector.extract_strided_slice %convert_element_type3A_38 {offsets = [0, 256], sizes = [512, 128], strides = [1, 1]} : vector<512x3072xbf16> to vector<512x128xbf16>
      %mul3A_56 = arith.constant 512 : i32
      %mul3A_57 = arith.muli %arg0, %mul3A_56 : i32
      %swap3A_58 = arith.constant 2 : index
      %swap3A_59 = arith.index_cast %mul3A_57 : i32 to index
      %swap3A_60 = arith.constant 0 : index
      %swap3A_61 = vector.load %arg6[%swap3A_58, %swap3A_59, %swap3A_60] : memref<24x2048x128xbf16, #tpu.memory_space<vmem>>, vector<1x512x128xbf16>
      %swap3A_62 = vector.shape_cast %swap3A_61 : vector<1x512x128xbf16> to vector<512x128xbf16>
      %swap3A_63 = vector.shape_cast %slice3A_55 : vector<512x128xbf16> to vector<1x512x128xbf16>
      tpu.vector_store %arg6[%swap3A_58, %swap3A_59, %swap3A_60], %swap3A_63 {strides = array<i32>} : memref<24x2048x128xbf16, #tpu.memory_space<vmem>>, vector<1x512x128xbf16>,
      %slice3A_64 = vector.extract_strided_slice %convert_element_type3A_38 {offsets = [0, 384], sizes = [512, 128], strides = [1, 1]} : vector<512x3072xbf16> to vector<512x128xbf16>
      %mul3A_65 = arith.constant 512 : i32
      %mul3A_66 = arith.muli %arg0, %mul3A_65 : i32
      %swap3A_67 = arith.constant 3 : index
      %swap3A_68 = arith.index_cast %mul3A_66 : i32 to index
      %swap3A_69 = arith.constant 0 : index
      %swap3A_70 = vector.load %arg6[%swap3A_67, %swap3A_68, %swap3A_69] : memref<24x2048x128xbf16, #tpu.memory_space<vmem>>, vector<1x512x128xbf16>
      %swap3A_71 = vector.shape_cast %swap3A_70 : vector<1x512x128xbf16> to vector<512x128xbf16>
      %swap3A_72 = vector.shape_cast %slice3A_64 : vector<512x128xbf16> to vector<1x512x128xbf16>
      tpu.vector_store %arg6[%swap3A_67, %swap3A_68, %swap3A_69], %swap3A_72 {strides = array<i32>} : memref<24x2048x128xbf16, #tpu.memory_space<vmem>>, vector<1x512x128xbf16>,
      %slice3A_73 = vector.extract_strided_slice %convert_element_type3A_38 {offsets = [0, 512], sizes = [512, 128], strides = [1, 1]} : vector<512x3072xbf16> to vector<512x128xbf16>
      %mul3A_74 = arith.constant 512 : i32
      %mul3A_75 = arith.muli %arg0, %mul3A_74 : i32
      %swap3A_76 = arith.constant 4 : index
      %swap3A_77 = arith.index_cast %mul3A_75 : i32 to index
      %swap3A_78 = arith.constant 0 : index
      %swap3A_79 = vector.load %arg6[%swap3A_76, %swap3A_77, %swap3A_78] : memref<24x2048x128xbf16, #tpu.memory_space<vmem>>, vector<1x512x128xbf16>
      %swap3A_80 = vector.shape_cast %swap3A_79 : vector<1x512x128xbf16> to vector<512x128xbf16>
      %swap3A_81 = vector.shape_cast %slice3A_73 : vector<512x128xbf16> to vector<1x512x128xbf16>
      tpu.vector_store %arg6[%swap3A_76, %swap3A_77, %swap3A_78], %swap3A_81 {strides = array<i32>} : memref<24x2048x128xbf16, #tpu.memory_space<vmem>>, vector<1x512x128xbf16>,
      %slice3A_82 = vector.extract_strided_slice %convert_element_type3A_38 {offsets = [0, 640], sizes = [512, 128], strides = [1, 1]} : vector<512x3072xbf16> to vector<512x128xbf16>
      %mul3A_83 = arith.constant 512 : i32
      %mul3A_84 = arith.muli %arg0, %mul3A_83 : i32
      %swap3A_85 = arith.constant 5 : index
      %swap3A_86 = arith.index_cast %mul3A_84 : i32 to index
      %swap3A_87 = arith.constant 0 : index
      %swap3A_88 = vector.load %arg6[%swap3A_85, %swap3A_86, %swap3A_87] : memref<24x2048x128xbf16, #tpu.memory_space<vmem>>, vector<1x512x128xbf16>
      %swap3A_89 = vector.shape_cast %swap3A_88 : vector<1x512x128xbf16> to vector<512x128xbf16>
      %swap3A_90 = vector.shape_cast %slice3A_82 : vector<512x128xbf16> to vector<1x512x128xbf16>
      tpu.vector_store %arg6[%swap3A_85, %swap3A_86, %swap3A_87], %swap3A_90 {strides = array<i32>} : memref<24x2048x128xbf16, #tpu.memory_space<vmem>>, vector<1x512x128xbf16>,
      %slice3A_91 = vector.extract_strided_slice %convert_element_type3A_38 {offsets = [0, 768], sizes = [512, 128], strides = [1, 1]} : vector<512x3072xbf16> to vector<512x128xbf16>
      %mul3A_92 = arith.constant 512 : i32
      %mul3A_93 = arith.muli %arg0, %mul3A_92 : i32
      %swap3A_94 = arith.constant 6 : index
      %swap3A_95 = arith.index_cast %mul3A_93 : i32 to index
      %swap3A_96 = arith.constant 0 : index
      %swap3A_97 = vector.load %arg6[%swap3A_94, %swap3A_95, %swap3A_96] : memref<24x2048x128xbf16, #tpu.memory_space<vmem>>, vector<1x512x128xbf16>
      %swap3A_98 = vector.shape_cast %swap3A_97 : vector<1x512x128xbf16> to vector<512x128xbf16>
      %swap3A_99 = vector.shape_cast %slice3A_91 : vector<512x128xbf16> to vector<1x512x128xbf16>
      tpu.vector_store %arg6[%swap3A_94, %swap3A_95, %swap3A_96], %swap3A_99 {strides = array<i32>} : memref<24x2048x128xbf16, #tpu.memory_space<vmem>>, vector<1x512x128xbf16>,
      %slice3A_100 = vector.extract_strided_slice %convert_element_type3A_38 {offsets = [0, 896], sizes = [512, 128], strides = [1, 1]} : vector<512x3072xbf16> to vector<512x128xbf16>
      %mul3A_101 = arith.constant 512 : i32
      %mul3A_102 = arith.muli %arg0, %mul3A_101 : i32
      %swap3A_103 = arith.constant 7 : index
      %swap3A_104 = arith.index_cast %mul3A_102 : i32 to index
      %swap3A_105 = arith.constant 0 : index
      %swap3A_106 = vector.load %arg6[%swap3A_103, %swap3A_104, %swap3A_105] : memref<24x2048x128xbf16, #tpu.memory_space<vmem>>, vector<1x512x128xbf16>
      %swap3A_107 = vector.shape_cast %swap3A_106 : vector<1x512x128xbf16> to vector<512x128xbf16>
      %swap3A_108 = vector.shape_cast %slice3A_100 : vector<512x128xbf16> to vector<1x512x128xbf16>
      tpu.vector_store %arg6[%swap3A_103, %swap3A_104, %swap3A_105], %swap3A_108 {strides = array<i32>} : memref<24x2048x128xbf16, #tpu.memory_space<vmem>>, vector<1x512x128xbf16>,
      %slice3A_109 = vector.extract_strided_slice %convert_element_type3A_38 {offsets = [0, 1024], sizes = [512, 128], strides = [1, 1]} : vector<512x3072xbf16> to vector<512x128xbf16>
      %mul3A_110 = arith.constant 512 : i32
      %mul3A_111 = arith.muli %arg0, %mul3A_110 : i32
      %swap3A_112 = arith.constant 8 : index
      %swap3A_113 = arith.index_cast %mul3A_111 : i32 to index
      %swap3A_114 = arith.constant 0 : index
      %swap3A_115 = vector.load %arg6[%swap3A_112, %swap3A_113, %swap3A_114] : memref<24x2048x128xbf16, #tpu.memory_space<vmem>>, vector<1x512x128xbf16>
      %swap3A_116 = vector.shape_cast %swap3A_115 : vector<1x512x128xbf16> to vector<512x128xbf16>
      %swap3A_117 = vector.shape_cast %slice3A_109 : vector<512x128xbf16> to vector<1x512x128xbf16>
      tpu.vector_store %arg6[%swap3A_112, %swap3A_113, %swap3A_114], %swap3A_117 {strides = array<i32>} : memref<24x2048x128xbf16, #tpu.memory_space<vmem>>, vector<1x512x128xbf16>,
      %slice3A_118 = vector.extract_strided_slice %convert_element_type3A_38 {offsets = [0, 1152], sizes = [512, 128], strides = [1, 1]} : vector<512x3072xbf16> to vector<512x128xbf16>
      %mul3A_119 = arith.constant 512 : i32
      %mul3A_120 = arith.muli %arg0, %mul3A_119 : i32
      %swap3A_121 = arith.constant 9 : index
      %swap3A_122 = arith.index_cast %mul3A_120 : i32 to index
      %swap3A_123 = arith.constant 0 : index
      %swap3A_124 = vector.load %arg6[%swap3A_121, %swap3A_122, %swap3A_123] : memref<24x2048x128xbf16, #tpu.memory_space<vmem>>, vector<1x512x128xbf16>
      %swap3A_125 = vector.shape_cast %swap3A_124 : vector<1x512x128xbf16> to vector<512x128xbf16>
      %swap3A_126 = vector.shape_cast %slice3A_118 : vector<512x128xbf16> to vector<1x512x128xbf16>
      tpu.vector_store %arg6[%swap3A_121, %swap3A_122, %swap3A_123], %swap3A_126 {strides = array<i32>} : memref<24x2048x128xbf16, #tpu.memory_space<vmem>>, vector<1x512x128xbf16>,
      %slice3A_127 = vector.extract_strided_slice %convert_element_type3A_38 {offsets = [0, 1280], sizes = [512, 128], strides = [1, 1]} : vector<512x3072xbf16> to vector<512x128xbf16>
      %mul3A_128 = arith.constant 512 : i32
      %mul3A_129 = arith.muli %arg0, %mul3A_128 : i32
      %swap3A_130 = arith.constant 10 : index
      %swap3A_131 = arith.index_cast %mul3A_129 : i32 to index
      %swap3A_132 = arith.constant 0 : index
      %swap3A_133 = vector.load %arg6[%swap3A_130, %swap3A_131, %swap3A_132] : memref<24x2048x128xbf16, #tpu.memory_space<vmem>>, vector<1x512x128xbf16>
      %swap3A_134 = vector.shape_cast %swap3A_133 : vector<1x512x128xbf16> to vector<512x128xbf16>
      %swap3A_135 = vector.shape_cast %slice3A_127 : vector<512x128xbf16> to vector<1x512x128xbf16>
      tpu.vector_store %arg6[%swap3A_130, %swap3A_131, %swap3A_132], %swap3A_135 {strides = array<i32>} : memref<24x2048x128xbf16, #tpu.memory_space<vmem>>, vector<1x512x128xbf16>,
      %slice3A_136 = vector.extract_strided_slice %convert_element_type3A_38 {offsets = [0, 1408], sizes = [512, 128], strides = [1, 1]} : vector<512x3072xbf16> to vector<512x128xbf16>
      %mul3A_137 = arith.constant 512 : i32
      %mul3A_138 = arith.muli %arg0, %mul3A_137 : i32
      %swap3A_139 = arith.constant 11 : index
      %swap3A_140 = arith.index_cast %mul3A_138 : i32 to index
      %swap3A_141 = arith.constant 0 : index
      %swap3A_142 = vector.load %arg6[%swap3A_139, %swap3A_140, %swap3A_141] : memref<24x2048x128xbf16, #tpu.memory_space<vmem>>, vector<1x512x128xbf16>
      %swap3A_143 = vector.shape_cast %swap3A_142 : vector<1x512x128xbf16> to vector<512x128xbf16>
      %swap3A_144 = vector.shape_cast %slice3A_136 : vector<512x128xbf16> to vector<1x512x128xbf16>
      tpu.vector_store %arg6[%swap3A_139, %swap3A_140, %swap3A_141], %swap3A_144 {strides = array<i32>} : memref<24x2048x128xbf16, #tpu.memory_space<vmem>>, vector<1x512x128xbf16>,
      %slice3A_145 = vector.extract_strided_slice %convert_element_type3A_38 {offsets = [0, 1536], sizes = [512, 128], strides = [1, 1]} : vector<512x3072xbf16> to vector<512x128xbf16>
      %mul3A_146 = arith.constant 512 : i32
      %mul3A_147 = arith.muli %arg0, %mul3A_146 : i32
      %swap3A_148 = arith.constant 12 : index
      %swap3A_149 = arith.index_cast %mul3A_147 : i32 to index
      %swap3A_150 = arith.constant 0 : index
      %swap3A_151 = vector.load %arg6[%swap3A_148, %swap3A_149, %swap3A_150] : memref<24x2048x128xbf16, #tpu.memory_space<vmem>>, vector<1x512x128xbf16>
      %swap3A_152 = vector.shape_cast %swap3A_151 : vector<1x512x128xbf16> to vector<512x128xbf16>
      %swap3A_153 = vector.shape_cast %slice3A_145 : vector<512x128xbf16> to vector<1x512x128xbf16>
      tpu.vector_store %arg6[%swap3A_148, %swap3A_149, %swap3A_150], %swap3A_153 {strides = array<i32>} : memref<24x2048x128xbf16, #tpu.memory_space<vmem>>, vector<1x512x128xbf16>,
      %slice3A_154 = vector.extract_strided_slice %convert_element_type3A_38 {offsets = [0, 1664], sizes = [512, 128], strides = [1, 1]} : vector<512x3072xbf16> to vector<512x128xbf16>
      %mul3A_155 = arith.constant 512 : i32
      %mul3A_156 = arith.muli %arg0, %mul3A_155 : i32
      %swap3A_157 = arith.constant 13 : index
      %swap3A_158 = arith.index_cast %mul3A_156 : i32 to index
      %swap3A_159 = arith.constant 0 : index
      %swap3A_160 = vector.load %arg6[%swap3A_157, %swap3A_158, %swap3A_159] : memref<24x2048x128xbf16, #tpu.memory_space<vmem>>, vector<1x512x128xbf16>
      %swap3A_161 = vector.shape_cast %swap3A_160 : vector<1x512x128xbf16> to vector<512x128xbf16>
      %swap3A_162 = vector.shape_cast %slice3A_154 : vector<512x128xbf16> to vector<1x512x128xbf16>
      tpu.vector_store %arg6[%swap3A_157, %swap3A_158, %swap3A_159], %swap3A_162 {strides = array<i32>} : memref<24x2048x128xbf16, #tpu.memory_space<vmem>>, vector<1x512x128xbf16>,
      %slice3A_163 = vector.extract_strided_slice %convert_element_type3A_38 {offsets = [0, 1792], sizes = [512, 128], strides = [1, 1]} : vector<512x3072xbf16> to vector<512x128xbf16>
      %mul3A_164 = arith.constant 512 : i32
      %mul3A_165 = arith.muli %arg0, %mul3A_164 : i32
      %swap3A_166 = arith.constant 14 : index
      %swap3A_167 = arith.index_cast %mul3A_165 : i32 to index
      %swap3A_168 = arith.constant 0 : index
      %swap3A_169 = vector.load %arg6[%swap3A_166, %swap3A_167, %swap3A_168] : memref<24x2048x128xbf16, #tpu.memory_space<vmem>>, vector<1x512x128xbf16>
      %swap3A_170 = vector.shape_cast %swap3A_169 : vector<1x512x128xbf16> to vector<512x128xbf16>
      %swap3A_171 = vector.shape_cast %slice3A_163 : vector<512x128xbf16> to vector<1x512x128xbf16>
      tpu.vector_store %arg6[%swap3A_166, %swap3A_167, %swap3A_168], %swap3A_171 {strides = array<i32>} : memref<24x2048x128xbf16, #tpu.memory_space<vmem>>, vector<1x512x128xbf16>,
      %slice3A_172 = vector.extract_strided_slice %convert_element_type3A_38 {offsets = [0, 1920], sizes = [512, 128], strides = [1, 1]} : vector<512x3072xbf16> to vector<512x128xbf16>
      %mul3A_173 = arith.constant 512 : i32
      %mul3A_174 = arith.muli %arg0, %mul3A_173 : i32
      %swap3A_175 = arith.constant 15 : index
      %swap3A_176 = arith.index_cast %mul3A_174 : i32 to index
      %swap3A_177 = arith.constant 0 : index
      %swap3A_178 = vector.load %arg6[%swap3A_175, %swap3A_176, %swap3A_177] : memref<24x2048x128xbf16, #tpu.memory_space<vmem>>, vector<1x512x128xbf16>
      %swap3A_179 = vector.shape_cast %swap3A_178 : vector<1x512x128xbf16> to vector<512x128xbf16>
      %swap3A_180 = vector.shape_cast %slice3A_172 : vector<512x128xbf16> to vector<1x512x128xbf16>
      tpu.vector_store %arg6[%swap3A_175, %swap3A_176, %swap3A_177], %swap3A_180 {strides = array<i32>} : memref<24x2048x128xbf16, #tpu.memory_space<vmem>>, vector<1x512x128xbf16>,
      %slice3A_181 = vector.extract_strided_slice %convert_element_type3A_38 {offsets = [0, 2048], sizes = [512, 128], strides = [1, 1]} : vector<512x3072xbf16> to vector<512x128xbf16>
      %mul3A_182 = arith.constant 512 : i32
      %mul3A_183 = arith.muli %arg0, %mul3A_182 : i32
      %swap3A_184 = arith.constant 16 : index
      %swap3A_185 = arith.index_cast %mul3A_183 : i32 to index
      %swap3A_186 = arith.constant 0 : index
      %swap3A_187 = vector.load %arg6[%swap3A_184, %swap3A_185, %swap3A_186] : memref<24x2048x128xbf16, #tpu.memory_space<vmem>>, vector<1x512x128xbf16>
      %swap3A_188 = vector.shape_cast %swap3A_187 : vector<1x512x128xbf16> to vector<512x128xbf16>
      %swap3A_189 = vector.shape_cast %slice3A_181 : vector<512x128xbf16> to vector<1x512x128xbf16>
      tpu.vector_store %arg6[%swap3A_184, %swap3A_185, %swap3A_186], %swap3A_189 {strides = array<i32>} : memref<24x2048x128xbf16, #tpu.memory_space<vmem>>, vector<1x512x128xbf16>,
      %slice3A_190 = vector.extract_strided_slice %convert_element_type3A_38 {offsets = [0, 2176], sizes = [512, 128], strides = [1, 1]} : vector<512x3072xbf16> to vector<512x128xbf16>
      %mul3A_191 = arith.constant 512 : i32
      %mul3A_192 = arith.muli %arg0, %mul3A_191 : i32
      %swap3A_193 = arith.constant 17 : index
      %swap3A_194 = arith.index_cast %mul3A_192 : i32 to index
      %swap3A_195 = arith.constant 0 : index
      %swap3A_196 = vector.load %arg6[%swap3A_193, %swap3A_194, %swap3A_195] : memref<24x2048x128xbf16, #tpu.memory_space<vmem>>, vector<1x512x128xbf16>
      %swap3A_197 = vector.shape_cast %swap3A_196 : vector<1x512x128xbf16> to vector<512x128xbf16>
      %swap3A_198 = vector.shape_cast %slice3A_190 : vector<512x128xbf16> to vector<1x512x128xbf16>
      tpu.vector_store %arg6[%swap3A_193, %swap3A_194, %swap3A_195], %swap3A_198 {strides = array<i32>} : memref<24x2048x128xbf16, #tpu.memory_space<vmem>>, vector<1x512x128xbf16>,
      %slice3A_199 = vector.extract_strided_slice %convert_element_type3A_38 {offsets = [0, 2304], sizes = [512, 128], strides = [1, 1]} : vector<512x3072xbf16> to vector<512x128xbf16>
      %mul3A_200 = arith.constant 512 : i32
      %mul3A_201 = arith.muli %arg0, %mul3A_200 : i32
      %swap3A_202 = arith.constant 18 : index
      %swap3A_203 = arith.index_cast %mul3A_201 : i32 to index
      %swap3A_204 = arith.constant 0 : index
      %swap3A_205 = vector.load %arg6[%swap3A_202, %swap3A_203, %swap3A_204] : memref<24x2048x128xbf16, #tpu.memory_space<vmem>>, vector<1x512x128xbf16>
      %swap3A_206 = vector.shape_cast %swap3A_205 : vector<1x512x128xbf16> to vector<512x128xbf16>
      %swap3A_207 = vector.shape_cast %slice3A_199 : vector<512x128xbf16> to vector<1x512x128xbf16>
      tpu.vector_store %arg6[%swap3A_202, %swap3A_203, %swap3A_204], %swap3A_207 {strides = array<i32>} : memref<24x2048x128xbf16, #tpu.memory_space<vmem>>, vector<1x512x128xbf16>,
      %slice3A_208 = vector.extract_strided_slice %convert_element_type3A_38 {offsets = [0, 2432], sizes = [512, 128], strides = [1, 1]} : vector<512x3072xbf16> to vector<512x128xbf16>
      %mul3A_209 = arith.constant 512 : i32
      %mul3A_210 = arith.muli %arg0, %mul3A_209 : i32
      %swap3A_211 = arith.constant 19 : index
      %swap3A_212 = arith.index_cast %mul3A_210 : i32 to index
      %swap3A_213 = arith.constant 0 : index
      %swap3A_214 = vector.load %arg6[%swap3A_211, %swap3A_212, %swap3A_213] : memref<24x2048x128xbf16, #tpu.memory_space<vmem>>, vector<1x512x128xbf16>
      %swap3A_215 = vector.shape_cast %swap3A_214 : vector<1x512x128xbf16> to vector<512x128xbf16>
      %swap3A_216 = vector.shape_cast %slice3A_208 : vector<512x128xbf16> to vector<1x512x128xbf16>
      tpu.vector_store %arg6[%swap3A_211, %swap3A_212, %swap3A_213], %swap3A_216 {strides = array<i32>} : memref<24x2048x128xbf16, #tpu.memory_space<vmem>>, vector<1x512x128xbf16>,
      %slice3A_217 = vector.extract_strided_slice %convert_element_type3A_38 {offsets = [0, 2560], sizes = [512, 128], strides = [1, 1]} : vector<512x3072xbf16> to vector<512x128xbf16>
      %mul3A_218 = arith.constant 512 : i32
      %mul3A_219 = arith.muli %arg0, %mul3A_218 : i32
      %swap3A_220 = arith.constant 20 : index
      %swap3A_221 = arith.index_cast %mul3A_219 : i32 to index
      %swap3A_222 = arith.constant 0 : index
      %swap3A_223 = vector.load %arg6[%swap3A_220, %swap3A_221, %swap3A_222] : memref<24x2048x128xbf16, #tpu.memory_space<vmem>>, vector<1x512x128xbf16>
      %swap3A_224 = vector.shape_cast %swap3A_223 : vector<1x512x128xbf16> to vector<512x128xbf16>
      %swap3A_225 = vector.shape_cast %slice3A_217 : vector<512x128xbf16> to vector<1x512x128xbf16>
      tpu.vector_store %arg6[%swap3A_220, %swap3A_221, %swap3A_222], %swap3A_225 {strides = array<i32>} : memref<24x2048x128xbf16, #tpu.memory_space<vmem>>, vector<1x512x128xbf16>,
      %slice3A_226 = vector.extract_strided_slice %convert_element_type3A_38 {offsets = [0, 2688], sizes = [512, 128], strides = [1, 1]} : vector<512x3072xbf16> to vector<512x128xbf16>
      %mul3A_227 = arith.constant 512 : i32
      %mul3A_228 = arith.muli %arg0, %mul3A_227 : i32
      %swap3A_229 = arith.constant 21 : index
      %swap3A_230 = arith.index_cast %mul3A_228 : i32 to index
      %swap3A_231 = arith.constant 0 : index
      %swap3A_232 = vector.load %arg6[%swap3A_229, %swap3A_230, %swap3A_231] : memref<24x2048x128xbf16, #tpu.memory_space<vmem>>, vector<1x512x128xbf16>
      %swap3A_233 = vector.shape_cast %swap3A_232 : vector<1x512x128xbf16> to vector<512x128xbf16>
      %swap3A_234 = vector.shape_cast %slice3A_226 : vector<512x128xbf16> to vector<1x512x128xbf16>
      tpu.vector_store %arg6[%swap3A_229, %swap3A_230, %swap3A_231], %swap3A_234 {strides = array<i32>} : memref<24x2048x128xbf16, #tpu.memory_space<vmem>>, vector<1x512x128xbf16>,
      %slice3A_235 = vector.extract_strided_slice %convert_element_type3A_38 {offsets = [0, 2816], sizes = [512, 128], strides = [1, 1]} : vector<512x3072xbf16> to vector<512x128xbf16>
      %mul3A_236 = arith.constant 512 : i32
      %mul3A_237 = arith.muli %arg0, %mul3A_236 : i32
      %swap3A_238 = arith.constant 22 : index
      %swap3A_239 = arith.index_cast %mul3A_237 : i32 to index
      %swap3A_240 = arith.constant 0 : index
      %swap3A_241 = vector.load %arg6[%swap3A_238, %swap3A_239, %swap3A_240] : memref<24x2048x128xbf16, #tpu.memory_space<vmem>>, vector<1x512x128xbf16>
      %swap3A_242 = vector.shape_cast %swap3A_241 : vector<1x512x128xbf16> to vector<512x128xbf16>
      %swap3A_243 = vector.shape_cast %slice3A_235 : vector<512x128xbf16> to vector<1x512x128xbf16>
      tpu.vector_store %arg6[%swap3A_238, %swap3A_239, %swap3A_240], %swap3A_243 {strides = array<i32>} : memref<24x2048x128xbf16, #tpu.memory_space<vmem>>, vector<1x512x128xbf16>,
      %slice3A_244 = vector.extract_strided_slice %convert_element_type3A_38 {offsets = [0, 2944], sizes = [512, 128], strides = [1, 1]} : vector<512x3072xbf16> to vector<512x128xbf16>
      %mul3A_245 = arith.constant 512 : i32
      %mul3A_246 = arith.muli %arg0, %mul3A_245 : i32
      %swap3A_247 = arith.constant 23 : index
      %swap3A_248 = arith.index_cast %mul3A_246 : i32 to index
      %swap3A_249 = arith.constant 0 : index
      %swap3A_250 = vector.load %arg6[%swap3A_247, %swap3A_248, %swap3A_249] : memref<24x2048x128xbf16, #tpu.memory_space<vmem>>, vector<1x512x128xbf16>
      %swap3A_251 = vector.shape_cast %swap3A_250 : vector<1x512x128xbf16> to vector<512x128xbf16>
      %swap3A_252 = vector.shape_cast %slice3A_244 : vector<512x128xbf16> to vector<1x512x128xbf16>
      tpu.vector_store %arg6[%swap3A_247, %swap3A_248, %swap3A_249], %swap3A_252 {strides = array<i32>} : memref<24x2048x128xbf16, #tpu.memory_space<vmem>>, vector<1x512x128xbf16>,
    } else {
    }
    %ge3A = arith.constant 4 : i32
    %ge3A_2 = arith.cmpi sge, %arg0, %ge3A : i32
    %convert_element_type3A_3 = arith.extui %ge3A_2 : i1 to i32
    %cond3A_4 = arith.constant 0 : i32
    %cond3A_5 = arith.cmpi ne, %convert_element_type3A_3, %cond3A_4 : i32
    scf.if %cond3A_5 {
      %sub3A = arith.constant 4 : i32
      %sub3A_6 = arith.subi %arg0, %sub3A : i32
      %broadcast_in_dim3A = arith.constant 1.000000e+00 : bf16
      %broadcast_in_dim3A_7 = vector.broadcast %broadcast_in_dim3A : bf16 to vector<512x1xbf16>
      %get3A = arith.index_cast %sub3A_6 : i32 to index
      %get3A_8 = arith.constant 0 : index
      %get3A_9 = arith.constant 0 : index
      %get3A_10 = vector.load %arg6[%get3A, %get3A_8, %get3A_9] : memref<24x2048x128xbf16, #tpu.memory_space<vmem>>, vector<1x512x64xbf16>
      %get3A_11 = vector.shape_cast %get3A_10 : vector<1x512x64xbf16> to vector<512x64xbf16>
      %convert_element_type3A_12 = arith.extf %get3A_11 : vector<512x64xbf16> to vector<512x64xf32>
      %mul3A = arith.constant 1.250000e-01 : f32
      %mul3A_13 = vector.broadcast %mul3A : f32 to vector<512x64xf32>
      %mul3A_14 = arith.mulf %convert_element_type3A_12, %mul3A_13 : vector<512x64xf32>
      %convert_element_type3A_15 = arith.truncf %mul3A_14 : vector<512x64xf32> to vector<512x64xbf16>
      %broadcast_in_dim3A_16 = arith.constant 0.000000e+00 : f32
      %broadcast_in_dim3A_17 = vector.broadcast %broadcast_in_dim3A_16 : f32 to vector<512x1xf32>
      %broadcast_in_dim3A_18 = arith.constant 0.000000e+00 : f32
      %broadcast_in_dim3A_19 = vector.broadcast %broadcast_in_dim3A_18 : f32 to vector<512x64xf32>
      %scan3A = arith.constant 0 : i32
      %scan3A_20 = arith.constant 0 : i32
      %scan3A_21 = arith.addi %scan3A, %scan3A_20 : i32
      %scan3A_22 = arith.constant 0 : i32
      %add3A = arith.constant 8 : i32
      %add3A_23 = arith.addi %add3A, %sub3A_6 : i32
      %get3A_24 = arith.index_cast %add3A_23 : i32 to index
      %get3A_25 = arith.constant 0 : index
      %get3A_26 = arith.constant 0 : index
      %get3A_27 = vector.load %arg6[%get3A_24, %get3A_25, %get3A_26] : memref<24x2048x128xbf16, #tpu.memory_space<vmem>>, vector<1x512x64xbf16>
      %get3A_28 = vector.shape_cast %get3A_27 : vector<1x512x64xbf16> to vector<512x64xbf16>
      %add3A_29 = arith.constant 16 : i32
      %add3A_30 = arith.addi %add3A_29, %sub3A_6 : i32
      %get3A_31 = arith.index_cast %add3A_30 : i32 to index
      %get3A_32 = arith.constant 0 : index
      %get3A_33 = arith.constant 0 : index
      %get3A_34 = vector.load %arg6[%get3A_31, %get3A_32, %get3A_33] : memref<24x2048x128xbf16, #tpu.memory_space<vmem>>, vector<1x512x64xbf16>
      %get3A_35 = vector.shape_cast %get3A_34 : vector<1x512x64xbf16> to vector<512x64xbf16>
      %dot_general3A = arith.constant dense<0.000000e+00> : vector<512x512xf32>
      %dot_general3A_36 = tpu.matmul %convert_element_type3A_15, %get3A_28, %dot_general3A {dimension_numbers = #tpu.dot_dimension_numbers<[1], [1], [0], [0], [0, 0, 1, 0], [], []>, transpose_lhs_hint = false} : vector<512x64xbf16>, vector<512x64xbf16>, vector<512x512xf32> -> vector<512x512xf32>
      %iota3A = tpu.iota {dimensions = array<i32: 0>} : vector<512x512xi32>
      %iota3A_37 = tpu.iota {dimensions = array<i32: 1>} : vector<512x512xi32>
      %ge3A_38 = arith.cmpi sge, %iota3A, %iota3A_37 : vector<512x512xi32>
      %exp3A = math.exp %dot_general3A_36 : vector<512x512xf32>
      %jit3A = arith.constant 0.000000e+00 : f32
      %broadcast_in_dim3A_39 = vector.broadcast %jit3A : f32 to vector<512x512xf32>
      %select_n3A = arith.select %ge3A_38, %exp3A, %broadcast_in_dim3A_39 : vector<512x512xi1>, vector<512x512xf32>
      %convert_element_type3A_40 = arith.truncf %select_n3A : vector<512x512xf32> to vector<512x512xbf16>
      %dot_general3A_41 = arith.constant dense<0.000000e+00> : vector<512x1xf32>
      %dot_general3A_42 = tpu.matmul %convert_element_type3A_40, %broadcast_in_dim3A_7, %dot_general3A_41 {dimension_numbers = #tpu.dot_dimension_numbers<[1], [0], [0], [1], [0, 0, 1, 1], [], []>, transpose_lhs_hint = false} : vector<512x512xbf16>, vector<512x1xbf16>, vector<512x1xf32> -> vector<512x1xf32>
      %add3A_43 = arith.addf %broadcast_in_dim3A_17, %dot_general3A_42 : vector<512x1xf32>
      %dot_general3A_44 = arith.constant dense<0.000000e+00> : vector<512x64xf32>
      %dot_general3A_45 = tpu.matmul %convert_element_type3A_40, %get3A_35, %dot_general3A_44 {dimension_numbers = #tpu.dot_dimension_numbers<[1], [0], [0], [1], [0, 0, 1, 1], [], []>, transpose_lhs_hint = false} : vector<512x512xbf16>, vector<512x64xbf16>, vector<512x64xf32> -> vector<512x64xf32>
      %add3A_46 = arith.addf %broadcast_in_dim3A_19, %dot_general3A_45 : vector<512x64xf32>
      %div3A = vector.broadcast %add3A_43 : vector<512x1xf32> to vector<512x64xf32>
      %div3A_47 = arith.divf %add3A_46, %div3A : vector<512x64xf32>
      %convert_element_type3A_48 = arith.truncf %div3A_47 : vector<512x64xf32> to vector<512x64xbf16>
      %swap3A = arith.constant 0 : index
      %swap3A_49 = arith.constant 0 : index
      %swap3A_50 = vector.load %arg5[%swap3A, %swap3A_49] : memref<2048x128xbf16, #tpu.memory_space<vmem>>, vector<512x64xbf16>
      tpu.vector_store %arg5[%swap3A, %swap3A_49], %convert_element_type3A_48 {strides = array<i32>} : memref<2048x128xbf16, #tpu.memory_space<vmem>>, vector<512x64xbf16>,
      %get3A_51 = arith.index_cast %sub3A_6 : i32 to index
      %get3A_52 = arith.constant 512 : index
      %get3A_53 = arith.constant 0 : index
      %get3A_54 = vector.load %arg6[%get3A_51, %get3A_52, %get3A_53] : memref<24x2048x128xbf16, #tpu.memory_space<vmem>>, vector<1x512x64xbf16>
      %get3A_55 = vector.shape_cast %get3A_54 : vector<1x512x64xbf16> to vector<512x64xbf16>
      %convert_element_type3A_56 = arith.extf %get3A_55 : vector<512x64xbf16> to vector<512x64xf32>
      %mul3A_57 = arith.constant 1.250000e-01 : f32
      %mul3A_58 = vector.broadcast %mul3A_57 : f32 to vector<512x64xf32>
      %mul3A_59 = arith.mulf %convert_element_type3A_56, %mul3A_58 : vector<512x64xf32>
      %convert_element_type3A_60 = arith.truncf %mul3A_59 : vector<512x64xf32> to vector<512x64xbf16>
      %broadcast_in_dim3A_61 = arith.constant 0.000000e+00 : f32
      %broadcast_in_dim3A_62 = vector.broadcast %broadcast_in_dim3A_61 : f32 to vector<512x1xf32>
      %broadcast_in_dim3A_63 = arith.constant 0.000000e+00 : f32
      %broadcast_in_dim3A_64 = vector.broadcast %broadcast_in_dim3A_63 : f32 to vector<512x64xf32>
      %scan3A_65 = arith.constant 0 : i32
      %scan3A_66 = arith.constant 0 : i32
      %scan3A_67 = arith.addi %scan3A_65, %scan3A_66 : i32
      %scan3A_68 = arith.constant 0 : i32
      %scan3A_69 = arith.addi %scan3A_65, %scan3A_68 : i32
      %add3A_70 = arith.constant 8 : i32
      %add3A_71 = arith.addi %add3A_70, %sub3A_6 : i32
      %mul3A_72 = arith.constant 512 : i32
      %mul3A_73 = arith.muli %scan3A_69, %mul3A_72 : i32
      %get3A_74 = arith.index_cast %add3A_71 : i32 to index
      %get3A_75 = arith.index_cast %mul3A_73 : i32 to index
      %get3A_76 = arith.constant 0 : index
      %get3A_77 = vector.load %arg6[%get3A_74, %get3A_75, %get3A_76] : memref<24x2048x128xbf16, #tpu.memory_space<vmem>>, vector<1x512x64xbf16>
      %get3A_78 = vector.shape_cast %get3A_77 : vector<1x512x64xbf16> to vector<512x64xbf16>
      %add3A_79 = arith.constant 16 : i32
      %add3A_80 = arith.addi %add3A_79, %sub3A_6 : i32
      %mul3A_81 = arith.constant 512 : i32
      %mul3A_82 = arith.muli %scan3A_69, %mul3A_81 : i32
      %get3A_83 = arith.index_cast %add3A_80 : i32 to index
      %get3A_84 = arith.index_cast %mul3A_82 : i32 to index
      %get3A_85 = arith.constant 0 : index
      %get3A_86 = vector.load %arg6[%get3A_83, %get3A_84, %get3A_85] : memref<24x2048x128xbf16, #tpu.memory_space<vmem>>, vector<1x512x64xbf16>
      %get3A_87 = vector.shape_cast %get3A_86 : vector<1x512x64xbf16> to vector<512x64xbf16>
      %dot_general3A_88 = arith.constant dense<0.000000e+00> : vector<512x512xf32>
      %dot_general3A_89 = tpu.matmul %convert_element_type3A_60, %get3A_78, %dot_general3A_88 {dimension_numbers = #tpu.dot_dimension_numbers<[1], [1], [0], [0], [0, 0, 1, 0], [], []>, transpose_lhs_hint = false} : vector<512x64xbf16>, vector<512x64xbf16>, vector<512x512xf32> -> vector<512x512xf32>
      %exp3A_90 = math.exp %dot_general3A_89 : vector<512x512xf32>
      %convert_element_type3A_91 = arith.truncf %exp3A_90 : vector<512x512xf32> to vector<512x512xbf16>
      %dot_general3A_92 = arith.constant dense<0.000000e+00> : vector<512x1xf32>
      %dot_general3A_93 = tpu.matmul %convert_element_type3A_91, %broadcast_in_dim3A_7, %dot_general3A_92 {dimension_numbers = #tpu.dot_dimension_numbers<[1], [0], [0], [1], [0, 0, 1, 1], [], []>, transpose_lhs_hint = false} : vector<512x512xbf16>, vector<512x1xbf16>, vector<512x1xf32> -> vector<512x1xf32>
      %add3A_94 = arith.addf %broadcast_in_dim3A_62, %dot_general3A_93 : vector<512x1xf32>
      %dot_general3A_95 = arith.constant dense<0.000000e+00> : vector<512x64xf32>
      %dot_general3A_96 = tpu.matmul %convert_element_type3A_91, %get3A_87, %dot_general3A_95 {dimension_numbers = #tpu.dot_dimension_numbers<[1], [0], [0], [1], [0, 0, 1, 1], [], []>, transpose_lhs_hint = false} : vector<512x512xbf16>, vector<512x64xbf16>, vector<512x64xf32> -> vector<512x64xf32>
      %add3A_97 = arith.addf %broadcast_in_dim3A_64, %dot_general3A_96 : vector<512x64xf32>
      %scan3A_98 = arith.constant 1 : i32
      %add3A_99 = arith.constant 8 : i32
      %add3A_100 = arith.addi %add3A_99, %sub3A_6 : i32
      %get3A_101 = arith.index_cast %add3A_100 : i32 to index
      %get3A_102 = arith.constant 512 : index
      %get3A_103 = arith.constant 0 : index
      %get3A_104 = vector.load %arg6[%get3A_101, %get3A_102, %get3A_103] : memref<24x2048x128xbf16, #tpu.memory_space<vmem>>, vector<1x512x64xbf16>
      %get3A_105 = vector.shape_cast %get3A_104 : vector<1x512x64xbf16> to vector<512x64xbf16>
      %add3A_106 = arith.constant 16 : i32
      %add3A_107 = arith.addi %add3A_106, %sub3A_6 : i32
      %get3A_108 = arith.index_cast %add3A_107 : i32 to index
      %get3A_109 = arith.constant 512 : index
      %get3A_110 = arith.constant 0 : index
      %get3A_111 = vector.load %arg6[%get3A_108, %get3A_109, %get3A_110] : memref<24x2048x128xbf16, #tpu.memory_space<vmem>>, vector<1x512x64xbf16>
      %get3A_112 = vector.shape_cast %get3A_111 : vector<1x512x64xbf16> to vector<512x64xbf16>
      %dot_general3A_113 = arith.constant dense<0.000000e+00> : vector<512x512xf32>
      %dot_general3A_114 = tpu.matmul %convert_element_type3A_60, %get3A_105, %dot_general3A_113 {dimension_numbers = #tpu.dot_dimension_numbers<[1], [1], [0], [0], [0, 0, 1, 0], [], []>, transpose_lhs_hint = false} : vector<512x64xbf16>, vector<512x64xbf16>, vector<512x512xf32> -> vector<512x512xf32>
      %iota3A_115 = tpu.iota {dimensions = array<i32: 0>} : vector<512x512xi32>
      %iota3A_116 = tpu.iota {dimensions = array<i32: 1>} : vector<512x512xi32>
      %ge3A_117 = arith.cmpi sge, %iota3A_115, %iota3A_116 : vector<512x512xi32>
      %exp3A_118 = math.exp %dot_general3A_114 : vector<512x512xf32>
      %jit3A_119 = arith.constant 0.000000e+00 : f32
      %broadcast_in_dim3A_120 = vector.broadcast %jit3A_119 : f32 to vector<512x512xf32>
      %select_n3A_121 = arith.select %ge3A_117, %exp3A_118, %broadcast_in_dim3A_120 : vector<512x512xi1>, vector<512x512xf32>
      %convert_element_type3A_122 = arith.truncf %select_n3A_121 : vector<512x512xf32> to vector<512x512xbf16>
      %dot_general3A_123 = arith.constant dense<0.000000e+00> : vector<512x1xf32>
      %dot_general3A_124 = tpu.matmul %convert_element_type3A_122, %broadcast_in_dim3A_7, %dot_general3A_123 {dimension_numbers = #tpu.dot_dimension_numbers<[1], [0], [0], [1], [0, 0, 1, 1], [], []>, transpose_lhs_hint = false} : vector<512x512xbf16>, vector<512x1xbf16>, vector<512x1xf32> -> vector<512x1xf32>
      %add3A_125 = arith.addf %add3A_94, %dot_general3A_124 : vector<512x1xf32>
      %dot_general3A_126 = arith.constant dense<0.000000e+00> : vector<512x64xf32>
      %dot_general3A_127 = tpu.matmul %convert_element_type3A_122, %get3A_112, %dot_general3A_126 {dimension_numbers = #tpu.dot_dimension_numbers<[1], [0], [0], [1], [0, 0, 1, 1], [], []>, transpose_lhs_hint = false} : vector<512x512xbf16>, vector<512x64xbf16>, vector<512x64xf32> -> vector<512x64xf32>
      %add3A_128 = arith.addf %add3A_97, %dot_general3A_127 : vector<512x64xf32>
      %div3A_129 = vector.broadcast %add3A_125 : vector<512x1xf32> to vector<512x64xf32>
      %div3A_130 = arith.divf %add3A_128, %div3A_129 : vector<512x64xf32>
      %convert_element_type3A_131 = arith.truncf %div3A_130 : vector<512x64xf32> to vector<512x64xbf16>
      %swap3A_132 = arith.constant 512 : index
      %swap3A_133 = arith.constant 0 : index
      %swap3A_134 = vector.load %arg5[%swap3A_132, %swap3A_133] : memref<2048x128xbf16, #tpu.memory_space<vmem>>, vector<512x64xbf16>
      tpu.vector_store %arg5[%swap3A_132, %swap3A_133], %convert_element_type3A_131 {strides = array<i32>} : memref<2048x128xbf16, #tpu.memory_space<vmem>>, vector<512x64xbf16>,
      %get3A_135 = arith.index_cast %sub3A_6 : i32 to index
      %get3A_136 = arith.constant 1024 : index
      %get3A_137 = arith.constant 0 : index
      %get3A_138 = vector.load %arg6[%get3A_135, %get3A_136, %get3A_137] : memref<24x2048x128xbf16, #tpu.memory_space<vmem>>, vector<1x512x64xbf16>
      %get3A_139 = vector.shape_cast %get3A_138 : vector<1x512x64xbf16> to vector<512x64xbf16>
      %convert_element_type3A_140 = arith.extf %get3A_139 : vector<512x64xbf16> to vector<512x64xf32>
      %mul3A_141 = arith.constant 1.250000e-01 : f32
      %mul3A_142 = vector.broadcast %mul3A_141 : f32 to vector<512x64xf32>
      %mul3A_143 = arith.mulf %convert_element_type3A_140, %mul3A_142 : vector<512x64xf32>
      %convert_element_type3A_144 = arith.truncf %mul3A_143 : vector<512x64xf32> to vector<512x64xbf16>
      %broadcast_in_dim3A_145 = arith.constant 0.000000e+00 : f32
      %broadcast_in_dim3A_146 = vector.broadcast %broadcast_in_dim3A_145 : f32 to vector<512x1xf32>
      %broadcast_in_dim3A_147 = arith.constant 0.000000e+00 : f32
      %broadcast_in_dim3A_148 = vector.broadcast %broadcast_in_dim3A_147 : f32 to vector<512x64xf32>
      %scan3A_149 = arith.constant 0 : i32
      %add3A_150 = arith.constant 8 : i32
      %add3A_151 = arith.addi %add3A_150, %sub3A_6 : i32
      %mul3A_152 = arith.constant 512 : i32
      %mul3A_153 = arith.muli %scan3A_149, %mul3A_152 : i32
      %get3A_154 = arith.index_cast %add3A_151 : i32 to index
      %get3A_155 = arith.index_cast %mul3A_153 : i32 to index
      %get3A_156 = arith.constant 0 : index
      %get3A_157 = vector.load %arg6[%get3A_154, %get3A_155, %get3A_156] : memref<24x2048x128xbf16, #tpu.memory_space<vmem>>, vector<1x512x64xbf16>
      %get3A_158 = vector.shape_cast %get3A_157 : vector<1x512x64xbf16> to vector<512x64xbf16>
      %add3A_159 = arith.constant 16 : i32
      %add3A_160 = arith.addi %add3A_159, %sub3A_6 : i32
      %mul3A_161 = arith.constant 512 : i32
      %mul3A_162 = arith.muli %scan3A_149, %mul3A_161 : i32
      %get3A_163 = arith.index_cast %add3A_160 : i32 to index
      %get3A_164 = arith.index_cast %mul3A_162 : i32 to index
      %get3A_165 = arith.constant 0 : index
      %get3A_166 = vector.load %arg6[%get3A_163, %get3A_164, %get3A_165] : memref<24x2048x128xbf16, #tpu.memory_space<vmem>>, vector<1x512x64xbf16>
      %get3A_167 = vector.shape_cast %get3A_166 : vector<1x512x64xbf16> to vector<512x64xbf16>
      %dot_general3A_168 = arith.constant dense<0.000000e+00> : vector<512x512xf32>
      %dot_general3A_169 = tpu.matmul %convert_element_type3A_144, %get3A_158, %dot_general3A_168 {dimension_numbers = #tpu.dot_dimension_numbers<[1], [1], [0], [0], [0, 0, 1, 0], [], []>, transpose_lhs_hint = false} : vector<512x64xbf16>, vector<512x64xbf16>, vector<512x512xf32> -> vector<512x512xf32>
      %exp3A_170 = math.exp %dot_general3A_169 : vector<512x512xf32>
      %convert_element_type3A_171 = arith.truncf %exp3A_170 : vector<512x512xf32> to vector<512x512xbf16>
      %dot_general3A_172 = arith.constant dense<0.000000e+00> : vector<512x1xf32>
      %dot_general3A_173 = tpu.matmul %convert_element_type3A_171, %broadcast_in_dim3A_7, %dot_general3A_172 {dimension_numbers = #tpu.dot_dimension_numbers<[1], [0], [0], [1], [0, 0, 1, 1], [], []>, transpose_lhs_hint = false} : vector<512x512xbf16>, vector<512x1xbf16>, vector<512x1xf32> -> vector<512x1xf32>
      %add3A_174 = arith.addf %broadcast_in_dim3A_146, %dot_general3A_173 : vector<512x1xf32>
      %dot_general3A_175 = arith.constant dense<0.000000e+00> : vector<512x64xf32>
      %dot_general3A_176 = tpu.matmul %convert_element_type3A_171, %get3A_167, %dot_general3A_175 {dimension_numbers = #tpu.dot_dimension_numbers<[1], [0], [0], [1], [0, 0, 1, 1], [], []>, transpose_lhs_hint = false} : vector<512x512xbf16>, vector<512x64xbf16>, vector<512x64xf32> -> vector<512x64xf32>
      %add3A_177 = arith.addf %broadcast_in_dim3A_148, %dot_general3A_176 : vector<512x64xf32>
      %scan3A_178 = arith.constant 1 : i32
      %add3A_179 = arith.constant 8 : i32
      %add3A_180 = arith.addi %add3A_179, %sub3A_6 : i32
      %mul3A_181 = arith.constant 512 : i32
      %mul3A_182 = arith.muli %scan3A_178, %mul3A_181 : i32
      %get3A_183 = arith.index_cast %add3A_180 : i32 to index
      %get3A_184 = arith.index_cast %mul3A_182 : i32 to index
      %get3A_185 = arith.constant 0 : index
      %get3A_186 = vector.load %arg6[%get3A_183, %get3A_184, %get3A_185] : memref<24x2048x128xbf16, #tpu.memory_space<vmem>>, vector<1x512x64xbf16>
      %get3A_187 = vector.shape_cast %get3A_186 : vector<1x512x64xbf16> to vector<512x64xbf16>
      %add3A_188 = arith.constant 16 : i32
      %add3A_189 = arith.addi %add3A_188, %sub3A_6 : i32
      %mul3A_190 = arith.constant 512 : i32
      %mul3A_191 = arith.muli %scan3A_178, %mul3A_190 : i32
      %get3A_192 = arith.index_cast %add3A_189 : i32 to index
      %get3A_193 = arith.index_cast %mul3A_191 : i32 to index
      %get3A_194 = arith.constant 0 : index
      %get3A_195 = vector.load %arg6[%get3A_192, %get3A_193, %get3A_194] : memref<24x2048x128xbf16, #tpu.memory_space<vmem>>, vector<1x512x64xbf16>
      %get3A_196 = vector.shape_cast %get3A_195 : vector<1x512x64xbf16> to vector<512x64xbf16>
      %dot_general3A_197 = arith.constant dense<0.000000e+00> : vector<512x512xf32>
      %dot_general3A_198 = tpu.matmul %convert_element_type3A_144, %get3A_187, %dot_general3A_197 {dimension_numbers = #tpu.dot_dimension_numbers<[1], [1], [0], [0], [0, 0, 1, 0], [], []>, transpose_lhs_hint = false} : vector<512x64xbf16>, vector<512x64xbf16>, vector<512x512xf32> -> vector<512x512xf32>
      %exp3A_199 = math.exp %dot_general3A_198 : vector<512x512xf32>
      %convert_element_type3A_200 = arith.truncf %exp3A_199 : vector<512x512xf32> to vector<512x512xbf16>
      %dot_general3A_201 = arith.constant dense<0.000000e+00> : vector<512x1xf32>
      %dot_general3A_202 = tpu.matmul %convert_element_type3A_200, %broadcast_in_dim3A_7, %dot_general3A_201 {dimension_numbers = #tpu.dot_dimension_numbers<[1], [0], [0], [1], [0, 0, 1, 1], [], []>, transpose_lhs_hint = false} : vector<512x512xbf16>, vector<512x1xbf16>, vector<512x1xf32> -> vector<512x1xf32>
      %add3A_203 = arith.addf %add3A_174, %dot_general3A_202 : vector<512x1xf32>
      %dot_general3A_204 = arith.constant dense<0.000000e+00> : vector<512x64xf32>
      %dot_general3A_205 = tpu.matmul %convert_element_type3A_200, %get3A_196, %dot_general3A_204 {dimension_numbers = #tpu.dot_dimension_numbers<[1], [0], [0], [1], [0, 0, 1, 1], [], []>, transpose_lhs_hint = false} : vector<512x512xbf16>, vector<512x64xbf16>, vector<512x64xf32> -> vector<512x64xf32>
      %add3A_206 = arith.addf %add3A_177, %dot_general3A_205 : vector<512x64xf32>
      %scan3A_207 = arith.constant 2 : i32
      %add3A_208 = arith.constant 8 : i32
      %add3A_209 = arith.addi %add3A_208, %sub3A_6 : i32
      %get3A_210 = arith.index_cast %add3A_209 : i32 to index
      %get3A_211 = arith.constant 1024 : index
      %get3A_212 = arith.constant 0 : index
      %get3A_213 = vector.load %arg6[%get3A_210, %get3A_211, %get3A_212] : memref<24x2048x128xbf16, #tpu.memory_space<vmem>>, vector<1x512x64xbf16>
      %get3A_214 = vector.shape_cast %get3A_213 : vector<1x512x64xbf16> to vector<512x64xbf16>
      %add3A_215 = arith.constant 16 : i32
      %add3A_216 = arith.addi %add3A_215, %sub3A_6 : i32
      %get3A_217 = arith.index_cast %add3A_216 : i32 to index
      %get3A_218 = arith.constant 1024 : index
      %get3A_219 = arith.constant 0 : index
      %get3A_220 = vector.load %arg6[%get3A_217, %get3A_218, %get3A_219] : memref<24x2048x128xbf16, #tpu.memory_space<vmem>>, vector<1x512x64xbf16>
      %get3A_221 = vector.shape_cast %get3A_220 : vector<1x512x64xbf16> to vector<512x64xbf16>
      %dot_general3A_222 = arith.constant dense<0.000000e+00> : vector<512x512xf32>
      %dot_general3A_223 = tpu.matmul %convert_element_type3A_144, %get3A_214, %dot_general3A_222 {dimension_numbers = #tpu.dot_dimension_numbers<[1], [1], [0], [0], [0, 0, 1, 0], [], []>, transpose_lhs_hint = false} : vector<512x64xbf16>, vector<512x64xbf16>, vector<512x512xf32> -> vector<512x512xf32>
      %iota3A_224 = tpu.iota {dimensions = array<i32: 0>} : vector<512x512xi32>
      %iota3A_225 = tpu.iota {dimensions = array<i32: 1>} : vector<512x512xi32>
      %ge3A_226 = arith.cmpi sge, %iota3A_224, %iota3A_225 : vector<512x512xi32>
      %exp3A_227 = math.exp %dot_general3A_223 : vector<512x512xf32>
      %jit3A_228 = arith.constant 0.000000e+00 : f32
      %broadcast_in_dim3A_229 = vector.broadcast %jit3A_228 : f32 to vector<512x512xf32>
      %select_n3A_230 = arith.select %ge3A_226, %exp3A_227, %broadcast_in_dim3A_229 : vector<512x512xi1>, vector<512x512xf32>
      %convert_element_type3A_231 = arith.truncf %select_n3A_230 : vector<512x512xf32> to vector<512x512xbf16>
      %dot_general3A_232 = arith.constant dense<0.000000e+00> : vector<512x1xf32>
      %dot_general3A_233 = tpu.matmul %convert_element_type3A_231, %broadcast_in_dim3A_7, %dot_general3A_232 {dimension_numbers = #tpu.dot_dimension_numbers<[1], [0], [0], [1], [0, 0, 1, 1], [], []>, transpose_lhs_hint = false} : vector<512x512xbf16>, vector<512x1xbf16>, vector<512x1xf32> -> vector<512x1xf32>
      %add3A_234 = arith.addf %add3A_203, %dot_general3A_233 : vector<512x1xf32>
      %dot_general3A_235 = arith.constant dense<0.000000e+00> : vector<512x64xf32>
      %dot_general3A_236 = tpu.matmul %convert_element_type3A_231, %get3A_221, %dot_general3A_235 {dimension_numbers = #tpu.dot_dimension_numbers<[1], [0], [0], [1], [0, 0, 1, 1], [], []>, transpose_lhs_hint = false} : vector<512x512xbf16>, vector<512x64xbf16>, vector<512x64xf32> -> vector<512x64xf32>
      %add3A_237 = arith.addf %add3A_206, %dot_general3A_236 : vector<512x64xf32>
      %div3A_238 = vector.broadcast %add3A_234 : vector<512x1xf32> to vector<512x64xf32>
      %div3A_239 = arith.divf %add3A_237, %div3A_238 : vector<512x64xf32>
      %convert_element_type3A_240 = arith.truncf %div3A_239 : vector<512x64xf32> to vector<512x64xbf16>
      %swap3A_241 = arith.constant 1024 : index
      %swap3A_242 = arith.constant 0 : index
      %swap3A_243 = vector.load %arg5[%swap3A_241, %swap3A_242] : memref<2048x128xbf16, #tpu.memory_space<vmem>>, vector<512x64xbf16>
      tpu.vector_store %arg5[%swap3A_241, %swap3A_242], %convert_element_type3A_240 {strides = array<i32>} : memref<2048x128xbf16, #tpu.memory_space<vmem>>, vector<512x64xbf16>,
      %get3A_244 = arith.index_cast %sub3A_6 : i32 to index
      %get3A_245 = arith.constant 1536 : index
      %get3A_246 = arith.constant 0 : index
      %get3A_247 = vector.load %arg6[%get3A_244, %get3A_245, %get3A_246] : memref<24x2048x128xbf16, #tpu.memory_space<vmem>>, vector<1x512x64xbf16>
      %get3A_248 = vector.shape_cast %get3A_247 : vector<1x512x64xbf16> to vector<512x64xbf16>
      %convert_element_type3A_249 = arith.extf %get3A_248 : vector<512x64xbf16> to vector<512x64xf32>
      %mul3A_250 = arith.constant 1.250000e-01 : f32
      %mul3A_251 = vector.broadcast %mul3A_250 : f32 to vector<512x64xf32>
      %mul3A_252 = arith.mulf %convert_element_type3A_249, %mul3A_251 : vector<512x64xf32>
      %convert_element_type3A_253 = arith.truncf %mul3A_252 : vector<512x64xf32> to vector<512x64xbf16>
      %broadcast_in_dim3A_254 = arith.constant 0.000000e+00 : f32
      %broadcast_in_dim3A_255 = vector.broadcast %broadcast_in_dim3A_254 : f32 to vector<512x1xf32>
      %broadcast_in_dim3A_256 = arith.constant 0.000000e+00 : f32
      %broadcast_in_dim3A_257 = vector.broadcast %broadcast_in_dim3A_256 : f32 to vector<512x64xf32>
      %scan3A_258 = arith.constant 0 : i32
      %scan3A_259 = arith.constant 2 : i32
      %scan3A_260 = arith.addi %scan3A_258, %scan3A_259 : i32
      %scan3A_261 = arith.constant 2 : i32
      %scan3A_262:2 = scf.for %scan3A_663 = %scan3A_258 to %scan3A_260 step %scan3A_261 iter_args(%scan3A_664 = %broadcast_in_dim3A_255, %scan3A_665 = %broadcast_in_dim3A_257) -> (vector<512x1xf32>, vector<512x64xf32>)  : i32 {
        %add3A_666 = arith.constant 8 : i32
        %add3A_667 = arith.addi %add3A_666, %sub3A_6 : i32
        %mul3A_668 = arith.constant 512 : i32
        %mul3A_669 = arith.muli %scan3A_663, %mul3A_668 : i32
        %get3A_670 = arith.index_cast %add3A_667 : i32 to index
        %get3A_671 = arith.index_cast %mul3A_669 : i32 to index
        %get3A_672 = arith.constant 0 : index
        %get3A_673 = vector.load %arg6[%get3A_670, %get3A_671, %get3A_672] : memref<24x2048x128xbf16, #tpu.memory_space<vmem>>, vector<1x512x64xbf16>
        %get3A_674 = vector.shape_cast %get3A_673 : vector<1x512x64xbf16> to vector<512x64xbf16>
        %add3A_675 = arith.constant 16 : i32
        %add3A_676 = arith.addi %add3A_675, %sub3A_6 : i32
        %mul3A_677 = arith.constant 512 : i32
        %mul3A_678 = arith.muli %scan3A_663, %mul3A_677 : i32
        %get3A_679 = arith.index_cast %add3A_676 : i32 to index
        %get3A_680 = arith.index_cast %mul3A_678 : i32 to index
        %get3A_681 = arith.constant 0 : index
        %get3A_682 = vector.load %arg6[%get3A_679, %get3A_680, %get3A_681] : memref<24x2048x128xbf16, #tpu.memory_space<vmem>>, vector<1x512x64xbf16>
        %get3A_683 = vector.shape_cast %get3A_682 : vector<1x512x64xbf16> to vector<512x64xbf16>
        %dot_general3A_684 = arith.constant dense<0.000000e+00> : vector<512x512xf32>
        %dot_general3A_685 = tpu.matmul %convert_element_type3A_253, %get3A_674, %dot_general3A_684 {dimension_numbers = #tpu.dot_dimension_numbers<[1], [1], [0], [0], [0, 0, 1, 0], [], []>, transpose_lhs_hint = false} : vector<512x64xbf16>, vector<512x64xbf16>, vector<512x512xf32> -> vector<512x512xf32>
        %exp3A_686 = math.exp %dot_general3A_685 : vector<512x512xf32>
        %convert_element_type3A_687 = arith.truncf %exp3A_686 : vector<512x512xf32> to vector<512x512xbf16>
        %dot_general3A_688 = arith.constant dense<0.000000e+00> : vector<512x1xf32>
        %dot_general3A_689 = tpu.matmul %convert_element_type3A_687, %broadcast_in_dim3A_7, %dot_general3A_688 {dimension_numbers = #tpu.dot_dimension_numbers<[1], [0], [0], [1], [0, 0, 1, 1], [], []>, transpose_lhs_hint = false} : vector<512x512xbf16>, vector<512x1xbf16>, vector<512x1xf32> -> vector<512x1xf32>
        %add3A_690 = arith.addf %scan3A_664, %dot_general3A_689 : vector<512x1xf32>
        %dot_general3A_691 = arith.constant dense<0.000000e+00> : vector<512x64xf32>
        %dot_general3A_692 = tpu.matmul %convert_element_type3A_687, %get3A_683, %dot_general3A_691 {dimension_numbers = #tpu.dot_dimension_numbers<[1], [0], [0], [1], [0, 0, 1, 1], [], []>, transpose_lhs_hint = false} : vector<512x512xbf16>, vector<512x64xbf16>, vector<512x64xf32> -> vector<512x64xf32>
        %add3A_693 = arith.addf %scan3A_665, %dot_general3A_692 : vector<512x64xf32>
        %scan3A_694 = arith.constant 1 : i32
        %scan3A_695 = arith.addi %scan3A_663, %scan3A_694 : i32
        %add3A_696 = arith.constant 8 : i32
        %add3A_697 = arith.addi %add3A_696, %sub3A_6 : i32
        %mul3A_698 = arith.constant 512 : i32
        %mul3A_699 = arith.muli %scan3A_695, %mul3A_698 : i32
        %get3A_700 = arith.index_cast %add3A_697 : i32 to index
        %get3A_701 = arith.index_cast %mul3A_699 : i32 to index
        %get3A_702 = arith.constant 0 : index
        %get3A_703 = vector.load %arg6[%get3A_700, %get3A_701, %get3A_702] : memref<24x2048x128xbf16, #tpu.memory_space<vmem>>, vector<1x512x64xbf16>
        %get3A_704 = vector.shape_cast %get3A_703 : vector<1x512x64xbf16> to vector<512x64xbf16>
        %add3A_705 = arith.constant 16 : i32
        %add3A_706 = arith.addi %add3A_705, %sub3A_6 : i32
        %mul3A_707 = arith.constant 512 : i32
        %mul3A_708 = arith.muli %scan3A_695, %mul3A_707 : i32
        %get3A_709 = arith.index_cast %add3A_706 : i32 to index
        %get3A_710 = arith.index_cast %mul3A_708 : i32 to index
        %get3A_711 = arith.constant 0 : index
        %get3A_712 = vector.load %arg6[%get3A_709, %get3A_710, %get3A_711] : memref<24x2048x128xbf16, #tpu.memory_space<vmem>>, vector<1x512x64xbf16>
        %get3A_713 = vector.shape_cast %get3A_712 : vector<1x512x64xbf16> to vector<512x64xbf16>
        %dot_general3A_714 = arith.constant dense<0.000000e+00> : vector<512x512xf32>
        %dot_general3A_715 = tpu.matmul %convert_element_type3A_253, %get3A_704, %dot_general3A_714 {dimension_numbers = #tpu.dot_dimension_numbers<[1], [1], [0], [0], [0, 0, 1, 0], [], []>, transpose_lhs_hint = false} : vector<512x64xbf16>, vector<512x64xbf16>, vector<512x512xf32> -> vector<512x512xf32>
        %exp3A_716 = math.exp %dot_general3A_715 : vector<512x512xf32>
        %convert_element_type3A_717 = arith.truncf %exp3A_716 : vector<512x512xf32> to vector<512x512xbf16>
        %dot_general3A_718 = arith.constant dense<0.000000e+00> : vector<512x1xf32>
        %dot_general3A_719 = tpu.matmul %convert_element_type3A_717, %broadcast_in_dim3A_7, %dot_general3A_718 {dimension_numbers = #tpu.dot_dimension_numbers<[1], [0], [0], [1], [0, 0, 1, 1], [], []>, transpose_lhs_hint = false} : vector<512x512xbf16>, vector<512x1xbf16>, vector<512x1xf32> -> vector<512x1xf32>
        %add3A_720 = arith.addf %add3A_690, %dot_general3A_719 : vector<512x1xf32>
        %dot_general3A_721 = arith.constant dense<0.000000e+00> : vector<512x64xf32>
        %dot_general3A_722 = tpu.matmul %convert_element_type3A_717, %get3A_713, %dot_general3A_721 {dimension_numbers = #tpu.dot_dimension_numbers<[1], [0], [0], [1], [0, 0, 1, 1], [], []>, transpose_lhs_hint = false} : vector<512x512xbf16>, vector<512x64xbf16>, vector<512x64xf32> -> vector<512x64xf32>
        %add3A_723 = arith.addf %add3A_693, %dot_general3A_722 : vector<512x64xf32>
        scf.yield %add3A_720, %add3A_723 : vector<512x1xf32>, vector<512x64xf32>
      }
      %scan3A_263 = arith.constant 2 : i32
      %scan3A_264 = arith.addi %scan3A_258, %scan3A_263 : i32
      %add3A_265 = arith.constant 8 : i32
      %add3A_266 = arith.addi %add3A_265, %sub3A_6 : i32
      %mul3A_267 = arith.constant 512 : i32
      %mul3A_268 = arith.muli %scan3A_264, %mul3A_267 : i32
      %get3A_269 = arith.index_cast %add3A_266 : i32 to index
      %get3A_270 = arith.index_cast %mul3A_268 : i32 to index
      %get3A_271 = arith.constant 0 : index
      %get3A_272 = vector.load %arg6[%get3A_269, %get3A_270, %get3A_271] : memref<24x2048x128xbf16, #tpu.memory_space<vmem>>, vector<1x512x64xbf16>
      %get3A_273 = vector.shape_cast %get3A_272 : vector<1x512x64xbf16> to vector<512x64xbf16>
      %add3A_274 = arith.constant 16 : i32
      %add3A_275 = arith.addi %add3A_274, %sub3A_6 : i32
      %mul3A_276 = arith.constant 512 : i32
      %mul3A_277 = arith.muli %scan3A_264, %mul3A_276 : i32
      %get3A_278 = arith.index_cast %add3A_275 : i32 to index
      %get3A_279 = arith.index_cast %mul3A_277 : i32 to index
      %get3A_280 = arith.constant 0 : index
      %get3A_281 = vector.load %arg6[%get3A_278, %get3A_279, %get3A_280] : memref<24x2048x128xbf16, #tpu.memory_space<vmem>>, vector<1x512x64xbf16>
      %get3A_282 = vector.shape_cast %get3A_281 : vector<1x512x64xbf16> to vector<512x64xbf16>
      %dot_general3A_283 = arith.constant dense<0.000000e+00> : vector<512x512xf32>
      %dot_general3A_284 = tpu.matmul %convert_element_type3A_253, %get3A_273, %dot_general3A_283 {dimension_numbers = #tpu.dot_dimension_numbers<[1], [1], [0], [0], [0, 0, 1, 0], [], []>, transpose_lhs_hint = false} : vector<512x64xbf16>, vector<512x64xbf16>, vector<512x512xf32> -> vector<512x512xf32>
      %exp3A_285 = math.exp %dot_general3A_284 : vector<512x512xf32>
      %convert_element_type3A_286 = arith.truncf %exp3A_285 : vector<512x512xf32> to vector<512x512xbf16>
      %dot_general3A_287 = arith.constant dense<0.000000e+00> : vector<512x1xf32>
      %dot_general3A_288 = tpu.matmul %convert_element_type3A_286, %broadcast_in_dim3A_7, %dot_general3A_287 {dimension_numbers = #tpu.dot_dimension_numbers<[1], [0], [0], [1], [0, 0, 1, 1], [], []>, transpose_lhs_hint = false} : vector<512x512xbf16>, vector<512x1xbf16>, vector<512x1xf32> -> vector<512x1xf32>
      %add3A_289 = arith.addf %scan3A_262#0, %dot_general3A_288 : vector<512x1xf32>
      %dot_general3A_290 = arith.constant dense<0.000000e+00> : vector<512x64xf32>
      %dot_general3A_291 = tpu.matmul %convert_element_type3A_286, %get3A_282, %dot_general3A_290 {dimension_numbers = #tpu.dot_dimension_numbers<[1], [0], [0], [1], [0, 0, 1, 1], [], []>, transpose_lhs_hint = false} : vector<512x512xbf16>, vector<512x64xbf16>, vector<512x64xf32> -> vector<512x64xf32>
      %add3A_292 = arith.addf %scan3A_262#1, %dot_general3A_291 : vector<512x64xf32>
      %scan3A_293 = arith.constant 3 : i32
      %add3A_294 = arith.constant 8 : i32
      %add3A_295 = arith.addi %add3A_294, %sub3A_6 : i32
      %get3A_296 = arith.index_cast %add3A_295 : i32 to index
      %get3A_297 = arith.constant 1536 : index
      %get3A_298 = arith.constant 0 : index
      %get3A_299 = vector.load %arg6[%get3A_296, %get3A_297, %get3A_298] : memref<24x2048x128xbf16, #tpu.memory_space<vmem>>, vector<1x512x64xbf16>
      %get3A_300 = vector.shape_cast %get3A_299 : vector<1x512x64xbf16> to vector<512x64xbf16>
      %add3A_301 = arith.constant 16 : i32
      %add3A_302 = arith.addi %add3A_301, %sub3A_6 : i32
      %get3A_303 = arith.index_cast %add3A_302 : i32 to index
      %get3A_304 = arith.constant 1536 : index
      %get3A_305 = arith.constant 0 : index
      %get3A_306 = vector.load %arg6[%get3A_303, %get3A_304, %get3A_305] : memref<24x2048x128xbf16, #tpu.memory_space<vmem>>, vector<1x512x64xbf16>
      %get3A_307 = vector.shape_cast %get3A_306 : vector<1x512x64xbf16> to vector<512x64xbf16>
      %dot_general3A_308 = arith.constant dense<0.000000e+00> : vector<512x512xf32>
      %dot_general3A_309 = tpu.matmul %convert_element_type3A_253, %get3A_300, %dot_general3A_308 {dimension_numbers = #tpu.dot_dimension_numbers<[1], [1], [0], [0], [0, 0, 1, 0], [], []>, transpose_lhs_hint = false} : vector<512x64xbf16>, vector<512x64xbf16>, vector<512x512xf32> -> vector<512x512xf32>
      %iota3A_310 = tpu.iota {dimensions = array<i32: 0>} : vector<512x512xi32>
      %iota3A_311 = tpu.iota {dimensions = array<i32: 1>} : vector<512x512xi32>
      %ge3A_312 = arith.cmpi sge, %iota3A_310, %iota3A_311 : vector<512x512xi32>
      %exp3A_313 = math.exp %dot_general3A_309 : vector<512x512xf32>
      %jit3A_314 = arith.constant 0.000000e+00 : f32
      %broadcast_in_dim3A_315 = vector.broadcast %jit3A_314 : f32 to vector<512x512xf32>
      %select_n3A_316 = arith.select %ge3A_312, %exp3A_313, %broadcast_in_dim3A_315 : vector<512x512xi1>, vector<512x512xf32>
      %convert_element_type3A_317 = arith.truncf %select_n3A_316 : vector<512x512xf32> to vector<512x512xbf16>
      %dot_general3A_318 = arith.constant dense<0.000000e+00> : vector<512x1xf32>
      %dot_general3A_319 = tpu.matmul %convert_element_type3A_317, %broadcast_in_dim3A_7, %dot_general3A_318 {dimension_numbers = #tpu.dot_dimension_numbers<[1], [0], [0], [1], [0, 0, 1, 1], [], []>, transpose_lhs_hint = false} : vector<512x512xbf16>, vector<512x1xbf16>, vector<512x1xf32> -> vector<512x1xf32>
      %add3A_320 = arith.addf %add3A_289, %dot_general3A_319 : vector<512x1xf32>
      %dot_general3A_321 = arith.constant dense<0.000000e+00> : vector<512x64xf32>
      %dot_general3A_322 = tpu.matmul %convert_element_type3A_317, %get3A_307, %dot_general3A_321 {dimension_numbers = #tpu.dot_dimension_numbers<[1], [0], [0], [1], [0, 0, 1, 1], [], []>, transpose_lhs_hint = false} : vector<512x512xbf16>, vector<512x64xbf16>, vector<512x64xf32> -> vector<512x64xf32>
      %add3A_323 = arith.addf %add3A_292, %dot_general3A_322 : vector<512x64xf32>
      %div3A_324 = vector.broadcast %add3A_320 : vector<512x1xf32> to vector<512x64xf32>
      %div3A_325 = arith.divf %add3A_323, %div3A_324 : vector<512x64xf32>
      %convert_element_type3A_326 = arith.truncf %div3A_325 : vector<512x64xf32> to vector<512x64xbf16>
      %swap3A_327 = arith.constant 1536 : index
      %swap3A_328 = arith.constant 0 : index
      %swap3A_329 = vector.load %arg5[%swap3A_327, %swap3A_328] : memref<2048x128xbf16, #tpu.memory_space<vmem>>, vector<512x64xbf16>
      tpu.vector_store %arg5[%swap3A_327, %swap3A_328], %convert_element_type3A_326 {strides = array<i32>} : memref<2048x128xbf16, #tpu.memory_space<vmem>>, vector<512x64xbf16>,
      %get3A_330 = arith.index_cast %sub3A_6 : i32 to index
      %get3A_331 = arith.constant 0 : index
      %get3A_332 = arith.constant 64 : index
      %get3A_333 = vector.load %arg6[%get3A_330, %get3A_331, %get3A_332] : memref<24x2048x128xbf16, #tpu.memory_space<vmem>>, vector<1x512x64xbf16>
      %get3A_334 = vector.shape_cast %get3A_333 : vector<1x512x64xbf16> to vector<512x64xbf16>
      %convert_element_type3A_335 = arith.extf %get3A_334 : vector<512x64xbf16> to vector<512x64xf32>
      %mul3A_336 = arith.constant 1.250000e-01 : f32
      %mul3A_337 = vector.broadcast %mul3A_336 : f32 to vector<512x64xf32>
      %mul3A_338 = arith.mulf %convert_element_type3A_335, %mul3A_337 : vector<512x64xf32>
      %convert_element_type3A_339 = arith.truncf %mul3A_338 : vector<512x64xf32> to vector<512x64xbf16>
      %broadcast_in_dim3A_340 = arith.constant 0.000000e+00 : f32
      %broadcast_in_dim3A_341 = vector.broadcast %broadcast_in_dim3A_340 : f32 to vector<512x1xf32>
      %broadcast_in_dim3A_342 = arith.constant 0.000000e+00 : f32
      %broadcast_in_dim3A_343 = vector.broadcast %broadcast_in_dim3A_342 : f32 to vector<512x64xf32>
      %scan3A_344 = arith.constant 0 : i32
      %scan3A_345 = arith.constant 0 : i32
      %scan3A_346 = arith.addi %scan3A_344, %scan3A_345 : i32
      %scan3A_347 = arith.constant 0 : i32
      %add3A_348 = arith.constant 8 : i32
      %add3A_349 = arith.addi %add3A_348, %sub3A_6 : i32
      %get3A_350 = arith.index_cast %add3A_349 : i32 to index
      %get3A_351 = arith.constant 0 : index
      %get3A_352 = arith.constant 64 : index
      %get3A_353 = vector.load %arg6[%get3A_350, %get3A_351, %get3A_352] : memref<24x2048x128xbf16, #tpu.memory_space<vmem>>, vector<1x512x64xbf16>
      %get3A_354 = vector.shape_cast %get3A_353 : vector<1x512x64xbf16> to vector<512x64xbf16>
      %add3A_355 = arith.constant 16 : i32
      %add3A_356 = arith.addi %add3A_355, %sub3A_6 : i32
      %get3A_357 = arith.index_cast %add3A_356 : i32 to index
      %get3A_358 = arith.constant 0 : index
      %get3A_359 = arith.constant 64 : index
      %get3A_360 = vector.load %arg6[%get3A_357, %get3A_358, %get3A_359] : memref<24x2048x128xbf16, #tpu.memory_space<vmem>>, vector<1x512x64xbf16>
      %get3A_361 = vector.shape_cast %get3A_360 : vector<1x512x64xbf16> to vector<512x64xbf16>
      %dot_general3A_362 = arith.constant dense<0.000000e+00> : vector<512x512xf32>
      %dot_general3A_363 = tpu.matmul %convert_element_type3A_339, %get3A_354, %dot_general3A_362 {dimension_numbers = #tpu.dot_dimension_numbers<[1], [1], [0], [0], [0, 0, 1, 0], [], []>, transpose_lhs_hint = false} : vector<512x64xbf16>, vector<512x64xbf16>, vector<512x512xf32> -> vector<512x512xf32>
      %iota3A_364 = tpu.iota {dimensions = array<i32: 0>} : vector<512x512xi32>
      %iota3A_365 = tpu.iota {dimensions = array<i32: 1>} : vector<512x512xi32>
      %ge3A_366 = arith.cmpi sge, %iota3A_364, %iota3A_365 : vector<512x512xi32>
      %exp3A_367 = math.exp %dot_general3A_363 : vector<512x512xf32>
      %jit3A_368 = arith.constant 0.000000e+00 : f32
      %broadcast_in_dim3A_369 = vector.broadcast %jit3A_368 : f32 to vector<512x512xf32>
      %select_n3A_370 = arith.select %ge3A_366, %exp3A_367, %broadcast_in_dim3A_369 : vector<512x512xi1>, vector<512x512xf32>
      %convert_element_type3A_371 = arith.truncf %select_n3A_370 : vector<512x512xf32> to vector<512x512xbf16>
      %dot_general3A_372 = arith.constant dense<0.000000e+00> : vector<512x1xf32>
      %dot_general3A_373 = tpu.matmul %convert_element_type3A_371, %broadcast_in_dim3A_7, %dot_general3A_372 {dimension_numbers = #tpu.dot_dimension_numbers<[1], [0], [0], [1], [0, 0, 1, 1], [], []>, transpose_lhs_hint = false} : vector<512x512xbf16>, vector<512x1xbf16>, vector<512x1xf32> -> vector<512x1xf32>
      %add3A_374 = arith.addf %broadcast_in_dim3A_341, %dot_general3A_373 : vector<512x1xf32>
      %dot_general3A_375 = arith.constant dense<0.000000e+00> : vector<512x64xf32>
      %dot_general3A_376 = tpu.matmul %convert_element_type3A_371, %get3A_361, %dot_general3A_375 {dimension_numbers = #tpu.dot_dimension_numbers<[1], [0], [0], [1], [0, 0, 1, 1], [], []>, transpose_lhs_hint = false} : vector<512x512xbf16>, vector<512x64xbf16>, vector<512x64xf32> -> vector<512x64xf32>
      %add3A_377 = arith.addf %broadcast_in_dim3A_343, %dot_general3A_376 : vector<512x64xf32>
      %div3A_378 = vector.broadcast %add3A_374 : vector<512x1xf32> to vector<512x64xf32>
      %div3A_379 = arith.divf %add3A_377, %div3A_378 : vector<512x64xf32>
      %convert_element_type3A_380 = arith.truncf %div3A_379 : vector<512x64xf32> to vector<512x64xbf16>
      %swap3A_381 = arith.constant 0 : index
      %swap3A_382 = arith.constant 64 : index
      %swap3A_383 = vector.load %arg5[%swap3A_381, %swap3A_382] : memref<2048x128xbf16, #tpu.memory_space<vmem>>, vector<512x64xbf16>
      tpu.vector_store %arg5[%swap3A_381, %swap3A_382], %convert_element_type3A_380 {strides = array<i32>} : memref<2048x128xbf16, #tpu.memory_space<vmem>>, vector<512x64xbf16>,
      %get3A_384 = arith.index_cast %sub3A_6 : i32 to index
      %get3A_385 = arith.constant 512 : index
      %get3A_386 = arith.constant 64 : index
      %get3A_387 = vector.load %arg6[%get3A_384, %get3A_385, %get3A_386] : memref<24x2048x128xbf16, #tpu.memory_space<vmem>>, vector<1x512x64xbf16>
      %get3A_388 = vector.shape_cast %get3A_387 : vector<1x512x64xbf16> to vector<512x64xbf16>
      %convert_element_type3A_389 = arith.extf %get3A_388 : vector<512x64xbf16> to vector<512x64xf32>
      %mul3A_390 = arith.constant 1.250000e-01 : f32
      %mul3A_391 = vector.broadcast %mul3A_390 : f32 to vector<512x64xf32>
      %mul3A_392 = arith.mulf %convert_element_type3A_389, %mul3A_391 : vector<512x64xf32>
      %convert_element_type3A_393 = arith.truncf %mul3A_392 : vector<512x64xf32> to vector<512x64xbf16>
      %broadcast_in_dim3A_394 = arith.constant 0.000000e+00 : f32
      %broadcast_in_dim3A_395 = vector.broadcast %broadcast_in_dim3A_394 : f32 to vector<512x1xf32>
      %broadcast_in_dim3A_396 = arith.constant 0.000000e+00 : f32
      %broadcast_in_dim3A_397 = vector.broadcast %broadcast_in_dim3A_396 : f32 to vector<512x64xf32>
      %scan3A_398 = arith.constant 0 : i32
      %scan3A_399 = arith.constant 0 : i32
      %scan3A_400 = arith.addi %scan3A_398, %scan3A_399 : i32
      %scan3A_401 = arith.constant 0 : i32
      %scan3A_402 = arith.addi %scan3A_398, %scan3A_401 : i32
      %add3A_403 = arith.constant 8 : i32
      %add3A_404 = arith.addi %add3A_403, %sub3A_6 : i32
      %mul3A_405 = arith.constant 512 : i32
      %mul3A_406 = arith.muli %scan3A_402, %mul3A_405 : i32
      %get3A_407 = arith.index_cast %add3A_404 : i32 to index
      %get3A_408 = arith.index_cast %mul3A_406 : i32 to index
      %get3A_409 = arith.constant 64 : index
      %get3A_410 = vector.load %arg6[%get3A_407, %get3A_408, %get3A_409] : memref<24x2048x128xbf16, #tpu.memory_space<vmem>>, vector<1x512x64xbf16>
      %get3A_411 = vector.shape_cast %get3A_410 : vector<1x512x64xbf16> to vector<512x64xbf16>
      %add3A_412 = arith.constant 16 : i32
      %add3A_413 = arith.addi %add3A_412, %sub3A_6 : i32
      %mul3A_414 = arith.constant 512 : i32
      %mul3A_415 = arith.muli %scan3A_402, %mul3A_414 : i32
      %get3A_416 = arith.index_cast %add3A_413 : i32 to index
      %get3A_417 = arith.index_cast %mul3A_415 : i32 to index
      %get3A_418 = arith.constant 64 : index
      %get3A_419 = vector.load %arg6[%get3A_416, %get3A_417, %get3A_418] : memref<24x2048x128xbf16, #tpu.memory_space<vmem>>, vector<1x512x64xbf16>
      %get3A_420 = vector.shape_cast %get3A_419 : vector<1x512x64xbf16> to vector<512x64xbf16>
      %dot_general3A_421 = arith.constant dense<0.000000e+00> : vector<512x512xf32>
      %dot_general3A_422 = tpu.matmul %convert_element_type3A_393, %get3A_411, %dot_general3A_421 {dimension_numbers = #tpu.dot_dimension_numbers<[1], [1], [0], [0], [0, 0, 1, 0], [], []>, transpose_lhs_hint = false} : vector<512x64xbf16>, vector<512x64xbf16>, vector<512x512xf32> -> vector<512x512xf32>
      %exp3A_423 = math.exp %dot_general3A_422 : vector<512x512xf32>
      %convert_element_type3A_424 = arith.truncf %exp3A_423 : vector<512x512xf32> to vector<512x512xbf16>
      %dot_general3A_425 = arith.constant dense<0.000000e+00> : vector<512x1xf32>
      %dot_general3A_426 = tpu.matmul %convert_element_type3A_424, %broadcast_in_dim3A_7, %dot_general3A_425 {dimension_numbers = #tpu.dot_dimension_numbers<[1], [0], [0], [1], [0, 0, 1, 1], [], []>, transpose_lhs_hint = false} : vector<512x512xbf16>, vector<512x1xbf16>, vector<512x1xf32> -> vector<512x1xf32>
      %add3A_427 = arith.addf %broadcast_in_dim3A_395, %dot_general3A_426 : vector<512x1xf32>
      %dot_general3A_428 = arith.constant dense<0.000000e+00> : vector<512x64xf32>
      %dot_general3A_429 = tpu.matmul %convert_element_type3A_424, %get3A_420, %dot_general3A_428 {dimension_numbers = #tpu.dot_dimension_numbers<[1], [0], [0], [1], [0, 0, 1, 1], [], []>, transpose_lhs_hint = false} : vector<512x512xbf16>, vector<512x64xbf16>, vector<512x64xf32> -> vector<512x64xf32>
      %add3A_430 = arith.addf %broadcast_in_dim3A_397, %dot_general3A_429 : vector<512x64xf32>
      %scan3A_431 = arith.constant 1 : i32
      %add3A_432 = arith.constant 8 : i32
      %add3A_433 = arith.addi %add3A_432, %sub3A_6 : i32
      %get3A_434 = arith.index_cast %add3A_433 : i32 to index
      %get3A_435 = arith.constant 512 : index
      %get3A_436 = arith.constant 64 : index
      %get3A_437 = vector.load %arg6[%get3A_434, %get3A_435, %get3A_436] : memref<24x2048x128xbf16, #tpu.memory_space<vmem>>, vector<1x512x64xbf16>
      %get3A_438 = vector.shape_cast %get3A_437 : vector<1x512x64xbf16> to vector<512x64xbf16>
      %add3A_439 = arith.constant 16 : i32
      %add3A_440 = arith.addi %add3A_439, %sub3A_6 : i32
      %get3A_441 = arith.index_cast %add3A_440 : i32 to index
      %get3A_442 = arith.constant 512 : index
      %get3A_443 = arith.constant 64 : index
      %get3A_444 = vector.load %arg6[%get3A_441, %get3A_442, %get3A_443] : memref<24x2048x128xbf16, #tpu.memory_space<vmem>>, vector<1x512x64xbf16>
      %get3A_445 = vector.shape_cast %get3A_444 : vector<1x512x64xbf16> to vector<512x64xbf16>
      %dot_general3A_446 = arith.constant dense<0.000000e+00> : vector<512x512xf32>
      %dot_general3A_447 = tpu.matmul %convert_element_type3A_393, %get3A_438, %dot_general3A_446 {dimension_numbers = #tpu.dot_dimension_numbers<[1], [1], [0], [0], [0, 0, 1, 0], [], []>, transpose_lhs_hint = false} : vector<512x64xbf16>, vector<512x64xbf16>, vector<512x512xf32> -> vector<512x512xf32>
      %iota3A_448 = tpu.iota {dimensions = array<i32: 0>} : vector<512x512xi32>
      %iota3A_449 = tpu.iota {dimensions = array<i32: 1>} : vector<512x512xi32>
      %ge3A_450 = arith.cmpi sge, %iota3A_448, %iota3A_449 : vector<512x512xi32>
      %exp3A_451 = math.exp %dot_general3A_447 : vector<512x512xf32>
      %jit3A_452 = arith.constant 0.000000e+00 : f32
      %broadcast_in_dim3A_453 = vector.broadcast %jit3A_452 : f32 to vector<512x512xf32>
      %select_n3A_454 = arith.select %ge3A_450, %exp3A_451, %broadcast_in_dim3A_453 : vector<512x512xi1>, vector<512x512xf32>
      %convert_element_type3A_455 = arith.truncf %select_n3A_454 : vector<512x512xf32> to vector<512x512xbf16>
      %dot_general3A_456 = arith.constant dense<0.000000e+00> : vector<512x1xf32>
      %dot_general3A_457 = tpu.matmul %convert_element_type3A_455, %broadcast_in_dim3A_7, %dot_general3A_456 {dimension_numbers = #tpu.dot_dimension_numbers<[1], [0], [0], [1], [0, 0, 1, 1], [], []>, transpose_lhs_hint = false} : vector<512x512xbf16>, vector<512x1xbf16>, vector<512x1xf32> -> vector<512x1xf32>
      %add3A_458 = arith.addf %add3A_427, %dot_general3A_457 : vector<512x1xf32>
      %dot_general3A_459 = arith.constant dense<0.000000e+00> : vector<512x64xf32>
      %dot_general3A_460 = tpu.matmul %convert_element_type3A_455, %get3A_445, %dot_general3A_459 {dimension_numbers = #tpu.dot_dimension_numbers<[1], [0], [0], [1], [0, 0, 1, 1], [], []>, transpose_lhs_hint = false} : vector<512x512xbf16>, vector<512x64xbf16>, vector<512x64xf32> -> vector<512x64xf32>
      %add3A_461 = arith.addf %add3A_430, %dot_general3A_460 : vector<512x64xf32>
      %div3A_462 = vector.broadcast %add3A_458 : vector<512x1xf32> to vector<512x64xf32>
      %div3A_463 = arith.divf %add3A_461, %div3A_462 : vector<512x64xf32>
      %convert_element_type3A_464 = arith.truncf %div3A_463 : vector<512x64xf32> to vector<512x64xbf16>
      %swap3A_465 = arith.constant 512 : index
      %swap3A_466 = arith.constant 64 : index
      %swap3A_467 = vector.load %arg5[%swap3A_465, %swap3A_466] : memref<2048x128xbf16, #tpu.memory_space<vmem>>, vector<512x64xbf16>
      tpu.vector_store %arg5[%swap3A_465, %swap3A_466], %convert_element_type3A_464 {strides = array<i32>} : memref<2048x128xbf16, #tpu.memory_space<vmem>>, vector<512x64xbf16>,
      %get3A_468 = arith.index_cast %sub3A_6 : i32 to index
      %get3A_469 = arith.constant 1024 : index
      %get3A_470 = arith.constant 64 : index
      %get3A_471 = vector.load %arg6[%get3A_468, %get3A_469, %get3A_470] : memref<24x2048x128xbf16, #tpu.memory_space<vmem>>, vector<1x512x64xbf16>
      %get3A_472 = vector.shape_cast %get3A_471 : vector<1x512x64xbf16> to vector<512x64xbf16>
      %convert_element_type3A_473 = arith.extf %get3A_472 : vector<512x64xbf16> to vector<512x64xf32>
      %mul3A_474 = arith.constant 1.250000e-01 : f32
      %mul3A_475 = vector.broadcast %mul3A_474 : f32 to vector<512x64xf32>
      %mul3A_476 = arith.mulf %convert_element_type3A_473, %mul3A_475 : vector<512x64xf32>
      %convert_element_type3A_477 = arith.truncf %mul3A_476 : vector<512x64xf32> to vector<512x64xbf16>
      %broadcast_in_dim3A_478 = arith.constant 0.000000e+00 : f32
      %broadcast_in_dim3A_479 = vector.broadcast %broadcast_in_dim3A_478 : f32 to vector<512x1xf32>
      %broadcast_in_dim3A_480 = arith.constant 0.000000e+00 : f32
      %broadcast_in_dim3A_481 = vector.broadcast %broadcast_in_dim3A_480 : f32 to vector<512x64xf32>
      %scan3A_482 = arith.constant 0 : i32
      %add3A_483 = arith.constant 8 : i32
      %add3A_484 = arith.addi %add3A_483, %sub3A_6 : i32
      %mul3A_485 = arith.constant 512 : i32
      %mul3A_486 = arith.muli %scan3A_482, %mul3A_485 : i32
      %get3A_487 = arith.index_cast %add3A_484 : i32 to index
      %get3A_488 = arith.index_cast %mul3A_486 : i32 to index
      %get3A_489 = arith.constant 64 : index
      %get3A_490 = vector.load %arg6[%get3A_487, %get3A_488, %get3A_489] : memref<24x2048x128xbf16, #tpu.memory_space<vmem>>, vector<1x512x64xbf16>
      %get3A_491 = vector.shape_cast %get3A_490 : vector<1x512x64xbf16> to vector<512x64xbf16>
      %add3A_492 = arith.constant 16 : i32
      %add3A_493 = arith.addi %add3A_492, %sub3A_6 : i32
      %mul3A_494 = arith.constant 512 : i32
      %mul3A_495 = arith.muli %scan3A_482, %mul3A_494 : i32
      %get3A_496 = arith.index_cast %add3A_493 : i32 to index
      %get3A_497 = arith.index_cast %mul3A_495 : i32 to index
      %get3A_498 = arith.constant 64 : index
      %get3A_499 = vector.load %arg6[%get3A_496, %get3A_497, %get3A_498] : memref<24x2048x128xbf16, #tpu.memory_space<vmem>>, vector<1x512x64xbf16>
      %get3A_500 = vector.shape_cast %get3A_499 : vector<1x512x64xbf16> to vector<512x64xbf16>
      %dot_general3A_501 = arith.constant dense<0.000000e+00> : vector<512x512xf32>
      %dot_general3A_502 = tpu.matmul %convert_element_type3A_477, %get3A_491, %dot_general3A_501 {dimension_numbers = #tpu.dot_dimension_numbers<[1], [1], [0], [0], [0, 0, 1, 0], [], []>, transpose_lhs_hint = false} : vector<512x64xbf16>, vector<512x64xbf16>, vector<512x512xf32> -> vector<512x512xf32>
      %exp3A_503 = math.exp %dot_general3A_502 : vector<512x512xf32>
      %convert_element_type3A_504 = arith.truncf %exp3A_503 : vector<512x512xf32> to vector<512x512xbf16>
      %dot_general3A_505 = arith.constant dense<0.000000e+00> : vector<512x1xf32>
      %dot_general3A_506 = tpu.matmul %convert_element_type3A_504, %broadcast_in_dim3A_7, %dot_general3A_505 {dimension_numbers = #tpu.dot_dimension_numbers<[1], [0], [0], [1], [0, 0, 1, 1], [], []>, transpose_lhs_hint = false} : vector<512x512xbf16>, vector<512x1xbf16>, vector<512x1xf32> -> vector<512x1xf32>
      %add3A_507 = arith.addf %broadcast_in_dim3A_479, %dot_general3A_506 : vector<512x1xf32>
      %dot_general3A_508 = arith.constant dense<0.000000e+00> : vector<512x64xf32>
      %dot_general3A_509 = tpu.matmul %convert_element_type3A_504, %get3A_500, %dot_general3A_508 {dimension_numbers = #tpu.dot_dimension_numbers<[1], [0], [0], [1], [0, 0, 1, 1], [], []>, transpose_lhs_hint = false} : vector<512x512xbf16>, vector<512x64xbf16>, vector<512x64xf32> -> vector<512x64xf32>
      %add3A_510 = arith.addf %broadcast_in_dim3A_481, %dot_general3A_509 : vector<512x64xf32>
      %scan3A_511 = arith.constant 1 : i32
      %add3A_512 = arith.constant 8 : i32
      %add3A_513 = arith.addi %add3A_512, %sub3A_6 : i32
      %mul3A_514 = arith.constant 512 : i32
      %mul3A_515 = arith.muli %scan3A_511, %mul3A_514 : i32
      %get3A_516 = arith.index_cast %add3A_513 : i32 to index
      %get3A_517 = arith.index_cast %mul3A_515 : i32 to index
      %get3A_518 = arith.constant 64 : index
      %get3A_519 = vector.load %arg6[%get3A_516, %get3A_517, %get3A_518] : memref<24x2048x128xbf16, #tpu.memory_space<vmem>>, vector<1x512x64xbf16>
      %get3A_520 = vector.shape_cast %get3A_519 : vector<1x512x64xbf16> to vector<512x64xbf16>
      %add3A_521 = arith.constant 16 : i32
      %add3A_522 = arith.addi %add3A_521, %sub3A_6 : i32
      %mul3A_523 = arith.constant 512 : i32
      %mul3A_524 = arith.muli %scan3A_511, %mul3A_523 : i32
      %get3A_525 = arith.index_cast %add3A_522 : i32 to index
      %get3A_526 = arith.index_cast %mul3A_524 : i32 to index
      %get3A_527 = arith.constant 64 : index
      %get3A_528 = vector.load %arg6[%get3A_525, %get3A_526, %get3A_527] : memref<24x2048x128xbf16, #tpu.memory_space<vmem>>, vector<1x512x64xbf16>
      %get3A_529 = vector.shape_cast %get3A_528 : vector<1x512x64xbf16> to vector<512x64xbf16>
      %dot_general3A_530 = arith.constant dense<0.000000e+00> : vector<512x512xf32>
      %dot_general3A_531 = tpu.matmul %convert_element_type3A_477, %get3A_520, %dot_general3A_530 {dimension_numbers = #tpu.dot_dimension_numbers<[1], [1], [0], [0], [0, 0, 1, 0], [], []>, transpose_lhs_hint = false} : vector<512x64xbf16>, vector<512x64xbf16>, vector<512x512xf32> -> vector<512x512xf32>
      %exp3A_532 = math.exp %dot_general3A_531 : vector<512x512xf32>
      %convert_element_type3A_533 = arith.truncf %exp3A_532 : vector<512x512xf32> to vector<512x512xbf16>
      %dot_general3A_534 = arith.constant dense<0.000000e+00> : vector<512x1xf32>
      %dot_general3A_535 = tpu.matmul %convert_element_type3A_533, %broadcast_in_dim3A_7, %dot_general3A_534 {dimension_numbers = #tpu.dot_dimension_numbers<[1], [0], [0], [1], [0, 0, 1, 1], [], []>, transpose_lhs_hint = false} : vector<512x512xbf16>, vector<512x1xbf16>, vector<512x1xf32> -> vector<512x1xf32>
      %add3A_536 = arith.addf %add3A_507, %dot_general3A_535 : vector<512x1xf32>
      %dot_general3A_537 = arith.constant dense<0.000000e+00> : vector<512x64xf32>
      %dot_general3A_538 = tpu.matmul %convert_element_type3A_533, %get3A_529, %dot_general3A_537 {dimension_numbers = #tpu.dot_dimension_numbers<[1], [0], [0], [1], [0, 0, 1, 1], [], []>, transpose_lhs_hint = false} : vector<512x512xbf16>, vector<512x64xbf16>, vector<512x64xf32> -> vector<512x64xf32>
      %add3A_539 = arith.addf %add3A_510, %dot_general3A_538 : vector<512x64xf32>
      %scan3A_540 = arith.constant 2 : i32
      %add3A_541 = arith.constant 8 : i32
      %add3A_542 = arith.addi %add3A_541, %sub3A_6 : i32
      %get3A_543 = arith.index_cast %add3A_542 : i32 to index
      %get3A_544 = arith.constant 1024 : index
      %get3A_545 = arith.constant 64 : index
      %get3A_546 = vector.load %arg6[%get3A_543, %get3A_544, %get3A_545] : memref<24x2048x128xbf16, #tpu.memory_space<vmem>>, vector<1x512x64xbf16>
      %get3A_547 = vector.shape_cast %get3A_546 : vector<1x512x64xbf16> to vector<512x64xbf16>
      %add3A_548 = arith.constant 16 : i32
      %add3A_549 = arith.addi %add3A_548, %sub3A_6 : i32
      %get3A_550 = arith.index_cast %add3A_549 : i32 to index
      %get3A_551 = arith.constant 1024 : index
      %get3A_552 = arith.constant 64 : index
      %get3A_553 = vector.load %arg6[%get3A_550, %get3A_551, %get3A_552] : memref<24x2048x128xbf16, #tpu.memory_space<vmem>>, vector<1x512x64xbf16>
      %get3A_554 = vector.shape_cast %get3A_553 : vector<1x512x64xbf16> to vector<512x64xbf16>
      %dot_general3A_555 = arith.constant dense<0.000000e+00> : vector<512x512xf32>
      %dot_general3A_556 = tpu.matmul %convert_element_type3A_477, %get3A_547, %dot_general3A_555 {dimension_numbers = #tpu.dot_dimension_numbers<[1], [1], [0], [0], [0, 0, 1, 0], [], []>, transpose_lhs_hint = false} : vector<512x64xbf16>, vector<512x64xbf16>, vector<512x512xf32> -> vector<512x512xf32>
      %iota3A_557 = tpu.iota {dimensions = array<i32: 0>} : vector<512x512xi32>
      %iota3A_558 = tpu.iota {dimensions = array<i32: 1>} : vector<512x512xi32>
      %ge3A_559 = arith.cmpi sge, %iota3A_557, %iota3A_558 : vector<512x512xi32>
      %exp3A_560 = math.exp %dot_general3A_556 : vector<512x512xf32>
      %jit3A_561 = arith.constant 0.000000e+00 : f32
      %broadcast_in_dim3A_562 = vector.broadcast %jit3A_561 : f32 to vector<512x512xf32>
      %select_n3A_563 = arith.select %ge3A_559, %exp3A_560, %broadcast_in_dim3A_562 : vector<512x512xi1>, vector<512x512xf32>
      %convert_element_type3A_564 = arith.truncf %select_n3A_563 : vector<512x512xf32> to vector<512x512xbf16>
      %dot_general3A_565 = arith.constant dense<0.000000e+00> : vector<512x1xf32>
      %dot_general3A_566 = tpu.matmul %convert_element_type3A_564, %broadcast_in_dim3A_7, %dot_general3A_565 {dimension_numbers = #tpu.dot_dimension_numbers<[1], [0], [0], [1], [0, 0, 1, 1], [], []>, transpose_lhs_hint = false} : vector<512x512xbf16>, vector<512x1xbf16>, vector<512x1xf32> -> vector<512x1xf32>
      %add3A_567 = arith.addf %add3A_536, %dot_general3A_566 : vector<512x1xf32>
      %dot_general3A_568 = arith.constant dense<0.000000e+00> : vector<512x64xf32>
      %dot_general3A_569 = tpu.matmul %convert_element_type3A_564, %get3A_554, %dot_general3A_568 {dimension_numbers = #tpu.dot_dimension_numbers<[1], [0], [0], [1], [0, 0, 1, 1], [], []>, transpose_lhs_hint = false} : vector<512x512xbf16>, vector<512x64xbf16>, vector<512x64xf32> -> vector<512x64xf32>
      %add3A_570 = arith.addf %add3A_539, %dot_general3A_569 : vector<512x64xf32>
      %div3A_571 = vector.broadcast %add3A_567 : vector<512x1xf32> to vector<512x64xf32>
      %div3A_572 = arith.divf %add3A_570, %div3A_571 : vector<512x64xf32>
      %convert_element_type3A_573 = arith.truncf %div3A_572 : vector<512x64xf32> to vector<512x64xbf16>
      %swap3A_574 = arith.constant 1024 : index
      %swap3A_575 = arith.constant 64 : index
      %swap3A_576 = vector.load %arg5[%swap3A_574, %swap3A_575] : memref<2048x128xbf16, #tpu.memory_space<vmem>>, vector<512x64xbf16>
      tpu.vector_store %arg5[%swap3A_574, %swap3A_575], %convert_element_type3A_573 {strides = array<i32>} : memref<2048x128xbf16, #tpu.memory_space<vmem>>, vector<512x64xbf16>,
      %get3A_577 = arith.index_cast %sub3A_6 : i32 to index
      %get3A_578 = arith.constant 1536 : index
      %get3A_579 = arith.constant 64 : index
      %get3A_580 = vector.load %arg6[%get3A_577, %get3A_578, %get3A_579] : memref<24x2048x128xbf16, #tpu.memory_space<vmem>>, vector<1x512x64xbf16>
      %get3A_581 = vector.shape_cast %get3A_580 : vector<1x512x64xbf16> to vector<512x64xbf16>
      %convert_element_type3A_582 = arith.extf %get3A_581 : vector<512x64xbf16> to vector<512x64xf32>
      %mul3A_583 = arith.constant 1.250000e-01 : f32
      %mul3A_584 = vector.broadcast %mul3A_583 : f32 to vector<512x64xf32>
      %mul3A_585 = arith.mulf %convert_element_type3A_582, %mul3A_584 : vector<512x64xf32>
      %convert_element_type3A_586 = arith.truncf %mul3A_585 : vector<512x64xf32> to vector<512x64xbf16>
      %broadcast_in_dim3A_587 = arith.constant 0.000000e+00 : f32
      %broadcast_in_dim3A_588 = vector.broadcast %broadcast_in_dim3A_587 : f32 to vector<512x1xf32>
      %broadcast_in_dim3A_589 = arith.constant 0.000000e+00 : f32
      %broadcast_in_dim3A_590 = vector.broadcast %broadcast_in_dim3A_589 : f32 to vector<512x64xf32>
      %scan3A_591 = arith.constant 0 : i32
      %scan3A_592 = arith.constant 2 : i32
      %scan3A_593 = arith.addi %scan3A_591, %scan3A_592 : i32
      %scan3A_594 = arith.constant 2 : i32
      %scan3A_595:2 = scf.for %scan3A_663 = %scan3A_591 to %scan3A_593 step %scan3A_594 iter_args(%scan3A_664 = %broadcast_in_dim3A_588, %scan3A_665 = %broadcast_in_dim3A_590) -> (vector<512x1xf32>, vector<512x64xf32>)  : i32 {
        %add3A_666 = arith.constant 8 : i32
        %add3A_667 = arith.addi %add3A_666, %sub3A_6 : i32
        %mul3A_668 = arith.constant 512 : i32
        %mul3A_669 = arith.muli %scan3A_663, %mul3A_668 : i32
        %get3A_670 = arith.index_cast %add3A_667 : i32 to index
        %get3A_671 = arith.index_cast %mul3A_669 : i32 to index
        %get3A_672 = arith.constant 64 : index
        %get3A_673 = vector.load %arg6[%get3A_670, %get3A_671, %get3A_672] : memref<24x2048x128xbf16, #tpu.memory_space<vmem>>, vector<1x512x64xbf16>
        %get3A_674 = vector.shape_cast %get3A_673 : vector<1x512x64xbf16> to vector<512x64xbf16>
        %add3A_675 = arith.constant 16 : i32
        %add3A_676 = arith.addi %add3A_675, %sub3A_6 : i32
        %mul3A_677 = arith.constant 512 : i32
        %mul3A_678 = arith.muli %scan3A_663, %mul3A_677 : i32
        %get3A_679 = arith.index_cast %add3A_676 : i32 to index
        %get3A_680 = arith.index_cast %mul3A_678 : i32 to index
        %get3A_681 = arith.constant 64 : index
        %get3A_682 = vector.load %arg6[%get3A_679, %get3A_680, %get3A_681] : memref<24x2048x128xbf16, #tpu.memory_space<vmem>>, vector<1x512x64xbf16>
        %get3A_683 = vector.shape_cast %get3A_682 : vector<1x512x64xbf16> to vector<512x64xbf16>
        %dot_general3A_684 = arith.constant dense<0.000000e+00> : vector<512x512xf32>
        %dot_general3A_685 = tpu.matmul %convert_element_type3A_586, %get3A_674, %dot_general3A_684 {dimension_numbers = #tpu.dot_dimension_numbers<[1], [1], [0], [0], [0, 0, 1, 0], [], []>, transpose_lhs_hint = false} : vector<512x64xbf16>, vector<512x64xbf16>, vector<512x512xf32> -> vector<512x512xf32>
        %exp3A_686 = math.exp %dot_general3A_685 : vector<512x512xf32>
        %convert_element_type3A_687 = arith.truncf %exp3A_686 : vector<512x512xf32> to vector<512x512xbf16>
        %dot_general3A_688 = arith.constant dense<0.000000e+00> : vector<512x1xf32>
        %dot_general3A_689 = tpu.matmul %convert_element_type3A_687, %broadcast_in_dim3A_7, %dot_general3A_688 {dimension_numbers = #tpu.dot_dimension_numbers<[1], [0], [0], [1], [0, 0, 1, 1], [], []>, transpose_lhs_hint = false} : vector<512x512xbf16>, vector<512x1xbf16>, vector<512x1xf32> -> vector<512x1xf32>
        %add3A_690 = arith.addf %scan3A_664, %dot_general3A_689 : vector<512x1xf32>
        %dot_general3A_691 = arith.constant dense<0.000000e+00> : vector<512x64xf32>
        %dot_general3A_692 = tpu.matmul %convert_element_type3A_687, %get3A_683, %dot_general3A_691 {dimension_numbers = #tpu.dot_dimension_numbers<[1], [0], [0], [1], [0, 0, 1, 1], [], []>, transpose_lhs_hint = false} : vector<512x512xbf16>, vector<512x64xbf16>, vector<512x64xf32> -> vector<512x64xf32>
        %add3A_693 = arith.addf %scan3A_665, %dot_general3A_692 : vector<512x64xf32>
        %scan3A_694 = arith.constant 1 : i32
        %scan3A_695 = arith.addi %scan3A_663, %scan3A_694 : i32
        %add3A_696 = arith.constant 8 : i32
        %add3A_697 = arith.addi %add3A_696, %sub3A_6 : i32
        %mul3A_698 = arith.constant 512 : i32
        %mul3A_699 = arith.muli %scan3A_695, %mul3A_698 : i32
        %get3A_700 = arith.index_cast %add3A_697 : i32 to index
        %get3A_701 = arith.index_cast %mul3A_699 : i32 to index
        %get3A_702 = arith.constant 64 : index
        %get3A_703 = vector.load %arg6[%get3A_700, %get3A_701, %get3A_702] : memref<24x2048x128xbf16, #tpu.memory_space<vmem>>, vector<1x512x64xbf16>
        %get3A_704 = vector.shape_cast %get3A_703 : vector<1x512x64xbf16> to vector<512x64xbf16>
        %add3A_705 = arith.constant 16 : i32
        %add3A_706 = arith.addi %add3A_705, %sub3A_6 : i32
        %mul3A_707 = arith.constant 512 : i32
        %mul3A_708 = arith.muli %scan3A_695, %mul3A_707 : i32
        %get3A_709 = arith.index_cast %add3A_706 : i32 to index
        %get3A_710 = arith.index_cast %mul3A_708 : i32 to index
        %get3A_711 = arith.constant 64 : index
        %get3A_712 = vector.load %arg6[%get3A_709, %get3A_710, %get3A_711] : memref<24x2048x128xbf16, #tpu.memory_space<vmem>>, vector<1x512x64xbf16>
        %get3A_713 = vector.shape_cast %get3A_712 : vector<1x512x64xbf16> to vector<512x64xbf16>
        %dot_general3A_714 = arith.constant dense<0.000000e+00> : vector<512x512xf32>
        %dot_general3A_715 = tpu.matmul %convert_element_type3A_586, %get3A_704, %dot_general3A_714 {dimension_numbers = #tpu.dot_dimension_numbers<[1], [1], [0], [0], [0, 0, 1, 0], [], []>, transpose_lhs_hint = false} : vector<512x64xbf16>, vector<512x64xbf16>, vector<512x512xf32> -> vector<512x512xf32>
        %exp3A_716 = math.exp %dot_general3A_715 : vector<512x512xf32>
        %convert_element_type3A_717 = arith.truncf %exp3A_716 : vector<512x512xf32> to vector<512x512xbf16>
        %dot_general3A_718 = arith.constant dense<0.000000e+00> : vector<512x1xf32>
        %dot_general3A_719 = tpu.matmul %convert_element_type3A_717, %broadcast_in_dim3A_7, %dot_general3A_718 {dimension_numbers = #tpu.dot_dimension_numbers<[1], [0], [0], [1], [0, 0, 1, 1], [], []>, transpose_lhs_hint = false} : vector<512x512xbf16>, vector<512x1xbf16>, vector<512x1xf32> -> vector<512x1xf32>
        %add3A_720 = arith.addf %add3A_690, %dot_general3A_719 : vector<512x1xf32>
        %dot_general3A_721 = arith.constant dense<0.000000e+00> : vector<512x64xf32>
        %dot_general3A_722 = tpu.matmul %convert_element_type3A_717, %get3A_713, %dot_general3A_721 {dimension_numbers = #tpu.dot_dimension_numbers<[1], [0], [0], [1], [0, 0, 1, 1], [], []>, transpose_lhs_hint = false} : vector<512x512xbf16>, vector<512x64xbf16>, vector<512x64xf32> -> vector<512x64xf32>
        %add3A_723 = arith.addf %add3A_693, %dot_general3A_722 : vector<512x64xf32>
        scf.yield %add3A_720, %add3A_723 : vector<512x1xf32>, vector<512x64xf32>
      }
      %scan3A_596 = arith.constant 2 : i32
      %scan3A_597 = arith.addi %scan3A_591, %scan3A_596 : i32
      %add3A_598 = arith.constant 8 : i32
      %add3A_599 = arith.addi %add3A_598, %sub3A_6 : i32
      %mul3A_600 = arith.constant 512 : i32
      %mul3A_601 = arith.muli %scan3A_597, %mul3A_600 : i32
      %get3A_602 = arith.index_cast %add3A_599 : i32 to index
      %get3A_603 = arith.index_cast %mul3A_601 : i32 to index
      %get3A_604 = arith.constant 64 : index
      %get3A_605 = vector.load %arg6[%get3A_602, %get3A_603, %get3A_604] : memref<24x2048x128xbf16, #tpu.memory_space<vmem>>, vector<1x512x64xbf16>
      %get3A_606 = vector.shape_cast %get3A_605 : vector<1x512x64xbf16> to vector<512x64xbf16>
      %add3A_607 = arith.constant 16 : i32
      %add3A_608 = arith.addi %add3A_607, %sub3A_6 : i32
      %mul3A_609 = arith.constant 512 : i32
      %mul3A_610 = arith.muli %scan3A_597, %mul3A_609 : i32
      %get3A_611 = arith.index_cast %add3A_608 : i32 to index
      %get3A_612 = arith.index_cast %mul3A_610 : i32 to index
      %get3A_613 = arith.constant 64 : index
      %get3A_614 = vector.load %arg6[%get3A_611, %get3A_612, %get3A_613] : memref<24x2048x128xbf16, #tpu.memory_space<vmem>>, vector<1x512x64xbf16>
      %get3A_615 = vector.shape_cast %get3A_614 : vector<1x512x64xbf16> to vector<512x64xbf16>
      %dot_general3A_616 = arith.constant dense<0.000000e+00> : vector<512x512xf32>
      %dot_general3A_617 = tpu.matmul %convert_element_type3A_586, %get3A_606, %dot_general3A_616 {dimension_numbers = #tpu.dot_dimension_numbers<[1], [1], [0], [0], [0, 0, 1, 0], [], []>, transpose_lhs_hint = false} : vector<512x64xbf16>, vector<512x64xbf16>, vector<512x512xf32> -> vector<512x512xf32>
      %exp3A_618 = math.exp %dot_general3A_617 : vector<512x512xf32>
      %convert_element_type3A_619 = arith.truncf %exp3A_618 : vector<512x512xf32> to vector<512x512xbf16>
      %dot_general3A_620 = arith.constant dense<0.000000e+00> : vector<512x1xf32>
      %dot_general3A_621 = tpu.matmul %convert_element_type3A_619, %broadcast_in_dim3A_7, %dot_general3A_620 {dimension_numbers = #tpu.dot_dimension_numbers<[1], [0], [0], [1], [0, 0, 1, 1], [], []>, transpose_lhs_hint = false} : vector<512x512xbf16>, vector<512x1xbf16>, vector<512x1xf32> -> vector<512x1xf32>
      %add3A_622 = arith.addf %scan3A_595#0, %dot_general3A_621 : vector<512x1xf32>
      %dot_general3A_623 = arith.constant dense<0.000000e+00> : vector<512x64xf32>
      %dot_general3A_624 = tpu.matmul %convert_element_type3A_619, %get3A_615, %dot_general3A_623 {dimension_numbers = #tpu.dot_dimension_numbers<[1], [0], [0], [1], [0, 0, 1, 1], [], []>, transpose_lhs_hint = false} : vector<512x512xbf16>, vector<512x64xbf16>, vector<512x64xf32> -> vector<512x64xf32>
      %add3A_625 = arith.addf %scan3A_595#1, %dot_general3A_624 : vector<512x64xf32>
      %scan3A_626 = arith.constant 3 : i32
      %add3A_627 = arith.constant 8 : i32
      %add3A_628 = arith.addi %add3A_627, %sub3A_6 : i32
      %get3A_629 = arith.index_cast %add3A_628 : i32 to index
      %get3A_630 = arith.constant 1536 : index
      %get3A_631 = arith.constant 64 : index
      %get3A_632 = vector.load %arg6[%get3A_629, %get3A_630, %get3A_631] : memref<24x2048x128xbf16, #tpu.memory_space<vmem>>, vector<1x512x64xbf16>
      %get3A_633 = vector.shape_cast %get3A_632 : vector<1x512x64xbf16> to vector<512x64xbf16>
      %add3A_634 = arith.constant 16 : i32
      %add3A_635 = arith.addi %add3A_634, %sub3A_6 : i32
      %get3A_636 = arith.index_cast %add3A_635 : i32 to index
      %get3A_637 = arith.constant 1536 : index
      %get3A_638 = arith.constant 64 : index
      %get3A_639 = vector.load %arg6[%get3A_636, %get3A_637, %get3A_638] : memref<24x2048x128xbf16, #tpu.memory_space<vmem>>, vector<1x512x64xbf16>
      %get3A_640 = vector.shape_cast %get3A_639 : vector<1x512x64xbf16> to vector<512x64xbf16>
      %dot_general3A_641 = arith.constant dense<0.000000e+00> : vector<512x512xf32>
      %dot_general3A_642 = tpu.matmul %convert_element_type3A_586, %get3A_633, %dot_general3A_641 {dimension_numbers = #tpu.dot_dimension_numbers<[1], [1], [0], [0], [0, 0, 1, 0], [], []>, transpose_lhs_hint = false} : vector<512x64xbf16>, vector<512x64xbf16>, vector<512x512xf32> -> vector<512x512xf32>
      %iota3A_643 = tpu.iota {dimensions = array<i32: 0>} : vector<512x512xi32>
      %iota3A_644 = tpu.iota {dimensions = array<i32: 1>} : vector<512x512xi32>
      %ge3A_645 = arith.cmpi sge, %iota3A_643, %iota3A_644 : vector<512x512xi32>
      %exp3A_646 = math.exp %dot_general3A_642 : vector<512x512xf32>
      %jit3A_647 = arith.constant 0.000000e+00 : f32
      %broadcast_in_dim3A_648 = vector.broadcast %jit3A_647 : f32 to vector<512x512xf32>
      %select_n3A_649 = arith.select %ge3A_645, %exp3A_646, %broadcast_in_dim3A_648 : vector<512x512xi1>, vector<512x512xf32>
      %convert_element_type3A_650 = arith.truncf %select_n3A_649 : vector<512x512xf32> to vector<512x512xbf16>
      %dot_general3A_651 = arith.constant dense<0.000000e+00> : vector<512x1xf32>
      %dot_general3A_652 = tpu.matmul %convert_element_type3A_650, %broadcast_in_dim3A_7, %dot_general3A_651 {dimension_numbers = #tpu.dot_dimension_numbers<[1], [0], [0], [1], [0, 0, 1, 1], [], []>, transpose_lhs_hint = false} : vector<512x512xbf16>, vector<512x1xbf16>, vector<512x1xf32> -> vector<512x1xf32>
      %add3A_653 = arith.addf %add3A_622, %dot_general3A_652 : vector<512x1xf32>
      %dot_general3A_654 = arith.constant dense<0.000000e+00> : vector<512x64xf32>
      %dot_general3A_655 = tpu.matmul %convert_element_type3A_650, %get3A_640, %dot_general3A_654 {dimension_numbers = #tpu.dot_dimension_numbers<[1], [0], [0], [1], [0, 0, 1, 1], [], []>, transpose_lhs_hint = false} : vector<512x512xbf16>, vector<512x64xbf16>, vector<512x64xf32> -> vector<512x64xf32>
      %add3A_656 = arith.addf %add3A_625, %dot_general3A_655 : vector<512x64xf32>
      %div3A_657 = vector.broadcast %add3A_653 : vector<512x1xf32> to vector<512x64xf32>
      %div3A_658 = arith.divf %add3A_656, %div3A_657 : vector<512x64xf32>
      %convert_element_type3A_659 = arith.truncf %div3A_658 : vector<512x64xf32> to vector<512x64xbf16>
      %swap3A_660 = arith.constant 1536 : index
      %swap3A_661 = arith.constant 64 : index
      %swap3A_662 = vector.load %arg5[%swap3A_660, %swap3A_661] : memref<2048x128xbf16, #tpu.memory_space<vmem>>, vector<512x64xbf16>
      tpu.vector_store %arg5[%swap3A_660, %swap3A_661], %convert_element_type3A_659 {strides = array<i32>} : memref<2048x128xbf16, #tpu.memory_space<vmem>>, vector<512x64xbf16>,
    } else {
    }
    return
  }
  func.func @transform_0(%arg0: i32) -> (i32, i32) {
    %min3A = arith.constant 3 : i32
    %min3A_0 = arith.minsi %arg0, %min3A : i32
    %c0_i32 = arith.constant 0 : i32
    %c0_i32_1 = arith.constant 0 : i32
    return %min3A_0, %c0_i32 : i32, i32
  }
  func.func @transform_1(%arg0: i32) -> i32 {
    %c0_i32 = arith.constant 0 : i32
    %c0_i32_0 = arith.constant 0 : i32
    return %c0_i32 : i32
  }
  func.func @transform_2(%arg0: i32) -> i32 {
    %c0_i32 = arith.constant 0 : i32
    %c0_i32_0 = arith.constant 0 : i32
    return %c0_i32 : i32
  }
  func.func @transform_3(%arg0: i32) -> (i32, i32) {
    %c0_i32 = arith.constant 0 : i32
    %c0_i32_0 = arith.constant 0 : i32
    %c0_i32_1 = arith.constant 0 : i32
    return %c0_i32, %c0_i32_0 : i32, i32
  }
  func.func @transform_4(%arg0: i32) -> (i32, i32) {
    %sub3A = arith.constant 4 : i32
    %sub3A_0 = arith.subi %arg0, %sub3A : i32
    %max3A = arith.constant 0 : i32
    %max3A_1 = arith.maxsi %sub3A_0, %max3A : i32
    %c0_i32 = arith.constant 0 : i32
    %c0_i32_2 = arith.constant 0 : i32
    return %c0_i32, %max3A_1 : i32, i32
  }
}

module attributes {stable_mosaic.version = 14 : i64} {
  func.func @_k3_body(%arg0: i32, %arg1: memref<512x1024xbf16, #tpu.memory_space<vmem>>, %arg2: memref<512x1024xf32, #tpu.memory_space<vmem>>, %arg3: memref<1024x1024xbf16, #tpu.memory_space<vmem>>, %arg4: memref<1024xf32, #tpu.memory_space<vmem>>, %arg5: memref<1024xf32, #tpu.memory_space<vmem>>, %arg6: memref<8x1024xf32, #tpu.memory_space<vmem>>, %arg7: memref<512x1024xf32, #tpu.memory_space<vmem>>, %arg8: memref<512x512xi32, #tpu.memory_space<vmem>>, %arg9: memref<2048x1xi32, #tpu.memory_space<vmem>>, %arg10: memref<2048x1xi32, #tpu.memory_space<vmem>>, %arg11: memref<24x1xi32, #tpu.memory_space<vmem>>, %arg12: memref<2048x2xf32, #tpu.memory_space<vmem>>, %arg13: memref<2048x8xf32, #tpu.memory_space<vmem>>) attributes {dimension_semantics = [#tpu.dimension_semantics<arbitrary>], iteration_bounds = array<i64: 4>, scalar_prefetch = 0 : i64, scratch_operands = 1 : i64, tpu.core_type = #tpu.core_type<tc>, window_params = [{transform_indices = @transform_0, window_bounds = array<i64: 512, 1024>}, {transform_indices = @transform_1, window_bounds = array<i64: 512, 1024>}, {pipeline_mode = #tpu.pipeline_mode<synchronous>, transform_indices = @transform_2, window_bounds = array<i64: 1024, 1024>}, {pipeline_mode = #tpu.pipeline_mode<synchronous>, transform_indices = @transform_3, window_bounds = array<i64: 1024>}, {pipeline_mode = #tpu.pipeline_mode<synchronous>, transform_indices = @transform_4, window_bounds = array<i64: 1024>}, {pipeline_mode = #tpu.pipeline_mode<synchronous>, transform_indices = @transform_5, window_bounds = array<i64: 8, 1024>}, {transform_indices = @transform_6, window_bounds = array<i64: 512, 1024>}, {transform_indices = @transform_7, window_bounds = array<i64: 512, 512>}, {pipeline_mode = #tpu.pipeline_mode<synchronous>, transform_indices = @transform_8, window_bounds = array<i64: 2048, 1>}, {pipeline_mode = #tpu.pipeline_mode<synchronous>, transform_indices = @transform_9, window_bounds = array<i64: 2048, 1>}, {pipeline_mode = #tpu.pipeline_mode<synchronous>, transform_indices = @transform_10, window_bounds = array<i64: 24, 1>}, {pipeline_mode = #tpu.pipeline_mode<synchronous>, transform_indices = @transform_11, window_bounds = array<i64: 2048, 2>}]} {
    %get3A = arith.constant 0 : index
    %get3A_0 = arith.constant 0 : index
    %get3A_1 = vector.load %arg1[%get3A, %get3A_0] : memref<512x1024xbf16, #tpu.memory_space<vmem>>, vector<512x1024xbf16>
    %get3A_2 = arith.constant 0 : index
    %get3A_3 = arith.constant 0 : index
    %get3A_4 = vector.load %arg3[%get3A_2, %get3A_3] : memref<1024x1024xbf16, #tpu.memory_space<vmem>>, vector<1024x1024xbf16>
    %transpose3A = tpu.transpose %get3A_4, [1, 0] : vector<1024x1024xbf16> -> vector<1024x1024xbf16>
    %dot_general3A = arith.constant dense<0.000000e+00> : vector<512x1024xf32>
    %dot_general3A_5 = tpu.matmul %get3A_1, %transpose3A, %dot_general3A {dimension_numbers = #tpu.dot_dimension_numbers<[1], [0], [0], [1], [0, 0, 1, 1], [], []>, transpose_lhs_hint = false} : vector<512x1024xbf16>, vector<1024x1024xbf16>, vector<512x1024xf32> -> vector<512x1024xf32>
    %get3A_6 = arith.constant 0 : index
    %get3A_7 = arith.constant 0 : index
    %get3A_8 = vector.load %arg2[%get3A_6, %get3A_7] : memref<512x1024xf32, #tpu.memory_space<vmem>>, vector<512x1024xf32>
    %add3A = arith.addf %get3A_8, %dot_general3A_5 : vector<512x1024xf32>
    %swap3A = arith.constant 0 : index
    %swap3A_9 = arith.constant 0 : index
    %swap3A_10 = vector.load %arg7[%swap3A, %swap3A_9] : memref<512x1024xf32, #tpu.memory_space<vmem>>, vector<512x1024xf32>
    tpu.vector_store %arg7[%swap3A, %swap3A_9], %add3A {strides = array<i32>} : memref<512x1024xf32, #tpu.memory_space<vmem>>, vector<512x1024xf32>,
    %get3A_11 = arith.constant 0 : index
    %get3A_12 = vector.load %arg4[%get3A_11] : memref<1024xf32, #tpu.memory_space<vmem>>, vector<1024xf32>
    %get3A_13 = arith.constant 0 : index
    %get3A_14 = vector.load %arg5[%get3A_13] : memref<1024xf32, #tpu.memory_space<vmem>>, vector<1024xf32>
    %reduce_sum3A = arith.constant dense<0.000000e+00> : vector<512xf32>
    %reduce_sum3A_15 = vector.multi_reduction <add>, %add3A, %reduce_sum3A [1] : vector<512x1024xf32> to vector<512xf32>
    %broadcast_in_dim3A = vector.shape_cast %reduce_sum3A_15 : vector<512xf32> to vector<512x1xf32>
    %div3A = arith.constant 1.024000e+03 : f32
    %div3A_16 = vector.broadcast %div3A : f32 to vector<512x1xf32>
    %div3A_17 = arith.divf %broadcast_in_dim3A, %div3A_16 : vector<512x1xf32>
    %sub3A = vector.broadcast %div3A_17 : vector<512x1xf32> to vector<512x1024xf32>
    %sub3A_18 = arith.subf %add3A, %sub3A : vector<512x1024xf32>
    %integer_pow3A = arith.mulf %sub3A_18, %sub3A_18 : vector<512x1024xf32>
    %reduce_sum3A_19 = arith.constant dense<0.000000e+00> : vector<512xf32>
    %reduce_sum3A_20 = vector.multi_reduction <add>, %integer_pow3A, %reduce_sum3A_19 [1] : vector<512x1024xf32> to vector<512xf32>
    %broadcast_in_dim3A_21 = vector.shape_cast %reduce_sum3A_20 : vector<512xf32> to vector<512x1xf32>
    %div3A_22 = arith.constant 1.024000e+03 : f32
    %div3A_23 = vector.broadcast %div3A_22 : f32 to vector<512x1xf32>
    %div3A_24 = arith.divf %broadcast_in_dim3A_21, %div3A_23 : vector<512x1xf32>
    %sub3A_25 = vector.broadcast %div3A_17 : vector<512x1xf32> to vector<512x1024xf32>
    %sub3A_26 = arith.subf %add3A, %sub3A_25 : vector<512x1024xf32>
    %add3A_27 = arith.constant 9.99999974E-6 : f32
    %add3A_28 = vector.broadcast %add3A_27 : f32 to vector<512x1xf32>
    %add3A_29 = arith.addf %div3A_24, %add3A_28 : vector<512x1xf32>
    %rsqrt3A = math.rsqrt %add3A_29 : vector<512x1xf32>
    %mul3A = vector.broadcast %rsqrt3A : vector<512x1xf32> to vector<512x1024xf32>
    %mul3A_30 = arith.mulf %sub3A_26, %mul3A : vector<512x1024xf32>
    %broadcast_in_dim3A_31 = vector.shape_cast %get3A_12 : vector<1024xf32> to vector<1x1024xf32>
    %mul3A_32 = vector.broadcast %broadcast_in_dim3A_31 : vector<1x1024xf32> to vector<512x1024xf32>
    %mul3A_33 = arith.mulf %mul3A_30, %mul3A_32 : vector<512x1024xf32>
    %broadcast_in_dim3A_34 = vector.shape_cast %get3A_14 : vector<1024xf32> to vector<1x1024xf32>
    %add3A_35 = vector.broadcast %broadcast_in_dim3A_34 : vector<1x1024xf32> to vector<512x1024xf32>
    %add3A_36 = arith.addf %mul3A_33, %add3A_35 : vector<512x1024xf32>
    %convert_element_type3A = arith.truncf %add3A_36 : vector<512x1024xf32> to vector<512x1024xbf16>
    %slice3A = vector.extract_strided_slice %convert_element_type3A {offsets = [0, 0], sizes = [512, 512], strides = [1, 1]} : vector<512x1024xbf16> to vector<512x512xbf16>
    %bitcast_convert_type3A = tpu.bitcast %slice3A : vector<512x512xbf16> -> vector<512x512xi16>
    %convert_element_type3A_37 = arith.extui %bitcast_convert_type3A : vector<512x512xi16> to vector<512x512xi32>
    %slice3A_38 = vector.extract_strided_slice %convert_element_type3A {offsets = [0, 512], sizes = [512, 512], strides = [1, 1]} : vector<512x1024xbf16> to vector<512x512xbf16>
    %bitcast_convert_type3A_39 = tpu.bitcast %slice3A_38 : vector<512x512xbf16> -> vector<512x512xi16>
    %convert_element_type3A_40 = arith.extui %bitcast_convert_type3A_39 : vector<512x512xi16> to vector<512x512xi32>
    %shift_left3A = arith.constant 16 : i32
    %shift_left3A_41 = vector.broadcast %shift_left3A : i32 to vector<512x512xi32>
    %shift_left3A_42 = arith.shli %convert_element_type3A_40, %shift_left3A_41 : vector<512x512xi32>
    %or3A = arith.ori %convert_element_type3A_37, %shift_left3A_42 : vector<512x512xi32>
    %bitcast_convert_type3A_43 = tpu.bitcast %or3A : vector<512x512xi32> -> vector<512x512xi32>
    %swap3A_44 = arith.constant 0 : index
    %swap3A_45 = arith.constant 0 : index
    %swap3A_46 = vector.load %arg8[%swap3A_44, %swap3A_45] : memref<512x512xi32, #tpu.memory_space<vmem>>, vector<512x512xi32>
    tpu.vector_store %arg8[%swap3A_44, %swap3A_45], %bitcast_convert_type3A_43 {strides = array<i32>} : memref<512x512xi32, #tpu.memory_space<vmem>>, vector<512x512xi32>,
    %get3A_47 = arith.constant 0 : index
    %get3A_48 = arith.constant 0 : index
    %get3A_49 = vector.load %arg6[%get3A_47, %get3A_48] : memref<8x1024xf32, #tpu.memory_space<vmem>>, vector<8x1024xf32>
    %dot_general3A_50 = arith.constant dense<0.000000e+00> : vector<512x8xf32>
    %dot_general3A_51 = tpu.matmul %add3A_36, %get3A_49, %dot_general3A_50 {dimension_numbers = #tpu.dot_dimension_numbers<[1], [1], [0], [0], [0, 0, 1, 0], [], []>, precision = #tpu.contract_precision<fp32>, transpose_lhs_hint = false} : vector<512x1024xf32>, vector<8x1024xf32>, vector<512x8xf32> -> vector<512x8xf32>
    %reduce_max3A = arith.constant dense<0xFF800000> : vector<512xf32>
    %reduce_max3A_52 = vector.multi_reduction <maximumf>, %dot_general3A_51, %reduce_max3A [1] : vector<512x8xf32> to vector<512xf32>
    %broadcast_in_dim3A_53 = vector.shape_cast %reduce_max3A_52 : vector<512xf32> to vector<512x1xf32>
    %sub3A_54 = vector.broadcast %broadcast_in_dim3A_53 : vector<512x1xf32> to vector<512x8xf32>
    %sub3A_55 = arith.subf %dot_general3A_51, %sub3A_54 : vector<512x8xf32>
    %exp3A = math.exp %sub3A_55 : vector<512x8xf32>
    %reduce_sum3A_56 = arith.constant dense<0.000000e+00> : vector<512xf32>
    %reduce_sum3A_57 = vector.multi_reduction <add>, %exp3A, %reduce_sum3A_56 [1] : vector<512x8xf32> to vector<512xf32>
    %broadcast_in_dim3A_58 = vector.shape_cast %reduce_sum3A_57 : vector<512xf32> to vector<512x1xf32>
    %div3A_59 = vector.broadcast %broadcast_in_dim3A_58 : vector<512x1xf32> to vector<512x8xf32>
    %div3A_60 = arith.divf %exp3A, %div3A_59 : vector<512x8xf32>
    %reduce_max3A_61 = arith.constant dense<0xFF800000> : vector<512xf32>
    %reduce_max3A_62 = vector.multi_reduction <maximumf>, %dot_general3A_51, %reduce_max3A_61 [1] : vector<512x8xf32> to vector<512xf32>
    %broadcast_in_dim3A_63 = vector.shape_cast %reduce_max3A_62 : vector<512xf32> to vector<512x1xf32>
    %eq3A = vector.broadcast %broadcast_in_dim3A_63 : vector<512x1xf32> to vector<512x8xf32>
    %eq3A_64 = arith.cmpf oeq, %dot_general3A_51, %eq3A : vector<512x8xf32>
    %jit3A = arith.constant 0xFF800000 : f32
    %broadcast_in_dim3A_65 = vector.broadcast %jit3A : f32 to vector<512x8xf32>
    %select_n3A = arith.select %eq3A_64, %broadcast_in_dim3A_65, %dot_general3A_51 : vector<512x8xi1>, vector<512x8xf32>
    %reduce_max3A_66 = arith.constant dense<0xFF800000> : vector<512xf32>
    %reduce_max3A_67 = vector.multi_reduction <maximumf>, %select_n3A, %reduce_max3A_66 [1] : vector<512x8xf32> to vector<512xf32>
    %broadcast_in_dim3A_68 = vector.shape_cast %reduce_max3A_67 : vector<512xf32> to vector<512x1xf32>
    %ge3A = vector.broadcast %broadcast_in_dim3A_68 : vector<512x1xf32> to vector<512x8xf32>
    %ge3A_69 = arith.cmpf oge, %dot_general3A_51, %ge3A : vector<512x8xf32>
    %jit3A_70 = arith.constant 0.000000e+00 : f32
    %broadcast_in_dim3A_71 = vector.broadcast %jit3A_70 : f32 to vector<512x8xf32>
    %select_n3A_72 = arith.select %ge3A_69, %div3A_60, %broadcast_in_dim3A_71 : vector<512x8xi1>, vector<512x8xf32>
    %mul3A_73 = arith.constant 512 : i32
    %mul3A_74 = arith.muli %arg0, %mul3A_73 : i32
    %swap3A_75 = arith.index_cast %mul3A_74 : i32 to index
    %swap3A_76 = arith.constant 0 : index
    %swap3A_77 = vector.load %arg13[%swap3A_75, %swap3A_76] : memref<2048x8xf32, #tpu.memory_space<vmem>>, vector<512x8xf32>
    tpu.vector_store %arg13[%swap3A_75, %swap3A_76], %select_n3A_72 {strides = array<i32>} : memref<2048x8xf32, #tpu.memory_space<vmem>>, vector<512x8xf32>,
    %eq3A_78 = arith.constant 3 : i32
    %eq3A_79 = arith.cmpi eq, %arg0, %eq3A_78 : i32
    %convert_element_type3A_80 = arith.extui %eq3A_79 : i1 to i32
    %cond3A = arith.constant 0 : i32
    %cond3A_81 = arith.cmpi ne, %convert_element_type3A_80, %cond3A : i32
    scf.if %cond3A_81 {
      %get3A_82 = arith.constant 0 : index
      %get3A_83 = arith.constant 0 : index
      %get3A_84 = vector.load %arg13[%get3A_82, %get3A_83] : memref<2048x8xf32, #tpu.memory_space<vmem>>, vector<2048x8xf32>
      %iota3A = tpu.iota {dimensions = array<i32: 1>} : vector<2048x8xi32>
      %reduce_max3A_85 = arith.constant dense<0xFF800000> : vector<2048xf32>
      %reduce_max3A_86 = vector.multi_reduction <maximumf>, %get3A_84, %reduce_max3A_85 [1] : vector<2048x8xf32> to vector<2048xf32>
      %broadcast_in_dim3A_87 = vector.shape_cast %reduce_max3A_86 : vector<2048xf32> to vector<2048x1xf32>
      %eq3A_88 = vector.broadcast %broadcast_in_dim3A_87 : vector<2048x1xf32> to vector<2048x8xf32>
      %eq3A_89 = arith.cmpf oeq, %get3A_84, %eq3A_88 : vector<2048x8xf32>
      %jit3A_90 = arith.constant 8 : i32
      %broadcast_in_dim3A_91 = vector.broadcast %jit3A_90 : i32 to vector<2048x8xi32>
      %select_n3A_92 = arith.select %eq3A_89, %iota3A, %broadcast_in_dim3A_91 : vector<2048x8xi1>, vector<2048x8xi32>
      %reduce_min3A = arith.constant dense<2147483647> : vector<2048xi32>
      %reduce_min3A_93 = vector.multi_reduction <minsi>, %select_n3A_92, %reduce_min3A [1] : vector<2048x8xi32> to vector<2048xi32>
      %broadcast_in_dim3A_94 = vector.shape_cast %reduce_min3A_93 : vector<2048xi32> to vector<2048x1xi32>
      %eq3A_95 = vector.broadcast %broadcast_in_dim3A_94 : vector<2048x1xi32> to vector<2048x8xi32>
      %eq3A_96 = arith.cmpi eq, %iota3A, %eq3A_95 : vector<2048x8xi32>
      %convert_element_type3A_97 = arith.extui %eq3A_96 : vector<2048x8xi1> to vector<2048x8xi32>
      %convert_element_type3A_98 = arith.sitofp %convert_element_type3A_97 : vector<2048x8xi32> to vector<2048x8xf32>
      %gt3A = arith.constant 0.000000e+00 : f32
      %gt3A_99 = vector.broadcast %gt3A : f32 to vector<2048x8xf32>
      %gt3A_100 = arith.cmpf ogt, %convert_element_type3A_98, %gt3A_99 : vector<2048x8xf32>
      %jit3A_101 = arith.constant -1.000000e+00 : f32
      %broadcast_in_dim3A_102 = vector.broadcast %jit3A_101 : f32 to vector<2048x8xf32>
      %select_n3A_103 = arith.select %gt3A_100, %broadcast_in_dim3A_102, %get3A_84 : vector<2048x8xi1>, vector<2048x8xf32>
      %reduce_max3A_104 = arith.constant dense<0xFF800000> : vector<2048xf32>
      %reduce_max3A_105 = vector.multi_reduction <maximumf>, %select_n3A_103, %reduce_max3A_104 [1] : vector<2048x8xf32> to vector<2048xf32>
      %broadcast_in_dim3A_106 = vector.shape_cast %reduce_max3A_105 : vector<2048xf32> to vector<2048x1xf32>
      %eq3A_107 = vector.broadcast %broadcast_in_dim3A_106 : vector<2048x1xf32> to vector<2048x8xf32>
      %eq3A_108 = arith.cmpf oeq, %select_n3A_103, %eq3A_107 : vector<2048x8xf32>
      %jit3A_109 = arith.constant 8 : i32
      %broadcast_in_dim3A_110 = vector.broadcast %jit3A_109 : i32 to vector<2048x8xi32>
      %select_n3A_111 = arith.select %eq3A_108, %iota3A, %broadcast_in_dim3A_110 : vector<2048x8xi1>, vector<2048x8xi32>
      %reduce_min3A_112 = arith.constant dense<2147483647> : vector<2048xi32>
      %reduce_min3A_113 = vector.multi_reduction <minsi>, %select_n3A_111, %reduce_min3A_112 [1] : vector<2048x8xi32> to vector<2048xi32>
      %broadcast_in_dim3A_114 = vector.shape_cast %reduce_min3A_113 : vector<2048xi32> to vector<2048x1xi32>
      %eq3A_115 = vector.broadcast %broadcast_in_dim3A_114 : vector<2048x1xi32> to vector<2048x8xi32>
      %eq3A_116 = arith.cmpi eq, %iota3A, %eq3A_115 : vector<2048x8xi32>
      %convert_element_type3A_117 = arith.extui %eq3A_116 : vector<2048x8xi1> to vector<2048x8xi32>
      %convert_element_type3A_118 = arith.sitofp %convert_element_type3A_117 : vector<2048x8xi32> to vector<2048x8xf32>
      %add3A_119 = arith.addf %convert_element_type3A_98, %convert_element_type3A_118 : vector<2048x8xf32>
      %iota3A_120 = tpu.iota {dimensions = array<i32: 0>} : vector<2048x2048xi32>
      %iota3A_121 = tpu.iota {dimensions = array<i32: 1>} : vector<2048x2048xi32>
      %gt3A_122 = arith.cmpi sgt, %iota3A_120, %iota3A_121 : vector<2048x2048xi32>
      %convert_element_type3A_123 = arith.extui %gt3A_122 : vector<2048x2048xi1> to vector<2048x2048xi32>
      %convert_element_type3A_124 = arith.sitofp %convert_element_type3A_123 : vector<2048x2048xi32> to vector<2048x2048xf32>
      %convert_element_type3A_125 = arith.truncf %convert_element_type3A_124 : vector<2048x2048xf32> to vector<2048x2048xbf16>
      %convert_element_type3A_126 = arith.truncf %add3A_119 : vector<2048x8xf32> to vector<2048x8xbf16>
      %dot_general3A_127 = arith.constant dense<0.000000e+00> : vector<2048x8xf32>
      %dot_general3A_128 = tpu.matmul %convert_element_type3A_125, %convert_element_type3A_126, %dot_general3A_127 {dimension_numbers = #tpu.dot_dimension_numbers<[1], [0], [0], [1], [0, 0, 1, 1], [], []>, transpose_lhs_hint = false} : vector<2048x2048xbf16>, vector<2048x8xbf16>, vector<2048x8xf32> -> vector<2048x8xf32>
      %reduce_sum3A_129 = arith.constant dense<0.000000e+00> : vector<8xf32>
      %reduce_sum3A_130 = vector.multi_reduction <add>, %add3A_119, %reduce_sum3A_129 [0] : vector<2048x8xf32> to vector<8xf32>
      %broadcast_in_dim3A_131 = vector.shape_cast %reduce_sum3A_130 : vector<8xf32> to vector<1x8xf32>
      %div3A_132 = arith.constant 2.560000e+02 : f32
      %div3A_133 = vector.broadcast %div3A_132 : f32 to vector<1x8xf32>
      %div3A_134 = arith.divf %broadcast_in_dim3A_131, %div3A_133 : vector<1x8xf32>
      %ceil3A = math.ceil %div3A_134 : vector<1x8xf32>
      %mul3A_135 = arith.constant 2.560000e+02 : f32
      %mul3A_136 = vector.broadcast %mul3A_135 : f32 to vector<1x8xf32>
      %mul3A_137 = arith.mulf %ceil3A, %mul3A_136 : vector<1x8xf32>
      %iota3A_138 = tpu.iota {dimensions = array<i32: 0>} : vector<8x8xi32>
      %iota3A_139 = tpu.iota {dimensions = array<i32: 1>} : vector<8x8xi32>
      %lt3A = arith.cmpi slt, %iota3A_138, %iota3A_139 : vector<8x8xi32>
      %convert_element_type3A_140 = arith.extui %lt3A : vector<8x8xi1> to vector<8x8xi32>
      %convert_element_type3A_141 = arith.sitofp %convert_element_type3A_140 : vector<8x8xi32> to vector<8x8xf32>
      %dot_general3A_142 = arith.constant dense<0.000000e+00> : vector<1x8xf32>
      %dot_general3A_143 = tpu.matmul %mul3A_137, %convert_element_type3A_141, %dot_general3A_142 {dimension_numbers = #tpu.dot_dimension_numbers<[1], [0], [0], [1], [0, 0, 1, 1], [], []>, transpose_lhs_hint = false} : vector<1x8xf32>, vector<8x8xf32>, vector<1x8xf32> -> vector<1x8xf32>
      %add3A_144 = vector.broadcast %dot_general3A_143 : vector<1x8xf32> to vector<2048x8xf32>
      %add3A_145 = arith.addf %dot_general3A_128, %add3A_144 : vector<2048x8xf32>
      %mul3A_146 = arith.mulf %convert_element_type3A_98, %add3A_145 : vector<2048x8xf32>
      %reduce_sum3A_147 = arith.constant dense<0.000000e+00> : vector<2048xf32>
      %reduce_sum3A_148 = vector.multi_reduction <add>, %mul3A_146, %reduce_sum3A_147 [1] : vector<2048x8xf32> to vector<2048xf32>
      %broadcast_in_dim3A_149 = vector.shape_cast %reduce_sum3A_148 : vector<2048xf32> to vector<2048x1xf32>
      %convert_element_type3A_150 = arith.fptosi %broadcast_in_dim3A_149 : vector<2048x1xf32> to vector<2048x1xi32>
      %swap3A_151 = arith.constant 0 : index
      %swap3A_152 = arith.constant 0 : index
      %swap3A_153 = vector.load %arg9[%swap3A_151, %swap3A_152] : memref<2048x1xi32, #tpu.memory_space<vmem>>, vector<2048x1xi32>
      tpu.vector_store %arg9[%swap3A_151, %swap3A_152], %convert_element_type3A_150 {strides = array<i32>} : memref<2048x1xi32, #tpu.memory_space<vmem>>, vector<2048x1xi32>,
      %mul3A_154 = arith.mulf %convert_element_type3A_118, %add3A_145 : vector<2048x8xf32>
      %reduce_sum3A_155 = arith.constant dense<0.000000e+00> : vector<2048xf32>
      %reduce_sum3A_156 = vector.multi_reduction <add>, %mul3A_154, %reduce_sum3A_155 [1] : vector<2048x8xf32> to vector<2048xf32>
      %broadcast_in_dim3A_157 = vector.shape_cast %reduce_sum3A_156 : vector<2048xf32> to vector<2048x1xf32>
      %convert_element_type3A_158 = arith.fptosi %broadcast_in_dim3A_157 : vector<2048x1xf32> to vector<2048x1xi32>
      %swap3A_159 = arith.constant 0 : index
      %swap3A_160 = arith.constant 0 : index
      %swap3A_161 = vector.load %arg10[%swap3A_159, %swap3A_160] : memref<2048x1xi32, #tpu.memory_space<vmem>>, vector<2048x1xi32>
      tpu.vector_store %arg10[%swap3A_159, %swap3A_160], %convert_element_type3A_158 {strides = array<i32>} : memref<2048x1xi32, #tpu.memory_space<vmem>>, vector<2048x1xi32>,
      %iota3A_162 = tpu.iota {dimensions = array<i32: 0>} : vector<24x8xi32>
      %mul3A_163 = arith.constant 256 : i32
      %mul3A_164 = vector.broadcast %mul3A_163 : i32 to vector<24x8xi32>
      %mul3A_165 = arith.muli %iota3A_162, %mul3A_164 : vector<24x8xi32>
      %convert_element_type3A_166 = arith.sitofp %mul3A_165 : vector<24x8xi32> to vector<24x8xf32>
      %le3A = vector.broadcast %dot_general3A_143 : vector<1x8xf32> to vector<24x8xf32>
      %le3A_167 = arith.cmpf ole, %le3A, %convert_element_type3A_166 : vector<24x8xf32>
      %convert_element_type3A_168 = arith.extui %le3A_167 : vector<24x8xi1> to vector<24x8xi32>
      %reduce_sum3A_169 = arith.constant dense<0> : vector<24xi32>
      %reduce_sum3A_170 = vector.multi_reduction <add>, %convert_element_type3A_168, %reduce_sum3A_169 [1] : vector<24x8xi32> to vector<24xi32>
      %broadcast_in_dim3A_171 = vector.shape_cast %reduce_sum3A_170 : vector<24xi32> to vector<24x1xi32>
      %sub3A_172 = arith.constant 1 : i32
      %sub3A_173 = vector.broadcast %sub3A_172 : i32 to vector<24x1xi32>
      %sub3A_174 = arith.subi %broadcast_in_dim3A_171, %sub3A_173 : vector<24x1xi32>
      %swap3A_175 = arith.constant 0 : index
      %swap3A_176 = arith.constant 0 : index
      %swap3A_177 = vector.load %arg11[%swap3A_175, %swap3A_176] : memref<24x1xi32, #tpu.memory_space<vmem>>, vector<24x1xi32>
      tpu.vector_store %arg11[%swap3A_175, %swap3A_176], %sub3A_174 {strides = array<i32>} : memref<24x1xi32, #tpu.memory_space<vmem>>, vector<24x1xi32>,
      %max3A = arith.constant 0.000000e+00 : f32
      %max3A_178 = vector.broadcast %max3A : f32 to vector<2048x1xf32>
      %max3A_179 = arith.maximumf %broadcast_in_dim3A_106, %max3A_178 : vector<2048x1xf32>
      %concatenate3A = tpu.concatenate %broadcast_in_dim3A_87, %max3A_179 in 1 : vector<2048x1xf32>, vector<2048x1xf32> -> vector<2048x2xf32>
      %swap3A_180 = arith.constant 0 : index
      %swap3A_181 = arith.constant 0 : index
      %swap3A_182 = vector.load %arg12[%swap3A_180, %swap3A_181] : memref<2048x2xf32, #tpu.memory_space<vmem>>, vector<2048x2xf32>
      tpu.vector_store %arg12[%swap3A_180, %swap3A_181], %concatenate3A {strides = array<i32>} : memref<2048x2xf32, #tpu.memory_space<vmem>>, vector<2048x2xf32>,
    } else {
    }
    return
  }
  func.func @transform_0(%arg0: i32) -> (i32, i32) {
    %c0_i32 = arith.constant 0 : i32
    %c0_i32_0 = arith.constant 0 : i32
    return %arg0, %c0_i32 : i32, i32
  }
  func.func @transform_1(%arg0: i32) -> (i32, i32) {
    %c0_i32 = arith.constant 0 : i32
    %c0_i32_0 = arith.constant 0 : i32
    return %arg0, %c0_i32 : i32, i32
  }
  func.func @transform_2(%arg0: i32) -> (i32, i32) {
    %c0_i32 = arith.constant 0 : i32
    %c0_i32_0 = arith.constant 0 : i32
    %c0_i32_1 = arith.constant 0 : i32
    return %c0_i32, %c0_i32_0 : i32, i32
  }
  func.func @transform_3(%arg0: i32) -> i32 {
    %c0_i32 = arith.constant 0 : i32
    %c0_i32_0 = arith.constant 0 : i32
    return %c0_i32 : i32
  }
  func.func @transform_4(%arg0: i32) -> i32 {
    %c0_i32 = arith.constant 0 : i32
    %c0_i32_0 = arith.constant 0 : i32
    return %c0_i32 : i32
  }
  func.func @transform_5(%arg0: i32) -> (i32, i32) {
    %c0_i32 = arith.constant 0 : i32
    %c0_i32_0 = arith.constant 0 : i32
    %c0_i32_1 = arith.constant 0 : i32
    return %c0_i32, %c0_i32_0 : i32, i32
  }
  func.func @transform_6(%arg0: i32) -> (i32, i32) {
    %c0_i32 = arith.constant 0 : i32
    %c0_i32_0 = arith.constant 0 : i32
    return %arg0, %c0_i32 : i32, i32
  }
  func.func @transform_7(%arg0: i32) -> (i32, i32) {
    %c0_i32 = arith.constant 0 : i32
    %c0_i32_0 = arith.constant 0 : i32
    return %arg0, %c0_i32 : i32, i32
  }
  func.func @transform_8(%arg0: i32) -> (i32, i32) {
    %c0_i32 = arith.constant 0 : i32
    %c0_i32_0 = arith.constant 0 : i32
    %c0_i32_1 = arith.constant 0 : i32
    return %c0_i32, %c0_i32_0 : i32, i32
  }
  func.func @transform_9(%arg0: i32) -> (i32, i32) {
    %c0_i32 = arith.constant 0 : i32
    %c0_i32_0 = arith.constant 0 : i32
    %c0_i32_1 = arith.constant 0 : i32
    return %c0_i32, %c0_i32_0 : i32, i32
  }
  func.func @transform_10(%arg0: i32) -> (i32, i32) {
    %c0_i32 = arith.constant 0 : i32
    %c0_i32_0 = arith.constant 0 : i32
    %c0_i32_1 = arith.constant 0 : i32
    return %c0_i32, %c0_i32_0 : i32, i32
  }
  func.func @transform_11(%arg0: i32) -> (i32, i32) {
    %c0_i32 = arith.constant 0 : i32
    %c0_i32_0 = arith.constant 0 : i32
    %c0_i32_1 = arith.constant 0 : i32
    return %c0_i32, %c0_i32_0 : i32, i32
  }
}

module attributes {stable_mosaic.version = 14 : i64} {
  func.func @_k6_body(%arg0: i32, %arg1: memref<24xi32, #tpu.memory_space<smem>>, %arg2: memref<256x512xi32, #tpu.memory_space<vmem>>, %arg3: memref<1x1024x512xbf16, #tpu.memory_space<vmem>>, %arg4: memref<1x1024x512xbf16, #tpu.memory_space<vmem>>, %arg5: memref<1x1024x1024xbf16, #tpu.memory_space<vmem>>, %arg6: memref<256x1024xf32, #tpu.memory_space<vmem>>) attributes {dimension_semantics = [#tpu.dimension_semantics<arbitrary>], iteration_bounds = array<i64: 24>, scalar_prefetch = 1 : i64, scratch_operands = 0 : i64, tpu.core_type = #tpu.core_type<tc>, window_params = [{transform_indices = @transform_0, window_bounds = array<i64: 256, 512>}, {transform_indices = @transform_1, window_bounds = array<i64: 1, 1024, 512>}, {transform_indices = @transform_2, window_bounds = array<i64: 1, 1024, 512>}, {transform_indices = @transform_3, window_bounds = array<i64: 1, 1024, 1024>}, {transform_indices = @transform_4, window_bounds = array<i64: 256, 1024>}]} {
    %get3A = arith.constant 0 : index
    %get3A_0 = arith.constant 0 : index
    %get3A_1 = vector.load %arg2[%get3A, %get3A_0] : memref<256x512xi32, #tpu.memory_space<vmem>>, vector<256x512xi32>
    %bitcast_convert_type3A = tpu.bitcast %get3A_1 : vector<256x512xi32> -> vector<256x512xi32>
    %and3A = arith.constant 65535 : i32
    %and3A_2 = vector.broadcast %and3A : i32 to vector<256x512xi32>
    %and3A_3 = arith.andi %bitcast_convert_type3A, %and3A_2 : vector<256x512xi32>
    %convert_element_type3A = arith.trunci %and3A_3 : vector<256x512xi32> to vector<256x512xi16>
    %bitcast_convert_type3A_4 = tpu.bitcast %convert_element_type3A : vector<256x512xi16> -> vector<256x512xbf16>
    %shift_right_logical3A = arith.constant 16 : i32
    %shift_right_logical3A_5 = vector.broadcast %shift_right_logical3A : i32 to vector<256x512xi32>
    %shift_right_logical3A_6 = arith.shrui %bitcast_convert_type3A, %shift_right_logical3A_5 : vector<256x512xi32>
    %convert_element_type3A_7 = arith.trunci %shift_right_logical3A_6 : vector<256x512xi32> to vector<256x512xi16>
    %bitcast_convert_type3A_8 = tpu.bitcast %convert_element_type3A_7 : vector<256x512xi16> -> vector<256x512xbf16>
    %get3A_9 = arith.constant 0 : index
    %get3A_10 = arith.constant 0 : index
    %get3A_11 = arith.constant 0 : index
    %get3A_12 = vector.load %arg3[%get3A_9, %get3A_10, %get3A_11] : memref<1x1024x512xbf16, #tpu.memory_space<vmem>>, vector<1x1024x512xbf16>
    %get3A_13 = vector.shape_cast %get3A_12 : vector<1x1024x512xbf16> to vector<1024x512xbf16>
    %dot_general3A = arith.constant dense<0.000000e+00> : vector<256x1024xf32>
    %dot_general3A_14 = tpu.matmul %bitcast_convert_type3A_4, %get3A_13, %dot_general3A {dimension_numbers = #tpu.dot_dimension_numbers<[1], [1], [0], [0], [0, 0, 1, 0], [], []>, transpose_lhs_hint = false} : vector<256x512xbf16>, vector<1024x512xbf16>, vector<256x1024xf32> -> vector<256x1024xf32>
    %get3A_15 = arith.constant 0 : index
    %get3A_16 = arith.constant 0 : index
    %get3A_17 = arith.constant 0 : index
    %get3A_18 = vector.load %arg4[%get3A_15, %get3A_16, %get3A_17] : memref<1x1024x512xbf16, #tpu.memory_space<vmem>>, vector<1x1024x512xbf16>
    %get3A_19 = vector.shape_cast %get3A_18 : vector<1x1024x512xbf16> to vector<1024x512xbf16>
    %dot_general3A_20 = arith.constant dense<0.000000e+00> : vector<256x1024xf32>
    %dot_general3A_21 = tpu.matmul %bitcast_convert_type3A_8, %get3A_19, %dot_general3A_20 {dimension_numbers = #tpu.dot_dimension_numbers<[1], [1], [0], [0], [0, 0, 1, 0], [], []>, transpose_lhs_hint = false} : vector<256x512xbf16>, vector<1024x512xbf16>, vector<256x1024xf32> -> vector<256x1024xf32>
    %add3A = arith.addf %dot_general3A_14, %dot_general3A_21 : vector<256x1024xf32>
    %logistic3A = arith.negf %add3A : vector<256x1024xf32>
    %logistic3A_22 = math.exp %logistic3A : vector<256x1024xf32>
    %logistic3A_23 = arith.constant 1.000000e+00 : f32
    %logistic3A_24 = vector.broadcast %logistic3A_23 : f32 to vector<256x1024xf32>
    %logistic3A_25 = arith.addf %logistic3A_24, %logistic3A_22 : vector<256x1024xf32>
    %logistic3A_26 = arith.divf %logistic3A_24, %logistic3A_25 : vector<256x1024xf32>
    %mul3A = arith.mulf %add3A, %logistic3A_26 : vector<256x1024xf32>
    %convert_element_type3A_27 = arith.truncf %mul3A : vector<256x1024xf32> to vector<256x1024xbf16>
    %get3A_28 = arith.constant 0 : index
    %get3A_29 = arith.constant 0 : index
    %get3A_30 = arith.constant 0 : index
    %get3A_31 = vector.load %arg5[%get3A_28, %get3A_29, %get3A_30] : memref<1x1024x1024xbf16, #tpu.memory_space<vmem>>, vector<1x1024x1024xbf16>
    %get3A_32 = vector.shape_cast %get3A_31 : vector<1x1024x1024xbf16> to vector<1024x1024xbf16>
    %dot_general3A_33 = arith.constant dense<0.000000e+00> : vector<256x1024xf32>
    %dot_general3A_34 = tpu.matmul %convert_element_type3A_27, %get3A_32, %dot_general3A_33 {dimension_numbers = #tpu.dot_dimension_numbers<[1], [1], [0], [0], [0, 0, 1, 0], [], []>, transpose_lhs_hint = false} : vector<256x1024xbf16>, vector<1024x1024xbf16>, vector<256x1024xf32> -> vector<256x1024xf32>
    %swap3A = arith.constant 0 : index
    %swap3A_35 = arith.constant 0 : index
    %swap3A_36 = vector.load %arg6[%swap3A, %swap3A_35] : memref<256x1024xf32, #tpu.memory_space<vmem>>, vector<256x1024xf32>
    tpu.vector_store %arg6[%swap3A, %swap3A_35], %dot_general3A_34 {strides = array<i32>} : memref<256x1024xf32, #tpu.memory_space<vmem>>, vector<256x1024xf32>,
    return
  }
  func.func @transform_0(%arg0: i32, %arg1: memref<24xi32, #tpu.memory_space<smem>>) -> (i32, i32) {
    %c0_i32 = arith.constant 0 : i32
    %c0_i32_0 = arith.constant 0 : i32
    return %arg0, %c0_i32 : i32, i32
  }
  func.func @transform_1(%arg0: i32, %arg1: memref<24xi32, #tpu.memory_space<smem>>) -> (i32, i32, i32) {
    %get3A = arith.index_cast %arg0 : i32 to index
    %get3A_0 = memref.load %arg1[%get3A] : memref<24xi32, #tpu.memory_space<smem>>
    %c0_i32 = arith.constant 0 : i32
    %c0_i32_1 = arith.constant 0 : i32
    %c0_i32_2 = arith.constant 0 : i32
    return %get3A_0, %c0_i32, %c0_i32_1 : i32, i32, i32
  }
  func.func @transform_2(%arg0: i32, %arg1: memref<24xi32, #tpu.memory_space<smem>>) -> (i32, i32, i32) {
    %get3A = arith.index_cast %arg0 : i32 to index
    %get3A_0 = memref.load %arg1[%get3A] : memref<24xi32, #tpu.memory_space<smem>>
    %c0_i32 = arith.constant 0 : i32
    %c0_i32_1 = arith.constant 0 : i32
    %c0_i32_2 = arith.constant 0 : i32
    return %get3A_0, %c0_i32, %c0_i32_1 : i32, i32, i32
  }
  func.func @transform_3(%arg0: i32, %arg1: memref<24xi32, #tpu.memory_space<smem>>) -> (i32, i32, i32) {
    %get3A = arith.index_cast %arg0 : i32 to index
    %get3A_0 = memref.load %arg1[%get3A] : memref<24xi32, #tpu.memory_space<smem>>
    %c0_i32 = arith.constant 0 : i32
    %c0_i32_1 = arith.constant 0 : i32
    %c0_i32_2 = arith.constant 0 : i32
    return %get3A_0, %c0_i32, %c0_i32_1 : i32, i32, i32
  }
  func.func @transform_4(%arg0: i32, %arg1: memref<24xi32, #tpu.memory_space<smem>>) -> (i32, i32) {
    %c0_i32 = arith.constant 0 : i32
    %c0_i32_0 = arith.constant 0 : i32
    return %arg0, %c0_i32 : i32, i32
  }
}

module attributes {stable_mosaic.version = 14 : i64} {
  func.func @_k7_body(%arg0: i32, %arg1: memref<512x1024xf32, #tpu.memory_space<vmem>>, %arg2: memref<512x1024xf32, #tpu.memory_space<vmem>>, %arg3: memref<512x1024xf32, #tpu.memory_space<vmem>>, %arg4: memref<512x2xf32, #tpu.memory_space<vmem>>, %arg5: memref<512x1024xf32, #tpu.memory_space<vmem>>) attributes {dimension_semantics = [#tpu.dimension_semantics<arbitrary>], iteration_bounds = array<i64: 4>, scalar_prefetch = 0 : i64, scratch_operands = 0 : i64, tpu.core_type = #tpu.core_type<tc>, window_params = [{transform_indices = @transform_0, window_bounds = array<i64: 512, 1024>}, {transform_indices = @transform_1, window_bounds = array<i64: 512, 1024>}, {transform_indices = @transform_2, window_bounds = array<i64: 512, 1024>}, {transform_indices = @transform_3, window_bounds = array<i64: 512, 2>}, {transform_indices = @transform_4, window_bounds = array<i64: 512, 1024>}]} {
    %get3A = arith.constant 0 : index
    %get3A_0 = arith.constant 0 : index
    %get3A_1 = vector.load %arg4[%get3A, %get3A_0] : memref<512x2xf32, #tpu.memory_space<vmem>>, vector<512x2xf32>
    %get3A_2 = arith.constant 0 : index
    %get3A_3 = arith.constant 0 : index
    %get3A_4 = vector.load %arg1[%get3A_2, %get3A_3] : memref<512x1024xf32, #tpu.memory_space<vmem>>, vector<512x1024xf32>
    %get3A_5 = arith.constant 0 : index
    %get3A_6 = arith.constant 0 : index
    %get3A_7 = vector.load %arg2[%get3A_5, %get3A_6] : memref<512x1024xf32, #tpu.memory_space<vmem>>, vector<512x1024xf32>
    %slice3A = vector.extract_strided_slice %get3A_1 {offsets = [0, 0], sizes = [512, 1], strides = [1, 1]} : vector<512x2xf32> to vector<512x1xf32>
    %mul3A = vector.broadcast %slice3A : vector<512x1xf32> to vector<512x1024xf32>
    %mul3A_8 = arith.mulf %get3A_7, %mul3A : vector<512x1024xf32>
    %add3A = arith.addf %get3A_4, %mul3A_8 : vector<512x1024xf32>
    %get3A_9 = arith.constant 0 : index
    %get3A_10 = arith.constant 0 : index
    %get3A_11 = vector.load %arg3[%get3A_9, %get3A_10] : memref<512x1024xf32, #tpu.memory_space<vmem>>, vector<512x1024xf32>
    %slice3A_12 = vector.extract_strided_slice %get3A_1 {offsets = [0, 1], sizes = [512, 1], strides = [1, 1]} : vector<512x2xf32> to vector<512x1xf32>
    %mul3A_13 = vector.broadcast %slice3A_12 : vector<512x1xf32> to vector<512x1024xf32>
    %mul3A_14 = arith.mulf %get3A_11, %mul3A_13 : vector<512x1024xf32>
    %add3A_15 = arith.addf %add3A, %mul3A_14 : vector<512x1024xf32>
    %swap3A = arith.constant 0 : index
    %swap3A_16 = arith.constant 0 : index
    %swap3A_17 = vector.load %arg5[%swap3A, %swap3A_16] : memref<512x1024xf32, #tpu.memory_space<vmem>>, vector<512x1024xf32>
    tpu.vector_store %arg5[%swap3A, %swap3A_16], %add3A_15 {strides = array<i32>} : memref<512x1024xf32, #tpu.memory_space<vmem>>, vector<512x1024xf32>,
    return
  }
  func.func @transform_0(%arg0: i32) -> (i32, i32) {
    %c0_i32 = arith.constant 0 : i32
    %c0_i32_0 = arith.constant 0 : i32
    return %arg0, %c0_i32 : i32, i32
  }
  func.func @transform_1(%arg0: i32) -> (i32, i32) {
    %c0_i32 = arith.constant 0 : i32
    %c0_i32_0 = arith.constant 0 : i32
    return %arg0, %c0_i32 : i32, i32
  }
  func.func @transform_2(%arg0: i32) -> (i32, i32) {
    %c0_i32 = arith.constant 0 : i32
    %c0_i32_0 = arith.constant 0 : i32
    return %arg0, %c0_i32 : i32, i32
  }
  func.func @transform_3(%arg0: i32) -> (i32, i32) {
    %c0_i32 = arith.constant 0 : i32
    %c0_i32_0 = arith.constant 0 : i32
    return %arg0, %c0_i32 : i32, i32
  }
  func.func @transform_4(%arg0: i32) -> (i32, i32) {
    %c0_i32 = arith.constant 0 : i32
    %c0_i32_0 = arith.constant 0 : i32
    return %arg0, %c0_i32 : i32, i32
  }
}

</mosaic_0001>

<sc_bundles>
// kernel: kernel.11.cloned.1.call-start
scs
__scs_entry_jumppad:
0x0: {  	(pc) =	sbr.rel $0x88, $3  }
0x1: {  	(tag) =	ssettag $0x0;
	lr =	simm.s32 $0x1  }
0x2: {  	[smem:$0x3F97] =	sst lr;
	_ =	strace $0xD0000000  }
0x3: {  	_ = 	snop  }
0x4: {  	_ = 	snop  }
0x5: {  	_ = 	snop  }
0x6: {  	_ = 	snop  }
0x7: {  	_ = 	snop  }
__scs_overlays_trampoline_lowered:
0x8: {  	[smem:$0x3FA6] =	sst s0  }
0x9: {  	[smem:$0x3FA7] =	sst s1  }
0xa: {  	[smem:$0x3FA8] =	sst s2  }
0xb: {  	[smem:$0x3FA9] =	sst s3  }
0xc: {  	[smem:$0x3FAA] =	sst s4  }
0xd: {  	[smem:$0x3FAB] =	sst s5  }
0xe: {  	[smem:$0x3FAC] =	sst s6  }
0xf: {  	[smem:$0x3FAD] =	sst s7  }
0x10: {  	[smem:$0x3FAE] =	sst s8  }
0x11: {  	[smem:$0x3FAF] =	sst s9;
	s0 =	simm.s32 @!p0 $0x0  }
0x12: {  	s1 =	sld [smem:$0x3F95];
	s0 =	simm.s32 @p0 $0x1  }
0x13: {  	[smem:$0x3FB0] =	sst s0;
	s0 =	simm.s32 @!p1 $0x0  }
0x14: {  	s2 =	sld [smem:$0x3F94];
	s0 =	simm.s32 @p1 $0x1  }
0x15: {  	[smem:$0x3FB1] =	sst s0;
	s0 =	simm.s32 @!p2 $0x0  }
0x16: {  	s3 =	sld [smem:$0x3FDB];
	s0 =	simm.s32 @p2 $0x1  }
0x17: {  	s4 =	simm.s32 $0x1BF5;
	[smem:$0x3FB3] =	sst s0  }
0x18: {  	s0 =	sld [smem:$0x3F96];
	_ =	swait.ge [sflag:s4], $0x0  }
0x19: {  	s7 =	sld [smem:$0x3F97]  }
0x1a: {  	s8 =	sadd.s32 $0xFFFFE003, lr  }
0x1b: {  	s9 =	sadd.s32 $0xFFFFFEF7, lr;
	s5 =	simm.s32 $0xFFFFFFFF;
	p2 =	slt.u32 s8, $0xFFFFF086  }
0x1c: {  	p1 =	slt.u32 s9, $0xF7A;
	s5 =	simm.s32 @!p2 $0x0  }
0x1d: {  	s5 =	simm.s32 @p1 $0x1;
	p0 =	seq.s32 s7, s2  }
0x1e: {  	s7 =	smul.u32 @!p0 $0xF7A, s2;
	p2 =	seq.s32 @!p0 s5, $0x0  }
0x1f: {  	s9 =	smul.u32 $0xF7A, s1;
	s8 =	simm.s32 @!p0 $0x1BF5;
	p2 =	por !p2, p0  }
0x20: {  	[sflag:s8] =	ssyncset.s32 @!p0 $0xFFFFF086;
	s6 =	sadd.s32 @!p0 s3, s7;
	s7 =	simm.s32 @!p0 $0x108  }
0x21: {  	s3 =	sadd.s32 s3, s9;
	s6 =	sadd.s32 @!p0 $0x88, s6;
	s7 =	simm.s32 @p2 $0x1082  }
0x22: {  	[simem:s7], [sflag:s8] =	dma.local @!p0 [hbm:s6], $0xF7A  }
0x23: {  	s9 =	sor.u32 $0xD0000000, s2;
	s6 =	simm.s32 $0x108;
	_ =	swait.ge @!p0 [sflag:s8], $0x0  }
0x24: {  	s3 =	sadd.s32 $0x88, s3;
	s6 =	simm.s32 @!p1 $0x1082;
	[sflag:s4] =	ssyncset.s32 $0xFFFFF086  }
0x25: {  	[simem:s6], [sflag:s4] =	dma.local [hbm:s3], $0xF7A  }
0x26: {  	[smem:$0x3F97] =	sst s1;
	(tag) =	ssettag s2;
	_ =	strace s9  }
0x27: {  	s1 =	sld [smem:$0x3FA7]  }
0x28: {  	s2 =	sld [smem:$0x3FA8]  }
0x29: {  	s4 =	sld [smem:$0x3FAA]  }
0x2a: {  	p0 =	seq.s32 s5, $0x0;
	s5 =	sld [smem:$0x3FAB]  }
0x2b: {  	s6 =	sld [smem:$0x3FAC]  }
0x2c: {  	s7 =	sld [smem:$0x3FAD]  }
0x2d: {  	s3 =	simm.s32 $0x108;
	s8 =	sld [smem:$0x3FAE]  }
0x2e: {  	s3 =	simm.s32 @!p0 $0x1082;
	s9 =	sld [smem:$0x3FAF]  }
0x2f: {  	lr =	sadd.s32 s0, s3;
	s0 =	sld [smem:$0x3FA6]  }
0x30: {  	s3 =	sld [smem:$0x3FA9]  }
0x31: {  	[smem:$0x3FB2] =	sst s10  }
0x32: {  	s10 =	sld [smem:$0x3FB0];
	_ =	sdelay $0x3  }
0x33: {  	p0 =	seq.s32 s10, $0x1;
	s10 =	sld [smem:$0x3FB2];
	_ =	sdelay $0x3  }
0x34: {  	[smem:$0x3FB2] =	sst s10  }
0x35: {  	s10 =	sld [smem:$0x3FB1];
	_ =	sdelay $0x3  }
0x36: {  	p1 =	seq.s32 s10, $0x1;
	s10 =	sld [smem:$0x3FB2];
	_ =	sdelay $0x3  }
0x37: {  	[smem:$0x3FB2] =	sst s10  }
0x38: {  	s10 =	sld [smem:$0x3FB3]  }
0x39: {  	_ = 	snop;
	(pc) =	sbr.ind lr, $3  }
0x3a: {  	_ = 	snop  }
0x3b: {  	_ = 	snop  }
0x3c: {  	p2 =	seq.s32 s10, $0x1;
	s10 =	sld [smem:$0x3FB2]  }
0x3d: {  	_ =	shalt  }
0x3e: {  	_ =	shalt  }
0x3f: {  	_ =	shalt  }
0x40: {  	_ =	shalt  }
0x41: {  	_ =	shalt  }
0x42: {  	_ =	shalt  }
0x43: {  	_ =	shalt  }
0x44: {  	_ =	shalt  }
0x45: {  	_ =	shalt  }
0x46: {  	_ =	shalt  }
0x47: {  	_ =	shalt  }
0x48: {  	_ =	shalt  }
0x49: {  	_ =	shalt  }
0x4a: {  	_ =	shalt  }
0x4b: {  	_ =	shalt  }
0x4c: {  	_ =	shalt  }
0x4d: {  	_ =	shalt  }
0x4e: {  	_ =	shalt  }
0x4f: {  	_ =	shalt  }
0x50: {  	_ =	shalt  }
0x51: {  	_ =	shalt  }
0x52: {  	_ =	shalt  }
0x53: {  	_ =	shalt  }
0x54: {  	_ =	shalt  }
0x55: {  	_ =	shalt  }
0x56: {  	_ =	shalt  }
0x57: {  	_ =	shalt  }
0x58: {  	_ =	shalt  }
0x59: {  	_ =	shalt  }
0x5a: {  	_ =	shalt  }
0x5b: {  	_ =	shalt  }
0x5c: {  	_ =	shalt  }
0x5d: {  	_ =	shalt  }
0x5e: {  	_ =	shalt  }
0x5f: {  	_ =	shalt  }
0x60: {  	_ =	shalt  }
0x61: {  	_ =	shalt  }
0x62: {  	_ =	shalt  }
0x63: {  	_ =	shalt  }
0x64: {  	_ =	shalt  }
0x65: {  	_ =	shalt  }
0x66: {  	_ =	shalt  }
0x67: {  	_ =	shalt  }
0x68: {  	_ =	shalt  }
0x69: {  	_ =	shalt  }
0x6a: {  	_ =	shalt  }
0x6b: {  	_ =	shalt  }
0x6c: {  	_ =	shalt  }
0x6d: {  	_ =	shalt  }
0x6e: {  	_ =	shalt  }
0x6f: {  	_ =	shalt  }
0x70: {  	_ =	shalt  }
0x71: {  	_ =	shalt  }
0x72: {  	_ =	shalt  }
0x73: {  	_ =	shalt  }
0x74: {  	_ =	shalt  }
0x75: {  	_ =	shalt  }
0x76: {  	_ =	shalt  }
0x77: {  	_ =	shalt  }
0x78: {  	_ =	shalt  }
0x79: {  	_ =	shalt  }
0x7a: {  	_ =	shalt  }
0x7b: {  	_ =	shalt  }
0x7c: {  	_ =	shalt  }
0x7d: {  	_ =	shalt  }
0x7e: {  	_ =	shalt  }
0x7f: {  	_ =	shalt  }
0x80: {  	_ =	shalt  }
0x81: {  	_ =	shalt  }
0x82: {  	_ =	shalt  }
0x83: {  	_ =	shalt  }
0x84: {  	_ =	shalt  }
0x85: {  	_ =	shalt  }
0x86: {  	_ =	shalt  }
0x87: {  	_ =	shalt  }
.Lfunc_end0:
.L_simem_size_0:
called_computation.1_lowered:
.L_overlay_start_0:
0x88: {  	s2 =	sld [smem:$0x3FD9]  }
0x89: {  	s3 =	sld [smem:$0x3FFE];
	_ =	sdelay $0x1  }
0x8a: {  	s1 =	srdreg.scid  }
0x8b: {  	s0 =	sand.u32 $0x1, s1  }
0x8c: {  	s16 =	sshll.u32 s0, $0xA;
	s2 =	sadd.s32 s3, s2  }
0x8d: {  	s2 =	sadd.s32 s2, s16  }
0x8e: {  	[smem:$0x3FBE] =	sst s2  }
0x8f: {  	_ = 	snop  }
0x90: {  	(tm) =	ssettm $0x1  }
0x91: {  	s17 =	sld [smem:$0x3FFB];
	_ =	sdelay $0x3  }
0x92: {  	_ =	strace s17  }
0x93: {  	s2 =	sld [smem:$0x3FFC];
	_ =	sdelay $0x3  }
0x94: {  	_ =	strace s2  }
0x95: {  	s2 =	sld [smem:$0x3FFD];
	_ =	sdelay $0x3  }
0x96: {  	_ =	strace s2  }
0x97: {  	_ =	strace $0x8FFFFFFF  }
0x98: {  	s18 =	sld [smem:$0x3FDB];
	_ =	sdelay $0x1  }
0x99: {  	s19 =	simm.s32 $_scs_section_size  }
0x9a: {  	s4 =	simm.s32 $_size__tile_overlayer_lowered;
	s5 =	simm.s32 $_tile_overlayer_lowered  }
0x9b: {  	s22 =	simm.s32 $0x1BFF;
	s21 =	sshll.u32 s5, $0x1;
	s2 =	sadd.s32 s19, s18  }
0x9c: {  	s6 =	simm.s32 $0x0;
	s20 =	sshll.u32 s4, $0x1;
	s4 =	sadd.s32 s21, s2  }
0x9d: {  	[timem:s6], [sflag:s22] =	dma.local [hbm:s4], s20  }
0x9e: {  	_ =	swait.ge [sflag:s22], s20  }
0x9f: {  	s3 =	ssub.s32 $0x0, s20;
	[sflag:s22] =	ssyncset.done $0x0  }
0xa0: {  	[sflag:s22] =	ssyncadd.s32 s3;
	_ =	sdelay $0x1  }
0xa1: {  	s23 =	simm.s32 $0x1B8B  }
0xa2: {  	_ =	swait.ge [sflag:s23], $0x1  }
0xa3: {  	[sflag:s23] =	ssyncset.done $0x0  }
0xa4: {  	s25 =	simm.s32 $0x1B8E;
	s24 =	sld [smem:$0x3FFE];
	[sflag:s23] =	ssyncadd.s32 $0xFFFFFFFF  }
0xa5: {  	s26 =	simm.s32 $execute0_lowered;
	[smem:$0x3FD2] =	sst s25  }
0xa6: {  	s4 =	sshll.u32 s26, $0x1;
	_ =	strace $0x80000049;
	[dreg:$0x1] =	wrdreg $0xFFFFFFFF  }
0xa7: {  	s28 =	simm.s32 $_size_execute0_lowered;
	s2 =	sadd.s32 s2, s4;
	[dreg:$0x0] =	wrdreg $0x0  }
0xa8: {  	s4 =	sshll.u32 s28, $0x1;
	[dreg:$0x2] =	wrdreg s2  }
0xa9: {  	[dreg:$0x3] =	wrdreg s4  }
0xaa: {  	[dreg:$0x4] =	wrdreg $0xC0  }
0xab: {  	_ =	task [dreg:s6], $0x5FFFF  }
0xac: {  	[dreg:$0x1] =	wrdreg $0xFFFFFFFF  }
0xad: {  	[dreg:$0x0] =	wrdreg $0x60  }
0xae: {  	[dreg:$0x2] =	wrdreg s24  }
0xaf: {  	[dreg:$0x3] =	wrdreg $0x9  }
0xb0: {  	_ =	task.clear_ibuf [dreg:s6], $0x4FFFF;
	_ =	strace $0x90000049  }
0xb1: {  	s29 =	simm.s32 $0x9;
	_ =	strace $0x8000004B  }
0xb2: {  	_ =	swait.ge [sflag:s29], $0x1  }
0xb3: {  	[sflag:s29] =	ssyncadd.s32 $0xFFFFFFFF  }
0xb4: {  	_ =	strace $0x9000004B  }
0xb5: {  	_ =	sfence  }
0xb6: {  	s30 =	sld [smem:$0x0];
	_ =	sdelay $0x2  }
0xb7: {  	s31 =	sshll.u32 s1, $0xD;
	s1 =	sshrl.u32 s1, $0x2  }
0xb8: {  	s3 =	sand.u32 $0x4000, s31;
	s1 =	sadd.s32 s1, s30  }
0xb9: {  	s0 =	sor.u32 s3, s0;
	s1 =	sshll.u32 s1, $0x11  }
0xba: {  	s0 =	sor.u32 s1, s0  }
0xbb: {  	s0 =	sadd.s32 $0x8F2B, s0  }
0xbc: {  	[sflag:s0] =	ssyncadd.remote.s32 $0x1  }
0xbd: {  	_ =	sfence.sel $0xFFFF  }
0xbe: {  	[dreg:$0x0] =	wrdreg $0xFFFFFFFF;
	(pc) =	sbr.abs _section_cstart, $3  }
0xbf: {  	[dreg:$0x1] =	wrdreg $0xFFFFFFFF  }
0xc0: {  	_ =	task.clear_ibuf [dreg:s6], $0x2FFFF;
	_ =	strace $0x9FFFFFFF  }
0xc1: {  	(tm) =	ssettm $0x7FFFFFFF  }
tec
execute0_lowered:
.L_overlay_start_1:
0x0: {  	(tag) =	ssettag $0x1  }
0x1: {  	s0 =	rddreg [dreg:$0x0];
	s1 =	srdreg.scid  }
0x2: {  	s2 =	simm.s32 $0x0;
	s3 =	stileid.u32;
	s25 =	simm.s32 $0x10000  }
0x3: {  	s26 =	simm.s32 $0x10080;
	s16 =	simm.s32 $0x1;
	s19 =	simm.s32 $0x1000  }
0x4: {  	s20 =	simm.s32 $0x1800;
	s21 =	simm.s32 $0x2000;
	s22 =	simm.s32 $0x2800  }
0x5: {  	s28 =	simm.s32 $0x5000;
	s29 =	simm.s32 $0x5800;
	s30 =	simm.s32 $0x6000  }
0x6: {  	s31 =	simm.s32 $0x6800;
	s9 =	simm.s32 $0x8000;
	s10 =	simm.s32 $0x8800  }
0x7: {  	s11 =	simm.s32 $0x9000;
	s12 =	simm.s32 $0x9800;
	s13 =	simm.s32 $0xA000  }
0x8: {  	s14 =	simm.s32 $0xA800;
	s15 =	simm.s32 $0xB000;
	s1 =	sand.u32 $0x1, s1  }
0x9: {  	[smem:$0x7FF] =	sst s2;
	s3 =	sshll.u32 s3, $0x7;
	s4 =	sshll.u32 s1, $0x6  }
0xa: {  	_ =	strace $0x8000004A;
	s1 =	ssub.s32 $0x2, s1;
	[dreg:$0x6] =	wrdreg s25  }
0xb: {  	[dreg:$0x7] =	wrdreg s26;
	s25 =	simm.s32 $0x4000;
	s4 =	sor.u32 s4, s3  }
0xc: {  	s26 =	simm.s32 $0x4800;
	s3 =	sadd.s32 $0x18A800, s0;
	s5 =	sshrl.u32 s4, $0x3  }
0xd: {  	s6 =	sshrl.u32 s1, $0x1;
	s4 =	sshll.u32 s4, $0x7;
	s5 =	sadd.s32 s5, s0  }
0xe: {  	s1 =	ssub.s32 s1, s6;
	s6 =	sadd.s32 $0x18AB00, s0;
	s23 =	sadd.s32 $0x2A400, s5  }
0xf: {  	s7 =	sadd.s32 s4, s0;
	s5 =	sadd.s32 $0x2A600, s5;
	[dreg:$0x2] =	wrdreg s23  }
0x10: {  	s4 =	sadd.s32 $0x18A900, s0;
	s8 =	sadd.s32 $0x2A800, s7;
	[dreg:$0x3] =	wrdreg s5  }
0x11: {  	v2 =	vlaneseq.u32;
	s24 =	sadd.s32 $0x6A800, s7;
	s7 =	smax.u32 s1, $0x1;
	[dreg:$0x4] =	wrdreg s8  }
0x12: {  	vm0 =	vmmov $0xffff;
	v1 =	vshrl.u32 v2, $0x3;
	s1 =	simm.s32 $0x7800;
	s5 =	sadd.s32 $0x18AA00, s0;
	[dreg:$0x5] =	wrdreg s24  }
0x13: {  	v0 =	vand.u32 $0x7, v2;
	v2 =	vor.u32 $0x8, v2;
	v1 =	vmul.u32 $0x8, v1;
	s8 =	simm.s32 $0x2;
	s23 =	simm.s32 $0x3000;
	s24 =	simm.s32 $0x3800  }
.LBB2_1:
0x14: {  	s17 =	rddreg [dreg:$0x2]  }
0x15: {  	s18 =	rddreg [dreg:$0x6]  }
0x16: {  	[tilespmem:s18], [sflag:$0x2] =	stream.linear.gather [hbm4b:s17+s2], $0x40, $0x38;
	[tilespmem:$0x10100] =	vst v63  }
0x17: {  	_ =	swait.ge [sflag:s8], $0x40  }
0x18: {  	s18 =	rddreg [dreg:$0x3];
	[sflag:s8] =	ssyncset.done $0x0  }
0x19: {  	s0 =	rddreg [dreg:$0x7];
	[sflag:s8] =	ssyncadd.s32 $0xFFFFFFC0  }
0x1a: {  	[tilespmem:s0], [sflag:$0x2] =	stream.linear.gather [hbm4b:s18+s2], $0x40, $0x38;
	[tilespmem:$0x10100] =	vst v63  }
0x1b: {  	_ =	swait.ge [sflag:s8], $0x40  }
0x1c: {  	[sflag:s8] =	ssyncset.done $0x0  }
0x1d: {  	[sflag:s8] =	ssyncadd.s32 $0xFFFFFFC0  }
0x1e: {  	v3 =	vld [tilespmem:$0x10000];
	_ =	sdelay $0x4  }
0x1f: {  	v4 =	vshll.u32 v3, $0x3  }
0x20: {  	v3 =	vand.u32 $0x7, v3;
	v4 =	vand.u32 $0xFFFFFFC0, v4  }
0x21: {  	v3 =	vor.u32 v3, v4  }
0x22: {  	v4 =	vperm.xlane v3, v0;
	_ =	sdelay $0x1  }
0x23: {  	v4 =	vadd.s32 v1, v4;
	_ =	sdelay $0x4  }
0x24: {  	[tilespmem:s2], [sflag:$0x1] =	stream.indirect_vreg.gather [hbm4b:s3+s2], $0x80, v4, vm0, $0xb8;
	[tilespmem:$0x10100] =	vst v63  }
0x25: {  	s18 =	simm.s32 $0x800;
	v3 =	vperm.xlane v3, v2  }
0x26: {  	[tilespmem:s18], [sflag:$0x1] =	stream.indirect_vreg.gather [hbm4b:s4+s2], $0x80, v4, vm0, $0xb8;
	[tilespmem:$0x10100] =	vst v63  }
0x27: {  	v3 =	vadd.s32 v1, v3  }
0x28: {  	[tilespmem:s19], [sflag:$0x1] =	stream.indirect_vreg.gather [hbm4b:s5+s2], $0x80, v4, vm0, $0xb8;
	[tilespmem:$0x10100] =	vst v63  }
0x29: {  	_ = 	snop  }
0x2a: {  	[tilespmem:s20], [sflag:$0x1] =	stream.indirect_vreg.gather [hbm4b:s6+s2], $0x80, v4, vm0, $0xb8;
	[tilespmem:$0x10100] =	vst v63  }
0x2b: {  	_ = 	snop  }
0x2c: {  	[tilespmem:s21], [sflag:$0x1] =	stream.indirect_vreg.gather [hbm4b:s3+s2], $0x80, v3, vm0, $0xb8;
	[tilespmem:$0x10100] =	vst v63  }
0x2d: {  	_ = 	snop  }
0x2e: {  	[tilespmem:s22], [sflag:$0x1] =	stream.indirect_vreg.gather [hbm4b:s4+s2], $0x80, v3, vm0, $0xb8;
	[tilespmem:$0x10100] =	vst v63  }
0x2f: {  	_ = 	snop  }
0x30: {  	[tilespmem:s23], [sflag:$0x1] =	stream.indirect_vreg.gather [hbm4b:s5+s2], $0x80, v3, vm0, $0xb8;
	[tilespmem:$0x10100] =	vst v63  }
0x31: {  	_ = 	snop  }
0x32: {  	[tilespmem:s24], [sflag:$0x1] =	stream.indirect_vreg.gather [hbm4b:s6+s2], $0x80, v3, vm0, $0xb8;
	[tilespmem:$0x10100] =	vst v63  }
0x33: {  	v3 =	vld [tilespmem:$0x10010];
	_ =	sdelay $0x4  }
0x34: {  	v57 =	vshll.u32 v3, $0x3  }
0x35: {  	v3 =	vand.u32 $0x7, v3;
	v4 =	vand.u32 $0xFFFFFFC0, v57  }
0x36: {  	v3 =	vor.u32 v3, v4  }
0x37: {  	v4 =	vperm.xlane v3, v0;
	_ =	sdelay $0x1  }
0x38: {  	v4 =	vadd.s32 v1, v4;
	_ =	sdelay $0x4  }
0x39: {  	[tilespmem:s25], [sflag:$0x1] =	stream.indirect_vreg.gather [hbm4b:s3+s2], $0x80, v4, vm0, $0xb8;
	[tilespmem:$0x10100] =	vst v63  }
0x3a: {  	v3 =	vperm.xlane v3, v2  }
0x3b: {  	[tilespmem:s26], [sflag:$0x1] =	stream.indirect_vreg.gather [hbm4b:s4+s2], $0x80, v4, vm0, $0xb8;
	[tilespmem:$0x10100] =	vst v63  }
0x3c: {  	v3 =	vadd.s32 v1, v3  }
0x3d: {  	[tilespmem:s28], [sflag:$0x1] =	stream.indirect_vreg.gather [hbm4b:s5+s2], $0x80, v4, vm0, $0xb8;
	[tilespmem:$0x10100] =	vst v63  }
0x3e: {  	_ = 	snop  }
0x3f: {  	[tilespmem:s29], [sflag:$0x1] =	stream.indirect_vreg.gather [hbm4b:s6+s2], $0x80, v4, vm0, $0xb8;
	[tilespmem:$0x10100] =	vst v63  }
0x40: {  	_ = 	snop  }
0x41: {  	[tilespmem:s30], [sflag:$0x1] =	stream.indirect_vreg.gather [hbm4b:s3+s2], $0x80, v3, vm0, $0xb8;
	[tilespmem:$0x10100] =	vst v63  }
0x42: {  	_ = 	snop  }
0x43: {  	[tilespmem:s31], [sflag:$0x1] =	stream.indirect_vreg.gather [hbm4b:s4+s2], $0x80, v3, vm0, $0xb8;
	[tilespmem:$0x10100] =	vst v63  }
0x44: {  	s0 =	simm.s32 $0x7000  }
0x45: {  	[tilespmem:s0], [sflag:$0x1] =	stream.indirect_vreg.gather [hbm4b:s5+s2], $0x80, v3, vm0, $0xb8;
	[tilespmem:$0x10100] =	vst v63  }
0x46: {  	_ = 	snop  }
0x47: {  	[tilespmem:s1], [sflag:$0x1] =	stream.indirect_vreg.gather [hbm4b:s6+s2], $0x80, v3, vm0, $0xb8;
	[tilespmem:$0x10100] =	vst v63  }
0x48: {  	v3 =	vld [tilespmem:$0x10020];
	_ =	sdelay $0x4  }
0x49: {  	v58 =	vshll.u32 v3, $0x3  }
0x4a: {  	v3 =	vand.u32 $0x7, v3;
	v4 =	vand.u32 $0xFFFFFFC0, v58  }
0x4b: {  	v3 =	vor.u32 v3, v4  }
0x4c: {  	v4 =	vperm.xlane v3, v0;
	_ =	sdelay $0x1  }
0x4d: {  	v4 =	vadd.s32 v1, v4;
	_ =	sdelay $0x4  }
0x4e: {  	[tilespmem:s9], [sflag:$0x1] =	stream.indirect_vreg.gather [hbm4b:s3+s2], $0x80, v4, vm0, $0xb8;
	[tilespmem:$0x10100] =	vst v63  }
0x4f: {  	v3 =	vperm.xlane v3, v2  }
0x50: {  	[tilespmem:s10], [sflag:$0x1] =	stream.indirect_vreg.gather [hbm4b:s4+s2], $0x80, v4, vm0, $0xb8;
	[tilespmem:$0x10100] =	vst v63  }
0x51: {  	v3 =	vadd.s32 v1, v3  }
0x52: {  	[tilespmem:s11], [sflag:$0x1] =	stream.indirect_vreg.gather [hbm4b:s5+s2], $0x80, v4, vm0, $0xb8;
	[tilespmem:$0x10100] =	vst v63  }
0x53: {  	_ = 	snop  }
0x54: {  	[tilespmem:s12], [sflag:$0x1] =	stream.indirect_vreg.gather [hbm4b:s6+s2], $0x80, v4, vm0, $0xb8;
	[tilespmem:$0x10100] =	vst v63  }
0x55: {  	_ = 	snop  }
0x56: {  	[tilespmem:s13], [sflag:$0x1] =	stream.indirect_vreg.gather [hbm4b:s3+s2], $0x80, v3, vm0, $0xb8;
	[tilespmem:$0x10100] =	vst v63  }
0x57: {  	_ = 	snop  }
0x58: {  	[tilespmem:s14], [sflag:$0x1] =	stream.indirect_vreg.gather [hbm4b:s4+s2], $0x80, v3, vm0, $0xb8;
	[tilespmem:$0x10100] =	vst v63  }
0x59: {  	_ = 	snop  }
0x5a: {  	[tilespmem:s15], [sflag:$0x1] =	stream.indirect_vreg.gather [hbm4b:s5+s2], $0x80, v3, vm0, $0xb8;
	[tilespmem:$0x10100] =	vst v63  }
0x5b: {  	s17 =	simm.s32 $0xB800  }
0x5c: {  	[tilespmem:s17], [sflag:$0x1] =	stream.indirect_vreg.gather [hbm4b:s6+s2], $0x80, v3, vm0, $0xb8;
	[tilespmem:$0x10100] =	vst v63  }
0x5d: {  	v3 =	vld [tilespmem:$0x10030];
	_ =	sdelay $0x4  }
0x5e: {  	v59 =	vshll.u32 v3, $0x3  }
0x5f: {  	v3 =	vand.u32 $0x7, v3;
	v4 =	vand.u32 $0xFFFFFFC0, v59  }
0x60: {  	v3 =	vor.u32 v3, v4  }
0x61: {  	v4 =	vperm.xlane v3, v0;
	_ =	sdelay $0x1  }
0x62: {  	v4 =	vadd.s32 v1, v4;
	_ =	sdelay $0x3  }
0x63: {  	s17 =	simm.s32 $0xC000  }
0x64: {  	[tilespmem:s17], [sflag:$0x1] =	stream.indirect_vreg.gather [hbm4b:s3+s2], $0x80, v4, vm0, $0xb8;
	[tilespmem:$0x10100] =	vst v63  }
0x65: {  	v3 =	vperm.xlane v3, v2;
	s17 =	simm.s32 $0xC800  }
0x66: {  	[tilespmem:s17], [sflag:$0x1] =	stream.indirect_vreg.gather [hbm4b:s4+s2], $0x80, v4, vm0, $0xb8;
	[tilespmem:$0x10100] =	vst v63  }
0x67: {  	v3 =	vadd.s32 v1, v3;
	s17 =	simm.s32 $0xD000  }
0x68: {  	[tilespmem:s17], [sflag:$0x1] =	stream.indirect_vreg.gather [hbm4b:s5+s2], $0x80, v4, vm0, $0xb8;
	[tilespmem:$0x10100] =	vst v63  }
0x69: {  	s17 =	simm.s32 $0xD800  }
0x6a: {  	[tilespmem:s17], [sflag:$0x1] =	stream.indirect_vreg.gather [hbm4b:s6+s2], $0x80, v4, vm0, $0xb8;
	[tilespmem:$0x10100] =	vst v63  }
0x6b: {  	s17 =	simm.s32 $0xE000  }
0x6c: {  	[tilespmem:s17], [sflag:$0x1] =	stream.indirect_vreg.gather [hbm4b:s3+s2], $0x80, v3, vm0, $0xb8;
	[tilespmem:$0x10100] =	vst v63  }
0x6d: {  	s17 =	simm.s32 $0xE800  }
0x6e: {  	[tilespmem:s17], [sflag:$0x1] =	stream.indirect_vreg.gather [hbm4b:s4+s2], $0x80, v3, vm0, $0xb8;
	[tilespmem:$0x10100] =	vst v63  }
0x6f: {  	s17 =	simm.s32 $0xF000  }
0x70: {  	[tilespmem:s17], [sflag:$0x1] =	stream.indirect_vreg.gather [hbm4b:s5+s2], $0x80, v3, vm0, $0xb8;
	[tilespmem:$0x10100] =	vst v63  }
0x71: {  	s17 =	simm.s32 $0xF800  }
0x72: {  	[tilespmem:s17], [sflag:$0x1] =	stream.indirect_vreg.gather [hbm4b:s6+s2], $0x80, v3, vm0, $0xb8;
	[tilespmem:$0x10100] =	vst v63  }
0x73: {  	_ =	swait.ge [sflag:s16], $0x10000  }
0x74: {  	[sflag:s16] =	ssyncset.done $0x0  }
0x75: {  	s17 =	rddreg [dreg:$0x4];
	[sflag:s16] =	ssyncadd.s32 $0xFFFF0000  }
0x76: {  	[hbm4b:s17+s2] =	stream.linear.scatter [tilespmem:s2], [sflag:$0x2], $0x10000, $0x38;
	[tilespmem:$0x10100] =	vst v63  }
0x77: {  	_ =	swait.ge [sflag:s8], $0x10000  }
0x78: {  	[sflag:s8] =	ssyncset.done $0x0  }
0x79: {  	[sflag:s8] =	ssyncadd.s32 $0xFFFF0000  }
0x7a: {  	v3 =	vld [tilespmem:$0x10080];
	_ =	sdelay $0x4  }
0x7b: {  	v60 =	vshll.u32 v3, $0x3  }
0x7c: {  	v3 =	vand.u32 $0x7, v3;
	v4 =	vand.u32 $0xFFFFFFC0, v60  }
0x7d: {  	v3 =	vor.u32 v3, v4  }
0x7e: {  	v4 =	vperm.xlane v3, v0;
	_ =	sdelay $0x1  }
0x7f: {  	v4 =	vadd.s32 v1, v4;
	_ =	sdelay $0x4  }
0x80: {  	[tilespmem:s2], [sflag:$0x1] =	stream.indirect_vreg.gather [hbm4b:s3+s2], $0x80, v4, vm0, $0xb8;
	[tilespmem:$0x10100] =	vst v63  }
0x81: {  	v3 =	vperm.xlane v3, v2  }
0x82: {  	[tilespmem:s18], [sflag:$0x1] =	stream.indirect_vreg.gather [hbm4b:s4+s2], $0x80, v4, vm0, $0xb8;
	[tilespmem:$0x10100] =	vst v63  }
0x83: {  	v3 =	vadd.s32 v1, v3  }
0x84: {  	[tilespmem:s19], [sflag:$0x1] =	stream.indirect_vreg.gather [hbm4b:s5+s2], $0x80, v4, vm0, $0xb8;
	[tilespmem:$0x10100] =	vst v63  }
0x85: {  	_ = 	snop  }
0x86: {  	[tilespmem:s20], [sflag:$0x1] =	stream.indirect_vreg.gather [hbm4b:s6+s2], $0x80, v4, vm0, $0xb8;
	[tilespmem:$0x10100] =	vst v63  }
0x87: {  	_ = 	snop  }
0x88: {  	[tilespmem:s21], [sflag:$0x1] =	stream.indirect_vreg.gather [hbm4b:s3+s2], $0x80, v3, vm0, $0xb8;
	[tilespmem:$0x10100] =	vst v63  }
0x89: {  	_ = 	snop  }
0x8a: {  	[tilespmem:s22], [sflag:$0x1] =	stream.indirect_vreg.gather [hbm4b:s4+s2], $0x80, v3, vm0, $0xb8;
	[tilespmem:$0x10100] =	vst v63  }
0x8b: {  	_ = 	snop  }
0x8c: {  	[tilespmem:s23], [sflag:$0x1] =	stream.indirect_vreg.gather [hbm4b:s5+s2], $0x80, v3, vm0, $0xb8;
	[tilespmem:$0x10100] =	vst v63  }
0x8d: {  	_ = 	snop  }
0x8e: {  	[tilespmem:s24], [sflag:$0x1] =	stream.indirect_vreg.gather [hbm4b:s6+s2], $0x80, v3, vm0, $0xb8;
	[tilespmem:$0x10100] =	vst v63  }
0x8f: {  	v3 =	vld [tilespmem:$0x10090];
	_ =	sdelay $0x4  }
0x90: {  	v61 =	vshll.u32 v3, $0x3  }
0x91: {  	v3 =	vand.u32 $0x7, v3;
	v4 =	vand.u32 $0xFFFFFFC0, v61  }
0x92: {  	v3 =	vor.u32 v3, v4  }
0x93: {  	v4 =	vperm.xlane v3, v0;
	_ =	sdelay $0x1  }
0x94: {  	v4 =	vadd.s32 v1, v4;
	_ =	sdelay $0x4  }
0x95: {  	[tilespmem:s25], [sflag:$0x1] =	stream.indirect_vreg.gather [hbm4b:s3+s2], $0x80, v4, vm0, $0xb8;
	[tilespmem:$0x10100] =	vst v63  }
0x96: {  	v3 =	vperm.xlane v3, v2  }
0x97: {  	[tilespmem:s26], [sflag:$0x1] =	stream.indirect_vreg.gather [hbm4b:s4+s2], $0x80, v4, vm0, $0xb8;
	[tilespmem:$0x10100] =	vst v63  }
0x98: {  	v3 =	vadd.s32 v1, v3  }
0x99: {  	[tilespmem:s28], [sflag:$0x1] =	stream.indirect_vreg.gather [hbm4b:s5+s2], $0x80, v4, vm0, $0xb8;
	[tilespmem:$0x10100] =	vst v63  }
0x9a: {  	_ = 	snop  }
0x9b: {  	[tilespmem:s29], [sflag:$0x1] =	stream.indirect_vreg.gather [hbm4b:s6+s2], $0x80, v4, vm0, $0xb8;
	[tilespmem:$0x10100] =	vst v63  }
0x9c: {  	_ = 	snop  }
0x9d: {  	[tilespmem:s30], [sflag:$0x1] =	stream.indirect_vreg.gather [hbm4b:s3+s2], $0x80, v3, vm0, $0xb8;
	[tilespmem:$0x10100] =	vst v63  }
0x9e: {  	_ = 	snop  }
0x9f: {  	[tilespmem:s31], [sflag:$0x1] =	stream.indirect_vreg.gather [hbm4b:s4+s2], $0x80, v3, vm0, $0xb8;
	[tilespmem:$0x10100] =	vst v63  }
0xa0: {  	_ = 	snop  }
0xa1: {  	[tilespmem:s0], [sflag:$0x1] =	stream.indirect_vreg.gather [hbm4b:s5+s2], $0x80, v3, vm0, $0xb8;
	[tilespmem:$0x10100] =	vst v63  }
0xa2: {  	_ = 	snop  }
0xa3: {  	[tilespmem:s1], [sflag:$0x1] =	stream.indirect_vreg.gather [hbm4b:s6+s2], $0x80, v3, vm0, $0xb8;
	[tilespmem:$0x10100] =	vst v63  }
0xa4: {  	v3 =	vld [tilespmem:$0x100A0];
	_ =	sdelay $0x4  }
0xa5: {  	v62 =	vshll.u32 v3, $0x3  }
0xa6: {  	v3 =	vand.u32 $0x7, v3;
	v4 =	vand.u32 $0xFFFFFFC0, v62  }
0xa7: {  	v3 =	vor.u32 v3, v4  }
0xa8: {  	v4 =	vperm.xlane v3, v0;
	_ =	sdelay $0x1  }
0xa9: {  	v4 =	vadd.s32 v1, v4;
	_ =	sdelay $0x4  }
0xaa: {  	[tilespmem:s9], [sflag:$0x1] =	stream.indirect_vreg.gather [hbm4b:s3+s2], $0x80, v4, vm0, $0xb8;
	[tilespmem:$0x10100] =	vst v63  }
0xab: {  	v3 =	vperm.xlane v3, v2  }
0xac: {  	[tilespmem:s10], [sflag:$0x1] =	stream.indirect_vreg.gather [hbm4b:s4+s2], $0x80, v4, vm0, $0xb8;
	[tilespmem:$0x10100] =	vst v63  }
0xad: {  	v3 =	vadd.s32 v1, v3  }
0xae: {  	[tilespmem:s11], [sflag:$0x1] =	stream.indirect_vreg.gather [hbm4b:s5+s2], $0x80, v4, vm0, $0xb8;
	[tilespmem:$0x10100] =	vst v63  }
0xaf: {  	_ = 	snop  }
0xb0: {  	[tilespmem:s12], [sflag:$0x1] =	stream.indirect_vreg.gather [hbm4b:s6+s2], $0x80, v4, vm0, $0xb8;
	[tilespmem:$0x10100] =	vst v63  }
0xb1: {  	_ = 	snop  }
0xb2: {  	[tilespmem:s13], [sflag:$0x1] =	stream.indirect_vreg.gather [hbm4b:s3+s2], $0x80, v3, vm0, $0xb8;
	[tilespmem:$0x10100] =	vst v63  }
0xb3: {  	_ = 	snop  }
0xb4: {  	[tilespmem:s14], [sflag:$0x1] =	stream.indirect_vreg.gather [hbm4b:s4+s2], $0x80, v3, vm0, $0xb8;
	[tilespmem:$0x10100] =	vst v63  }
0xb5: {  	_ = 	snop  }
0xb6: {  	[tilespmem:s15], [sflag:$0x1] =	stream.indirect_vreg.gather [hbm4b:s5+s2], $0x80, v3, vm0, $0xb8;
	[tilespmem:$0x10100] =	vst v63  }
0xb7: {  	s17 =	simm.s32 $0xB800  }
0xb8: {  	[tilespmem:s17], [sflag:$0x1] =	stream.indirect_vreg.gather [hbm4b:s6+s2], $0x80, v3, vm0, $0xb8;
	[tilespmem:$0x10100] =	vst v63  }
0xb9: {  	v3 =	vld [tilespmem:$0x100B0];
	_ =	sdelay $0x4  }
0xba: {  	v63 =	vshll.u32 v3, $0x3  }
0xbb: {  	v3 =	vand.u32 $0x7, v3;
	v4 =	vand.u32 $0xFFFFFFC0, v63  }
0xbc: {  	v3 =	vor.u32 v3, v4  }
0xbd: {  	v4 =	vperm.xlane v3, v0;
	_ =	sdelay $0x1  }
0xbe: {  	v4 =	vadd.s32 v1, v4;
	_ =	sdelay $0x3  }
0xbf: {  	s18 =	simm.s32 $0xC000  }
0xc0: {  	[tilespmem:s18], [sflag:$0x1] =	stream.indirect_vreg.gather [hbm4b:s3+s2], $0x80, v4, vm0, $0xb8;
	[tilespmem:$0x10100] =	vst v63  }
0xc1: {  	s17 =	simm.s32 $0xC800;
	v3 =	vperm.xlane v3, v2  }
0xc2: {  	[tilespmem:s17], [sflag:$0x1] =	stream.indirect_vreg.gather [hbm4b:s4+s2], $0x80, v4, vm0, $0xb8;
	[tilespmem:$0x10100] =	vst v63  }
0xc3: {  	v3 =	vadd.s32 v1, v3;
	s18 =	simm.s32 $0xD000  }
0xc4: {  	[tilespmem:s18], [sflag:$0x1] =	stream.indirect_vreg.gather [hbm4b:s5+s2], $0x80, v4, vm0, $0xb8;
	[tilespmem:$0x10100] =	vst v63  }
0xc5: {  	s17 =	simm.s32 $0xD800  }
0xc6: {  	[tilespmem:s17], [sflag:$0x1] =	stream.indirect_vreg.gather [hbm4b:s6+s2], $0x80, v4, vm0, $0xb8;
	[tilespmem:$0x10100] =	vst v63  }
0xc7: {  	s18 =	simm.s32 $0xE000  }
0xc8: {  	[tilespmem:s18], [sflag:$0x1] =	stream.indirect_vreg.gather [hbm4b:s3+s2], $0x80, v3, vm0, $0xb8;
	[tilespmem:$0x10100] =	vst v63  }
0xc9: {  	s17 =	simm.s32 $0xE800  }
0xca: {  	[tilespmem:s17], [sflag:$0x1] =	stream.indirect_vreg.gather [hbm4b:s4+s2], $0x80, v3, vm0, $0xb8;
	[tilespmem:$0x10100] =	vst v63  }
0xcb: {  	s18 =	simm.s32 $0xF000  }
0xcc: {  	[tilespmem:s18], [sflag:$0x1] =	stream.indirect_vreg.gather [hbm4b:s5+s2], $0x80, v3, vm0, $0xb8;
	[tilespmem:$0x10100] =	vst v63  }
0xcd: {  	s17 =	simm.s32 $0xF800  }
0xce: {  	[tilespmem:s17], [sflag:$0x1] =	stream.indirect_vreg.gather [hbm4b:s6+s2], $0x80, v3, vm0, $0xb8;
	[tilespmem:$0x10100] =	vst v63  }
0xcf: {  	_ =	swait.ge [sflag:s16], $0x10000  }
0xd0: {  	p0 =	sne.s32 s7, $0x1;
	[sflag:s16] =	ssyncset.done $0x0  }
.Ltmp0:
0xd1: {  	s18 =	rddreg [dreg:$0x5];
	[sflag:s16] =	ssyncadd.s32 $0xFFFF0000;
	(pc) =	sbr.rel @p0 .LBB2_1-.Ltmp0, $4  }
0xd2: {  	[hbm4b:s18+s2] =	stream.linear.scatter [tilespmem:s2], [sflag:$0x2], $0x10000, $0x38;
	[tilespmem:$0x10100] =	vst v63  }
0xd3: {  	_ =	swait.ge [sflag:s8], $0x10000  }
0xd4: {  	[sflag:s8] =	ssyncset.done $0x0  }
0xd5: {  	s7 =	sadd.s32 $0xFFFFFFFF, s7;
	[sflag:s8] =	ssyncadd.s32 $0xFFFF0000  }
0xd6: {  	_ =	sfence.sel $0x180000  }
0xd7: {  	[bflag:$0x0] =	sbarrier.arrive $0xFFFF  }
0xd8: {  	_ =	strace $0x9000004A  }
0xd9: {  	s0 =	stileid.u32;
	[bflag:$0x2] =	sbarrier.arrive $0xFFFF  }
0xda: {  	p0 =	sne.s32 s0, $0x0;
	s0 =	rddreg [dreg:$0x1]  }
0xdb: {  	s0 =	sadd.s32 @!p0 $0x100000, s0  }
0xdc: {  	[sflag:s0] =	ssyncadd.tile.s32 @!p0 $0x1;
	_ =	shalt  }
.Lfunc_end2:
_tile_overlayer_lowered:
.L_overlay_start_2:
0xdd: {  	(tag) =	ssettag $0x2  }
0xde: {  	s0 =	rddreg [dreg:$0x0];
	s2 =	stileid.u32  }
0xdf: {  	s1 =	rddreg [dreg:$0x1];
	p0 =	sne.s32 s2, $0x0  }
0xe0: {  	s3 =	rddreg [dreg:$0x2];
	[bflag:$0x3] =	sbarrier.arrive $0xFFFF;
	s2 =	simm.s32 @!p0 $0x1C02  }
0xe1: {  	[timem:s3], [sflag:s2] =	dma.local @!p0 [hbm:s0], s1  }
0xe2: {  	s0 =	simm.s32 @!p0 $0x2  }
0xe3: {  	_ =	swait.ge @!p0 [sflag:s0], s1  }
0xe4: {  	s1 =	ssub.s32 @!p0 $0x0, s1;
	[sflag:s0] =	ssyncset.done @!p0 $0x0  }
0xe5: {  	[sflag:s0] =	ssyncadd.s32 @!p0 s1  }
0xe6: {  	[bflag:$0x3] =	sbarrier.arrive $0xFFFF  }
0xe7: {  	_ =	shalt  }

// kernel: kernel.8.cloned.1.call-start
scs
__scs_entry_jumppad:
0x0: {  	(pc) =	sbr.rel $0x88, $3  }
0x1: {  	(tag) =	ssettag $0x0;
	lr =	simm.s32 $0x1  }
0x2: {  	[smem:$0x3F97] =	sst lr;
	_ =	strace $0xD0000000  }
0x3: {  	_ = 	snop  }
0x4: {  	_ = 	snop  }
0x5: {  	_ = 	snop  }
0x6: {  	_ = 	snop  }
0x7: {  	_ = 	snop  }
__scs_overlays_trampoline_lowered:
0x8: {  	[smem:$0x3FA6] =	sst s0  }
0x9: {  	[smem:$0x3FA7] =	sst s1  }
0xa: {  	[smem:$0x3FA8] =	sst s2  }
0xb: {  	[smem:$0x3FA9] =	sst s3  }
0xc: {  	[smem:$0x3FAA] =	sst s4  }
0xd: {  	[smem:$0x3FAB] =	sst s5  }
0xe: {  	[smem:$0x3FAC] =	sst s6  }
0xf: {  	[smem:$0x3FAD] =	sst s7  }
0x10: {  	[smem:$0x3FAE] =	sst s8  }
0x11: {  	[smem:$0x3FAF] =	sst s9;
	s0 =	simm.s32 @!p0 $0x0  }
0x12: {  	s1 =	sld [smem:$0x3F95];
	s0 =	simm.s32 @p0 $0x1  }
0x13: {  	[smem:$0x3FB0] =	sst s0;
	s0 =	simm.s32 @!p1 $0x0  }
0x14: {  	s2 =	sld [smem:$0x3F94];
	s0 =	simm.s32 @p1 $0x1  }
0x15: {  	[smem:$0x3FB1] =	sst s0;
	s0 =	simm.s32 @!p2 $0x0  }
0x16: {  	s3 =	sld [smem:$0x3FDB];
	s0 =	simm.s32 @p2 $0x1  }
0x17: {  	s4 =	simm.s32 $0x1BF5;
	[smem:$0x3FB3] =	sst s0  }
0x18: {  	s0 =	sld [smem:$0x3F96];
	_ =	swait.ge [sflag:s4], $0x0  }
0x19: {  	s7 =	sld [smem:$0x3F97]  }
0x1a: {  	s8 =	sadd.s32 $0xFFFFE003, lr  }
0x1b: {  	s9 =	sadd.s32 $0xFFFFFEF7, lr;
	s5 =	simm.s32 $0xFFFFFFFF;
	p2 =	slt.u32 s8, $0xFFFFF086  }
0x1c: {  	p1 =	slt.u32 s9, $0xF7A;
	s5 =	simm.s32 @!p2 $0x0  }
0x1d: {  	s5 =	simm.s32 @p1 $0x1;
	p0 =	seq.s32 s7, s2  }
0x1e: {  	s7 =	smul.u32 @!p0 $0xF7A, s2;
	p2 =	seq.s32 @!p0 s5, $0x0  }
0x1f: {  	s9 =	smul.u32 $0xF7A, s1;
	s8 =	simm.s32 @!p0 $0x1BF5;
	p2 =	por !p2, p0  }
0x20: {  	[sflag:s8] =	ssyncset.s32 @!p0 $0xFFFFF086;
	s6 =	sadd.s32 @!p0 s3, s7;
	s7 =	simm.s32 @!p0 $0x108  }
0x21: {  	s3 =	sadd.s32 s3, s9;
	s6 =	sadd.s32 @!p0 $0x88, s6;
	s7 =	simm.s32 @p2 $0x1082  }
0x22: {  	[simem:s7], [sflag:s8] =	dma.local @!p0 [hbm:s6], $0xF7A  }
0x23: {  	s9 =	sor.u32 $0xD0000000, s2;
	s6 =	simm.s32 $0x108;
	_ =	swait.ge @!p0 [sflag:s8], $0x0  }
0x24: {  	s3 =	sadd.s32 $0x88, s3;
	s6 =	simm.s32 @!p1 $0x1082;
	[sflag:s4] =	ssyncset.s32 $0xFFFFF086  }
0x25: {  	[simem:s6], [sflag:s4] =	dma.local [hbm:s3], $0xF7A  }
0x26: {  	[smem:$0x3F97] =	sst s1;
	(tag) =	ssettag s2;
	_ =	strace s9  }
0x27: {  	s1 =	sld [smem:$0x3FA7]  }
0x28: {  	s2 =	sld [smem:$0x3FA8]  }
0x29: {  	s4 =	sld [smem:$0x3FAA]  }
0x2a: {  	p0 =	seq.s32 s5, $0x0;
	s5 =	sld [smem:$0x3FAB]  }
0x2b: {  	s6 =	sld [smem:$0x3FAC]  }
0x2c: {  	s7 =	sld [smem:$0x3FAD]  }
0x2d: {  	s3 =	simm.s32 $0x108;
	s8 =	sld [smem:$0x3FAE]  }
0x2e: {  	s3 =	simm.s32 @!p0 $0x1082;
	s9 =	sld [smem:$0x3FAF]  }
0x2f: {  	lr =	sadd.s32 s0, s3;
	s0 =	sld [smem:$0x3FA6]  }
0x30: {  	s3 =	sld [smem:$0x3FA9]  }
0x31: {  	[smem:$0x3FB2] =	sst s10  }
0x32: {  	s10 =	sld [smem:$0x3FB0];
	_ =	sdelay $0x3  }
0x33: {  	p0 =	seq.s32 s10, $0x1;
	s10 =	sld [smem:$0x3FB2];
	_ =	sdelay $0x3  }
0x34: {  	[smem:$0x3FB2] =	sst s10  }
0x35: {  	s10 =	sld [smem:$0x3FB1];
	_ =	sdelay $0x3  }
0x36: {  	p1 =	seq.s32 s10, $0x1;
	s10 =	sld [smem:$0x3FB2];
	_ =	sdelay $0x3  }
0x37: {  	[smem:$0x3FB2] =	sst s10  }
0x38: {  	s10 =	sld [smem:$0x3FB3]  }
0x39: {  	_ = 	snop;
	(pc) =	sbr.ind lr, $3  }
0x3a: {  	_ = 	snop  }
0x3b: {  	_ = 	snop  }
0x3c: {  	p2 =	seq.s32 s10, $0x1;
	s10 =	sld [smem:$0x3FB2]  }
0x3d: {  	_ =	shalt  }
0x3e: {  	_ =	shalt  }
0x3f: {  	_ =	shalt  }
0x40: {  	_ =	shalt  }
0x41: {  	_ =	shalt  }
0x42: {  	_ =	shalt  }
0x43: {  	_ =	shalt  }
0x44: {  	_ =	shalt  }
0x45: {  	_ =	shalt  }
0x46: {  	_ =	shalt  }
0x47: {  	_ =	shalt  }
0x48: {  	_ =	shalt  }
0x49: {  	_ =	shalt  }
0x4a: {  	_ =	shalt  }
0x4b: {  	_ =	shalt  }
0x4c: {  	_ =	shalt  }
0x4d: {  	_ =	shalt  }
0x4e: {  	_ =	shalt  }
0x4f: {  	_ =	shalt  }
0x50: {  	_ =	shalt  }
0x51: {  	_ =	shalt  }
0x52: {  	_ =	shalt  }
0x53: {  	_ =	shalt  }
0x54: {  	_ =	shalt  }
0x55: {  	_ =	shalt  }
0x56: {  	_ =	shalt  }
0x57: {  	_ =	shalt  }
0x58: {  	_ =	shalt  }
0x59: {  	_ =	shalt  }
0x5a: {  	_ =	shalt  }
0x5b: {  	_ =	shalt  }
0x5c: {  	_ =	shalt  }
0x5d: {  	_ =	shalt  }
0x5e: {  	_ =	shalt  }
0x5f: {  	_ =	shalt  }
0x60: {  	_ =	shalt  }
0x61: {  	_ =	shalt  }
0x62: {  	_ =	shalt  }
0x63: {  	_ =	shalt  }
0x64: {  	_ =	shalt  }
0x65: {  	_ =	shalt  }
0x66: {  	_ =	shalt  }
0x67: {  	_ =	shalt  }
0x68: {  	_ =	shalt  }
0x69: {  	_ =	shalt  }
0x6a: {  	_ =	shalt  }
0x6b: {  	_ =	shalt  }
0x6c: {  	_ =	shalt  }
0x6d: {  	_ =	shalt  }
0x6e: {  	_ =	shalt  }
0x6f: {  	_ =	shalt  }
0x70: {  	_ =	shalt  }
0x71: {  	_ =	shalt  }
0x72: {  	_ =	shalt  }
0x73: {  	_ =	shalt  }
0x74: {  	_ =	shalt  }
0x75: {  	_ =	shalt  }
0x76: {  	_ =	shalt  }
0x77: {  	_ =	shalt  }
0x78: {  	_ =	shalt  }
0x79: {  	_ =	shalt  }
0x7a: {  	_ =	shalt  }
0x7b: {  	_ =	shalt  }
0x7c: {  	_ =	shalt  }
0x7d: {  	_ =	shalt  }
0x7e: {  	_ =	shalt  }
0x7f: {  	_ =	shalt  }
0x80: {  	_ =	shalt  }
0x81: {  	_ =	shalt  }
0x82: {  	_ =	shalt  }
0x83: {  	_ =	shalt  }
0x84: {  	_ =	shalt  }
0x85: {  	_ =	shalt  }
0x86: {  	_ =	shalt  }
0x87: {  	_ =	shalt  }
.Lfunc_end0:
.L_simem_size_0:
called_computation_lowered:
.L_overlay_start_0:
0x88: {  	s2 =	sld [smem:$0x3FD9]  }
0x89: {  	s3 =	sld [smem:$0x3FFE];
	_ =	sdelay $0x1  }
0x8a: {  	s1 =	srdreg.scid  }
0x8b: {  	s0 =	sand.u32 $0x1, s1  }
0x8c: {  	s16 =	sshll.u32 s0, $0xA;
	s2 =	sadd.s32 s3, s2  }
0x8d: {  	s2 =	sadd.s32 s2, s16  }
0x8e: {  	[smem:$0x3FBE] =	sst s2  }
0x8f: {  	_ = 	snop  }
0x90: {  	(tm) =	ssettm $0x1  }
0x91: {  	s17 =	sld [smem:$0x3FFB];
	_ =	sdelay $0x3  }
0x92: {  	_ =	strace s17  }
0x93: {  	s2 =	sld [smem:$0x3FFC];
	_ =	sdelay $0x3  }
0x94: {  	_ =	strace s2  }
0x95: {  	s2 =	sld [smem:$0x3FFD];
	_ =	sdelay $0x3  }
0x96: {  	_ =	strace s2  }
0x97: {  	_ =	strace $0x8FFFFFFF  }
0x98: {  	s18 =	sld [smem:$0x3FDB];
	_ =	sdelay $0x1  }
0x99: {  	s19 =	simm.s32 $_scs_section_size  }
0x9a: {  	s4 =	simm.s32 $_size__tile_overlayer_lowered;
	s5 =	simm.s32 $_tile_overlayer_lowered  }
0x9b: {  	s22 =	simm.s32 $0x1BFF;
	s21 =	sshll.u32 s5, $0x1;
	s2 =	sadd.s32 s19, s18  }
0x9c: {  	s6 =	simm.s32 $0x0;
	s20 =	sshll.u32 s4, $0x1;
	s4 =	sadd.s32 s21, s2  }
0x9d: {  	[timem:s6], [sflag:s22] =	dma.local [hbm:s4], s20  }
0x9e: {  	_ =	swait.ge [sflag:s22], s20  }
0x9f: {  	s3 =	ssub.s32 $0x0, s20;
	[sflag:s22] =	ssyncset.done $0x0  }
0xa0: {  	[sflag:s22] =	ssyncadd.s32 s3;
	_ =	sdelay $0x1  }
0xa1: {  	s23 =	simm.s32 $0x1B8B  }
0xa2: {  	_ =	swait.ge [sflag:s23], $0x1  }
0xa3: {  	[sflag:s23] =	ssyncset.done $0x0  }
0xa4: {  	s25 =	simm.s32 $0x1B8E;
	s24 =	sld [smem:$0x3FFE];
	[sflag:s23] =	ssyncadd.s32 $0xFFFFFFFF  }
0xa5: {  	s26 =	simm.s32 $execute0_lowered;
	[smem:$0x3FD2] =	sst s25  }
0xa6: {  	s4 =	sshll.u32 s26, $0x1;
	_ =	strace $0x80000046;
	[dreg:$0x1] =	wrdreg $0xFFFFFFFF  }
0xa7: {  	s28 =	simm.s32 $_size_execute0_lowered;
	s2 =	sadd.s32 s2, s4;
	[dreg:$0x0] =	wrdreg $0x0  }
0xa8: {  	s4 =	sshll.u32 s28, $0x1;
	[dreg:$0x2] =	wrdreg s2  }
0xa9: {  	[dreg:$0x3] =	wrdreg s4  }
0xaa: {  	[dreg:$0x4] =	wrdreg $0xC0  }
0xab: {  	_ =	task [dreg:s6], $0x5FFFF  }
0xac: {  	[dreg:$0x1] =	wrdreg $0xFFFFFFFF  }
0xad: {  	[dreg:$0x0] =	wrdreg $0x60  }
0xae: {  	[dreg:$0x2] =	wrdreg s24  }
0xaf: {  	[dreg:$0x3] =	wrdreg $0x9  }
0xb0: {  	_ =	task.clear_ibuf [dreg:s6], $0x4FFFF;
	_ =	strace $0x90000046  }
0xb1: {  	s29 =	simm.s32 $0x9;
	_ =	strace $0x80000048  }
0xb2: {  	_ =	swait.ge [sflag:s29], $0x1  }
0xb3: {  	[sflag:s29] =	ssyncadd.s32 $0xFFFFFFFF  }
0xb4: {  	_ =	strace $0x90000048  }
0xb5: {  	_ =	sfence  }
0xb6: {  	s30 =	sld [smem:$0x0];
	_ =	sdelay $0x2  }
0xb7: {  	s31 =	sshll.u32 s1, $0xD;
	s1 =	sshrl.u32 s1, $0x2  }
0xb8: {  	s3 =	sand.u32 $0x4000, s31;
	s1 =	sadd.s32 s1, s30  }
0xb9: {  	s0 =	sor.u32 s3, s0;
	s1 =	sshll.u32 s1, $0x11  }
0xba: {  	s0 =	sor.u32 s1, s0  }
0xbb: {  	s0 =	sadd.s32 $0x8F2B, s0  }
0xbc: {  	[sflag:s0] =	ssyncadd.remote.s32 $0x1  }
0xbd: {  	_ =	sfence.sel $0xFFFF  }
0xbe: {  	[dreg:$0x0] =	wrdreg $0xFFFFFFFF;
	(pc) =	sbr.abs _section_cstart, $3  }
0xbf: {  	[dreg:$0x1] =	wrdreg $0xFFFFFFFF  }
0xc0: {  	_ =	task.clear_ibuf [dreg:s6], $0x2FFFF;
	_ =	strace $0x9FFFFFFF  }
0xc1: {  	(tm) =	ssettm $0x7FFFFFFF  }
tec
execute0_lowered:
.L_overlay_start_1:
0x0: {  	(tag) =	ssettag $0x1  }
0x1: {  	s7 =	rddreg [dreg:$0x0];
	s2 =	srdreg.scid  }
0x2: {  	s0 =	rddreg [dreg:$0x1];
	s1 =	stileid.u32  }
0x3: {  	s10 =	simm.s32 $0x2;
	s11 =	simm.s32 $0x8080;
	s12 =	simm.s32 $0x800  }
0x4: {  	s13 =	simm.s32 $0x1000;
	s14 =	simm.s32 $0x1800;
	s15 =	simm.s32 $0x2000  }
0x5: {  	s16 =	simm.s32 $0x2800;
	s17 =	simm.s32 $0x3000;
	s18 =	simm.s32 $0x3800  }
0x6: {  	s19 =	simm.s32 $0x4000;
	s20 =	simm.s32 $0x4800;
	s21 =	simm.s32 $0x5000  }
0x7: {  	s22 =	simm.s32 $0x5800;
	s23 =	simm.s32 $0x6000;
	s24 =	simm.s32 $0x6800  }
0x8: {  	s25 =	simm.s32 $0x7000;
	s26 =	simm.s32 $0x7800;
	s28 =	simm.s32 $0x1  }
0x9: {  	s3 =	sand.u32 $0x1, s2;
	s2 =	simm.s32 $0x0;
	s4 =	sshll.u32 s1, $0x7  }
0xa: {  	s5 =	sshll.u32 s3, $0x6;
	[smem:$0x7FF] =	sst s2;
	s6 =	ssub.s32 $0x2, s3  }
0xb: {  	s3 =	sadd.s32 $0x2A800, s7;
	s4 =	sor.u32 s5, s4;
	_ =	strace $0x80000047  }
0xc: {  	s30 =	sshrl.u32 s6, $0x1;
	s5 =	sshll.u32 s4, $0x6;
	s29 =	sshrl.u32 s4, $0x3  }
0xd: {  	v2 =	vlaneseq.u32;
	s9 =	ssub.s32 s6, s30;
	s8 =	sadd.s32 s5, s7;
	s31 =	sadd.s32 s29, s7  }
0xe: {  	vm0 =	vmmov $0xffff;
	v1 =	vshrl.u32 v2, $0x3;
	s7 =	sadd.s32 $0x2A900, s7;
	s4 =	sadd.s32 $0x2A400, s31;
	s5 =	sadd.s32 $0x2A600, s31  }
0xf: {  	v0 =	vand.u32 $0x7, v2;
	v2 =	vor.u32 $0x8, v2;
	v1 =	vmul.u32 $0x8, v1;
	s6 =	sadd.s32 $0x2400, s8;
	s8 =	smax.u32 s9, $0x1;
	s9 =	simm.s32 $0x8000  }
.LBB2_1:
0x10: {  	[tilespmem:s9], [sflag:$0x2] =	stream.linear.gather [hbm4b:s4+s2], $0x40, $0x38;
	[tilespmem:$0x8100] =	vst v63  }
0x11: {  	_ =	swait.ge [sflag:s10], $0x40  }
0x12: {  	[sflag:s10] =	ssyncset.done $0x0  }
0x13: {  	[sflag:s10] =	ssyncadd.s32 $0xFFFFFFC0  }
0x14: {  	[tilespmem:s11], [sflag:$0x2] =	stream.linear.gather [hbm4b:s5+s2], $0x40, $0x38;
	[tilespmem:$0x8100] =	vst v63  }
0x15: {  	_ =	swait.ge [sflag:s10], $0x40  }
0x16: {  	[sflag:s10] =	ssyncset.done $0x0  }
0x17: {  	[sflag:s10] =	ssyncadd.s32 $0xFFFFFFC0  }
0x18: {  	[tilespmem:s2], [sflag:$0x2] =	stream.linear.gather [hbm4b:s6+s2], $0x8000, $0x38;
	[tilespmem:$0x8100] =	vst v63  }
0x19: {  	_ =	swait.ge [sflag:s10], $0x8000  }
0x1a: {  	[sflag:s10] =	ssyncset.done $0x0  }
0x1b: {  	[sflag:s10] =	ssyncadd.s32 $0xFFFF8000  }
0x1c: {  	v3 =	vld [tilespmem:$0x8000];
	_ =	sdelay $0x4  }
0x1d: {  	v4 =	vshll.u32 v3, $0x2  }
0x1e: {  	v3 =	vand.u32 $0x7, v3;
	v4 =	vand.u32 $0xFFFFFFE0, v4  }
0x1f: {  	v3 =	vor.u32 v3, v4  }
0x20: {  	v4 =	vperm.xlane v3, v0;
	_ =	sdelay $0x1  }
0x21: {  	v4 =	vadd.s32 v1, v4;
	_ =	sdelay $0x1  }
0x22: {  	v3 =	vperm.xlane v3, v2;
	_ =	sdelay $0x1  }
0x23: {  	v3 =	vadd.s32 v1, v3  }
0x24: {  	[hbm4b:s3+s2] =	stream.indirect_vreg.scatter [tilespmem:s2], [sflag:$0x1], $0x80, v4, vm0, $0xb8;
	[tilespmem:$0x8100] =	vst v63  }
0x25: {  	_ = 	snop  }
0x26: {  	[hbm4b:s7+s2] =	stream.indirect_vreg.scatter [tilespmem:s12], [sflag:$0x1], $0x80, v4, vm0, $0xb8;
	[tilespmem:$0x8100] =	vst v63  }
0x27: {  	_ = 	snop  }
0x28: {  	[hbm4b:s3+s2] =	stream.indirect_vreg.scatter [tilespmem:s13], [sflag:$0x1], $0x80, v3, vm0, $0xb8;
	[tilespmem:$0x8100] =	vst v63  }
0x29: {  	_ = 	snop  }
0x2a: {  	[hbm4b:s7+s2] =	stream.indirect_vreg.scatter [tilespmem:s14], [sflag:$0x1], $0x80, v3, vm0, $0xb8;
	[tilespmem:$0x8100] =	vst v63  }
0x2b: {  	v3 =	vld [tilespmem:$0x8010];
	_ =	sdelay $0x4  }
0x2c: {  	v57 =	vshll.u32 v3, $0x2  }
0x2d: {  	v3 =	vand.u32 $0x7, v3;
	v4 =	vand.u32 $0xFFFFFFE0, v57  }
0x2e: {  	v3 =	vor.u32 v3, v4  }
0x2f: {  	v4 =	vperm.xlane v3, v0;
	_ =	sdelay $0x1  }
0x30: {  	v4 =	vadd.s32 v1, v4;
	_ =	sdelay $0x1  }
0x31: {  	v3 =	vperm.xlane v3, v2;
	_ =	sdelay $0x1  }
0x32: {  	v3 =	vadd.s32 v1, v3  }
0x33: {  	[hbm4b:s3+s2] =	stream.indirect_vreg.scatter [tilespmem:s15], [sflag:$0x1], $0x80, v4, vm0, $0xb8;
	[tilespmem:$0x8100] =	vst v63  }
0x34: {  	_ = 	snop  }
0x35: {  	[hbm4b:s7+s2] =	stream.indirect_vreg.scatter [tilespmem:s16], [sflag:$0x1], $0x80, v4, vm0, $0xb8;
	[tilespmem:$0x8100] =	vst v63  }
0x36: {  	_ = 	snop  }
0x37: {  	[hbm4b:s3+s2] =	stream.indirect_vreg.scatter [tilespmem:s17], [sflag:$0x1], $0x80, v3, vm0, $0xb8;
	[tilespmem:$0x8100] =	vst v63  }
0x38: {  	_ = 	snop  }
0x39: {  	[hbm4b:s7+s2] =	stream.indirect_vreg.scatter [tilespmem:s18], [sflag:$0x1], $0x80, v3, vm0, $0xb8;
	[tilespmem:$0x8100] =	vst v63  }
0x3a: {  	v3 =	vld [tilespmem:$0x8020];
	_ =	sdelay $0x4  }
0x3b: {  	v58 =	vshll.u32 v3, $0x2  }
0x3c: {  	v3 =	vand.u32 $0x7, v3;
	v4 =	vand.u32 $0xFFFFFFE0, v58  }
0x3d: {  	v3 =	vor.u32 v3, v4  }
0x3e: {  	v4 =	vperm.xlane v3, v0;
	_ =	sdelay $0x1  }
0x3f: {  	v4 =	vadd.s32 v1, v4;
	_ =	sdelay $0x1  }
0x40: {  	v3 =	vperm.xlane v3, v2;
	_ =	sdelay $0x1  }
0x41: {  	v3 =	vadd.s32 v1, v3  }
0x42: {  	[hbm4b:s3+s2] =	stream.indirect_vreg.scatter [tilespmem:s19], [sflag:$0x1], $0x80, v4, vm0, $0xb8;
	[tilespmem:$0x8100] =	vst v63  }
0x43: {  	_ = 	snop  }
0x44: {  	[hbm4b:s7+s2] =	stream.indirect_vreg.scatter [tilespmem:s20], [sflag:$0x1], $0x80, v4, vm0, $0xb8;
	[tilespmem:$0x8100] =	vst v63  }
0x45: {  	_ = 	snop  }
0x46: {  	[hbm4b:s3+s2] =	stream.indirect_vreg.scatter [tilespmem:s21], [sflag:$0x1], $0x80, v3, vm0, $0xb8;
	[tilespmem:$0x8100] =	vst v63  }
0x47: {  	_ = 	snop  }
0x48: {  	[hbm4b:s7+s2] =	stream.indirect_vreg.scatter [tilespmem:s22], [sflag:$0x1], $0x80, v3, vm0, $0xb8;
	[tilespmem:$0x8100] =	vst v63  }
0x49: {  	v3 =	vld [tilespmem:$0x8030];
	_ =	sdelay $0x4  }
0x4a: {  	v59 =	vshll.u32 v3, $0x2  }
0x4b: {  	v3 =	vand.u32 $0x7, v3;
	v4 =	vand.u32 $0xFFFFFFE0, v59  }
0x4c: {  	v3 =	vor.u32 v3, v4  }
0x4d: {  	v4 =	vperm.xlane v3, v0;
	_ =	sdelay $0x1  }
0x4e: {  	v4 =	vadd.s32 v1, v4;
	_ =	sdelay $0x1  }
0x4f: {  	v3 =	vperm.xlane v3, v2;
	_ =	sdelay $0x1  }
0x50: {  	v3 =	vadd.s32 v1, v3  }
0x51: {  	[hbm4b:s3+s2] =	stream.indirect_vreg.scatter [tilespmem:s23], [sflag:$0x1], $0x80, v4, vm0, $0xb8;
	[tilespmem:$0x8100] =	vst v63  }
0x52: {  	_ = 	snop  }
0x53: {  	[hbm4b:s7+s2] =	stream.indirect_vreg.scatter [tilespmem:s24], [sflag:$0x1], $0x80, v4, vm0, $0xb8;
	[tilespmem:$0x8100] =	vst v63  }
0x54: {  	_ = 	snop  }
0x55: {  	[hbm4b:s3+s2] =	stream.indirect_vreg.scatter [tilespmem:s25], [sflag:$0x1], $0x80, v3, vm0, $0xb8;
	[tilespmem:$0x8100] =	vst v63  }
0x56: {  	_ = 	snop  }
0x57: {  	[hbm4b:s7+s2] =	stream.indirect_vreg.scatter [tilespmem:s26], [sflag:$0x1], $0x80, v3, vm0, $0xb8;
	[tilespmem:$0x8100] =	vst v63  }
0x58: {  	v3 =	vld [tilespmem:$0x8080];
	_ =	sdelay $0x4  }
0x59: {  	v60 =	vshll.u32 v3, $0x2  }
0x5a: {  	v3 =	vand.u32 $0x7, v3;
	v4 =	vand.u32 $0xFFFFFFE0, v60  }
0x5b: {  	v3 =	vor.u32 v3, v4  }
0x5c: {  	v4 =	vperm.xlane v3, v0;
	_ =	sdelay $0x1  }
0x5d: {  	v4 =	vadd.s32 v1, v4;
	_ =	sdelay $0x1  }
0x5e: {  	v3 =	vperm.xlane v3, v2;
	_ =	sdelay $0x1  }
0x5f: {  	v3 =	vadd.s32 v1, v3  }
0x60: {  	[hbm4b:s3+s2] =	stream.indirect_vreg.scatter [tilespmem:s2], [sflag:$0x1], $0x80, v4, vm0, $0xb8;
	[tilespmem:$0x8100] =	vst v63  }
0x61: {  	_ = 	snop  }
0x62: {  	[hbm4b:s7+s2] =	stream.indirect_vreg.scatter [tilespmem:s12], [sflag:$0x1], $0x80, v4, vm0, $0xb8;
	[tilespmem:$0x8100] =	vst v63  }
0x63: {  	_ = 	snop  }
0x64: {  	[hbm4b:s3+s2] =	stream.indirect_vreg.scatter [tilespmem:s13], [sflag:$0x1], $0x80, v3, vm0, $0xb8;
	[tilespmem:$0x8100] =	vst v63  }
0x65: {  	_ = 	snop  }
0x66: {  	[hbm4b:s7+s2] =	stream.indirect_vreg.scatter [tilespmem:s14], [sflag:$0x1], $0x80, v3, vm0, $0xb8;
	[tilespmem:$0x8100] =	vst v63  }
0x67: {  	v3 =	vld [tilespmem:$0x8090];
	_ =	sdelay $0x4  }
0x68: {  	v61 =	vshll.u32 v3, $0x2  }
0x69: {  	v3 =	vand.u32 $0x7, v3;
	v4 =	vand.u32 $0xFFFFFFE0, v61  }
0x6a: {  	v3 =	vor.u32 v3, v4  }
0x6b: {  	v4 =	vperm.xlane v3, v0;
	_ =	sdelay $0x1  }
0x6c: {  	v4 =	vadd.s32 v1, v4;
	_ =	sdelay $0x1  }
0x6d: {  	v3 =	vperm.xlane v3, v2;
	_ =	sdelay $0x1  }
0x6e: {  	v3 =	vadd.s32 v1, v3  }
0x6f: {  	[hbm4b:s3+s2] =	stream.indirect_vreg.scatter [tilespmem:s15], [sflag:$0x1], $0x80, v4, vm0, $0xb8;
	[tilespmem:$0x8100] =	vst v63  }
0x70: {  	_ = 	snop  }
0x71: {  	[hbm4b:s7+s2] =	stream.indirect_vreg.scatter [tilespmem:s16], [sflag:$0x1], $0x80, v4, vm0, $0xb8;
	[tilespmem:$0x8100] =	vst v63  }
0x72: {  	_ = 	snop  }
0x73: {  	[hbm4b:s3+s2] =	stream.indirect_vreg.scatter [tilespmem:s17], [sflag:$0x1], $0x80, v3, vm0, $0xb8;
	[tilespmem:$0x8100] =	vst v63  }
0x74: {  	_ = 	snop  }
0x75: {  	[hbm4b:s7+s2] =	stream.indirect_vreg.scatter [tilespmem:s18], [sflag:$0x1], $0x80, v3, vm0, $0xb8;
	[tilespmem:$0x8100] =	vst v63  }
0x76: {  	v3 =	vld [tilespmem:$0x80A0];
	_ =	sdelay $0x4  }
0x77: {  	v62 =	vshll.u32 v3, $0x2  }
0x78: {  	v3 =	vand.u32 $0x7, v3;
	v4 =	vand.u32 $0xFFFFFFE0, v62  }
0x79: {  	v3 =	vor.u32 v3, v4  }
0x7a: {  	v4 =	vperm.xlane v3, v0;
	_ =	sdelay $0x1  }
0x7b: {  	v4 =	vadd.s32 v1, v4;
	_ =	sdelay $0x1  }
0x7c: {  	v3 =	vperm.xlane v3, v2;
	_ =	sdelay $0x1  }
0x7d: {  	v3 =	vadd.s32 v1, v3  }
0x7e: {  	[hbm4b:s3+s2] =	stream.indirect_vreg.scatter [tilespmem:s19], [sflag:$0x1], $0x80, v4, vm0, $0xb8;
	[tilespmem:$0x8100] =	vst v63  }
0x7f: {  	_ = 	snop  }
0x80: {  	[hbm4b:s7+s2] =	stream.indirect_vreg.scatter [tilespmem:s20], [sflag:$0x1], $0x80, v4, vm0, $0xb8;
	[tilespmem:$0x8100] =	vst v63  }
0x81: {  	_ = 	snop  }
0x82: {  	[hbm4b:s3+s2] =	stream.indirect_vreg.scatter [tilespmem:s21], [sflag:$0x1], $0x80, v3, vm0, $0xb8;
	[tilespmem:$0x8100] =	vst v63  }
0x83: {  	_ = 	snop  }
0x84: {  	[hbm4b:s7+s2] =	stream.indirect_vreg.scatter [tilespmem:s22], [sflag:$0x1], $0x80, v3, vm0, $0xb8;
	[tilespmem:$0x8100] =	vst v63  }
0x85: {  	v3 =	vld [tilespmem:$0x80B0];
	_ =	sdelay $0x4  }
0x86: {  	v63 =	vshll.u32 v3, $0x2  }
0x87: {  	v3 =	vand.u32 $0x7, v3;
	v4 =	vand.u32 $0xFFFFFFE0, v63  }
0x88: {  	v3 =	vor.u32 v3, v4  }
0x89: {  	v4 =	vperm.xlane v3, v0;
	_ =	sdelay $0x1  }
0x8a: {  	v4 =	vadd.s32 v1, v4;
	_ =	sdelay $0x1  }
0x8b: {  	v3 =	vperm.xlane v3, v2;
	_ =	sdelay $0x1  }
0x8c: {  	v3 =	vadd.s32 v1, v3  }
0x8d: {  	[hbm4b:s3+s2] =	stream.indirect_vreg.scatter [tilespmem:s23], [sflag:$0x1], $0x80, v4, vm0, $0xb8;
	[tilespmem:$0x8100] =	vst v63  }
0x8e: {  	_ = 	snop  }
0x8f: {  	[hbm4b:s7+s2] =	stream.indirect_vreg.scatter [tilespmem:s24], [sflag:$0x1], $0x80, v4, vm0, $0xb8;
	[tilespmem:$0x8100] =	vst v63  }
0x90: {  	_ = 	snop  }
0x91: {  	[hbm4b:s3+s2] =	stream.indirect_vreg.scatter [tilespmem:s25], [sflag:$0x1], $0x80, v3, vm0, $0xb8;
	[tilespmem:$0x8100] =	vst v63  }
0x92: {  	_ = 	snop  }
0x93: {  	[hbm4b:s7+s2] =	stream.indirect_vreg.scatter [tilespmem:s26], [sflag:$0x1], $0x80, v3, vm0, $0xb8;
	[tilespmem:$0x8100] =	vst v63  }
0x94: {  	p0 =	sne.s32 s8, $0x1;
	_ =	swait.ge [sflag:s28], $0x8000  }
.Ltmp0:
0x95: {  	[sflag:s28] =	ssyncset.done $0x0;
	(pc) =	sbr.rel @p0 .LBB2_1-.Ltmp0, $4  }
0x96: {  	[sflag:s28] =	ssyncadd.s32 $0xFFFF8000  }
0x97: {  	_ =	swait.ge [sflag:s28], $0x8000  }
0x98: {  	[sflag:s28] =	ssyncset.done $0x0  }
0x99: {  	s8 =	sadd.s32 $0xFFFFFFFF, s8;
	[sflag:s28] =	ssyncadd.s32 $0xFFFF8000  }
0x9a: {  	_ =	sfence.sel $0x180000  }
0x9b: {  	[bflag:$0x0] =	sbarrier.arrive $0xFFFF  }
0x9c: {  	p0 =	sne.s32 s1, $0x0;
	_ =	strace $0x90000047  }
0x9d: {  	s0 =	sadd.s32 @!p0 $0x100000, s0;
	[bflag:$0x2] =	sbarrier.arrive $0xFFFF  }
0x9e: {  	[sflag:s0] =	ssyncadd.tile.s32 @!p0 $0x1;
	_ =	shalt  }
.Lfunc_end2:
_tile_overlayer_lowered:
.L_overlay_start_2:
0x9f: {  	(tag) =	ssettag $0x2  }
0xa0: {  	s0 =	rddreg [dreg:$0x0];
	s2 =	stileid.u32  }
0xa1: {  	s1 =	rddreg [dreg:$0x1];
	p0 =	sne.s32 s2, $0x0  }
0xa2: {  	s3 =	rddreg [dreg:$0x2];
	[bflag:$0x3] =	sbarrier.arrive $0xFFFF;
	s2 =	simm.s32 @!p0 $0x1C02  }
0xa3: {  	[timem:s3], [sflag:s2] =	dma.local @!p0 [hbm:s0], s1  }
0xa4: {  	s0 =	simm.s32 @!p0 $0x2  }
0xa5: {  	_ =	swait.ge @!p0 [sflag:s0], s1  }
0xa6: {  	s1 =	ssub.s32 @!p0 $0x0, s1;
	[sflag:s0] =	ssyncset.done @!p0 $0x0  }
0xa7: {  	[sflag:s0] =	ssyncadd.s32 @!p0 s1  }
0xa8: {  	[bflag:$0x3] =	sbarrier.arrive $0xFFFF  }
0xa9: {  	_ =	shalt  }

</sc_bundles>
